<compile_context>
chip_gen: v7x
topology: tpu7x:2x2x1
jax: 0.10.2.dev20260603
libtpu: 0.0.44.dev20260713+nightly
codegen_flags: <defaults>
</compile_context>

<pallas_src>
import functools

import jax
import jax.numpy as jnp
from jax import lax
from jax.experimental import pallas as pl
from jax.experimental.pallas import tpu as pltpu
from jax.experimental.pallas import tpu_sc as plsc

TOPK = 8
NUM_EXPERTS = 64
BR = 1024
N_ROWS = 32768
NC, NS, L = 2, 16, 16
NW = NC * NS
RPW = (N_ROWS // 2) // NW


def _mm_block(x_ref, wt_ref, b_ref, o_ref):
    xb = x_ref[...]
    wt = wt_ref[...]
    logits = jax.lax.dot_general(
        xb, wt, dimension_numbers=(((1,), (0,)), ((), ())),
        preferred_element_type=jnp.float32,
    )
    o_ref[...] = logits + b_ref[...]


N_CHUNKS = 2
CHUNK_ROWS = N_ROWS // N_CHUNKS


def _gate_logits(x, wt, b2, chunk):
    n_rows, d = x.shape
    blk0 = chunk * (CHUNK_ROWS // BR)
    return pl.pallas_call(
        _mm_block,
        grid=(CHUNK_ROWS // BR,),
        in_specs=[
            pl.BlockSpec((BR, d), lambda i: (i + blk0, 0)),
            pl.BlockSpec((d, NUM_EXPERTS), lambda i: (0, 0)),
            pl.BlockSpec((1, NUM_EXPERTS), lambda i: (0, 0)),
        ],
        out_specs=pl.BlockSpec((BR, NUM_EXPERTS), lambda i: (i, 0)),
        out_shape=jax.ShapeDtypeStruct((CHUNK_ROWS, NUM_EXPERTS), jnp.float32),
    )(x, wt, b2)


def _halver(ak, av, bk, bv):
    take_a = ak >= bk
    mk = jnp.where(take_a, ak, bk)
    mv = jnp.where(take_a, av, bv)
    return mk, mv


CH = 256


def _topk_body(logits_hbm, w_hbm, i_hbm, slab, wq, iq):
    wid = lax.axis_index("s") * NC + lax.axis_index("c")
    base = wid * RPW

    iota = lax.iota(jnp.int32, L)
    lane_lt8 = iota < TOPK
    idx_c = [iota + L * c for c in range(4)]
    zeros16 = jnp.zeros((L,), jnp.int32)
    fold4 = iota ^ 4
    fold2 = iota ^ 2
    fold1 = iota ^ 1

    UNROLL = 4

    def one_row(r):
        ks = [slab[r, pl.ds(L * c, L)] for c in range(4)]
        s0 = plsc.sort_key_val(ks[0], idx_c[0], descending=True)
        s1 = plsc.sort_key_val(ks[1], idx_c[1], descending=False)
        s2 = plsc.sort_key_val(ks[2], idx_c[2], descending=True)
        s3 = plsc.sort_key_val(ks[3], idx_c[3], descending=False)
        c01 = _halver(s0[0], s0[1], s1[0], s1[1])
        c23 = _halver(s2[0], s2[1], s3[0], s3[1])
        m01 = plsc.sort_key_val(c01[0], c01[1], descending=True)
        m23 = plsc.sort_key_val(c23[0], c23[1], descending=False)
        cf = _halver(m01[0], m01[1], m23[0], m23[1])
        fk, fv = plsc.sort_key_val(cf[0], cf[1], descending=True)

        m = jnp.max(fk)
        e = jnp.exp(fk - m)
        e = jnp.where(lane_lt8, e, jnp.float32(0.0))
        s = jnp.sum(e)
        w = e / s

        row_vec = jnp.full((L,), r, jnp.int32)
        plsc.store_scatter(wq, [row_vec, iota], w, mask=lane_lt8)
        plsc.store_scatter(iq, [row_vec, iota], fv, mask=lane_lt8)

    for ch in range(RPW // CH):
        cbase = base + ch * CH
        pltpu.sync_copy(logits_hbm.at[pl.ds(cbase, CH)], slab)

        @plsc.parallel_loop(0, CH, step=1, unroll=UNROLL)
        def _(r):
            one_row(r)

        pltpu.sync_copy(wq, w_hbm.at[pl.ds(cbase, CH)])
        pltpu.sync_copy(iq, i_hbm.at[pl.ds(cbase, CH)])


_topk_sc = functools.partial(
    pl.kernel,
    out_type=(
        jax.ShapeDtypeStruct((N_ROWS // 2, TOPK), jnp.float32),
        jax.ShapeDtypeStruct((N_ROWS // 2, TOPK), jnp.int32),
    ),
    mesh=plsc.VectorSubcoreMesh(core_axis_name="c", subcore_axis_name="s"),
    scratch_types=[
        pltpu.VMEM((CH, NUM_EXPERTS), jnp.float32),
        pltpu.VMEM((CH, TOPK), jnp.float32),
        pltpu.VMEM((CH, TOPK), jnp.int32),
    ],
    compiler_params=pltpu.CompilerParams(needs_layout_passes=False),
)(_topk_body)


def kernel(x, W, b):
    wt = W.T
    b2 = b.reshape(1, NUM_EXPERTS)
    l0 = _gate_logits(x, wt, b2, 0)
    l1 = _gate_logits(x, wt, b2, 1)
    w0, i0 = _topk_sc(l0)
    w1, i1 = _topk_sc(l1)
    return (jnp.concatenate([w0, w1], axis=0),
            jnp.concatenate([i0, i1], axis=0))

# --- scband reference (transcript-rebuilt; emitter-appended) ---
"""Pipeline reference for scband-top-krouter-62156766708384 (READ-ONLY COPY).

The authoritative reference and input builder live on the scoring server;
editing this copy changes nothing except your own understanding.
"""

import jax, jax.numpy as jnp
import numpy as np

TOP_K = 8

def setup_inputs(seed: int = 0) -> dict:
    key = jax.random.key(seed)
    k1, k2, k3 = jax.random.split(key, 3)
    x = jax.random.normal(k1, (32768, 4096), dtype=jnp.float32)
    # nn.Linear(input_dim=4096, num_experts=64): W [64, 4096], b [64]
    bound = 1.0 / np.sqrt(4096)
    W = jax.random.uniform(k2, (64, 4096), dtype=jnp.float32, minval=-bound, maxval=bound)
    b = jax.random.uniform(k3, (64,), dtype=jnp.float32, minval=-bound, maxval=bound)
    return {"x": x, "W": W, "b": b}

def reference(x, W, b):
    # logits = self.gate(x)
    logits = x @ W.T + b
    # top_k_logits, indices = logits.topk(self.top_k, dim=-1)
    top_vals, indices = jax.lax.top_k(logits, TOP_K)
    # routing_weights = F.softmax(top_k_logits, dim=-1)
    routing_weights = jax.nn.softmax(top_vals, axis=-1)
    return (routing_weights, indices)

if __name__ == "__main__":
    import jax
    _d = setup_inputs()
    print(jax.jit(kernel)(*tuple(_d.values())))

</pallas_src>

<mosaic_0001>
#map = affine_map<(d0, d1) -> (0, 0)>
module attributes {stable_mosaic.version = 14 : i64} {
  func.func @_topk_body(%arg0: i32, %arg1: i32, %arg2: memref<16384x64xf32, #tpu.memory_space<hbm>>, %arg3: memref<16384x8xf32, #tpu.memory_space<hbm>>, %arg4: memref<16384x8xi32, #tpu.memory_space<hbm>>, %arg5: memref<256x64xf32, #tpu.memory_space<vmem>>, %arg6: memref<256x8xf32, #tpu.memory_space<vmem>>, %arg7: memref<256x8xi32, #tpu.memory_space<vmem>>) attributes {dimension_semantics = [#tpu.dimension_semantics<core_parallel>, #tpu.dimension_semantics<subcore_parallel>], iteration_bounds = array<i64: 2, 16>, scalar_prefetch = 0 : i64, scratch_operands = 3 : i64, tpu.core_type = #tpu.core_type<sc_vector_subcore>, window_params = [{transform_indices = #map}, {transform_indices = #map}, {transform_indices = #map}]} {
    %mul3A = arith.constant 2 : i32
    %mul3A_0 = arith.muli %arg1, %mul3A : i32
    %add3A = arith.addi %mul3A_0, %arg0 : i32
    %mul3A_1 = arith.constant 512 : i32
    %mul3A_2 = arith.muli %add3A, %mul3A_1 : i32
    %iota3A = tpu.iota {dimensions = array<i32: 0>} : vector<16xi32>
    %lt3A = arith.constant 8 : i32
    %lt3A_3 = vector.broadcast %lt3A : i32 to vector<16xi32>
    %lt3A_4 = arith.cmpi slt, %iota3A, %lt3A_3 : vector<16xi32>
    %add3A_5 = arith.constant 0 : i32
    %add3A_6 = vector.broadcast %add3A_5 : i32 to vector<16xi32>
    %add3A_7 = arith.addi %iota3A, %add3A_6 : vector<16xi32>
    %add3A_8 = arith.constant 16 : i32
    %add3A_9 = vector.broadcast %add3A_8 : i32 to vector<16xi32>
    %add3A_10 = arith.addi %iota3A, %add3A_9 : vector<16xi32>
    %add3A_11 = arith.constant 32 : i32
    %add3A_12 = vector.broadcast %add3A_11 : i32 to vector<16xi32>
    %add3A_13 = arith.addi %iota3A, %add3A_12 : vector<16xi32>
    %add3A_14 = arith.constant 48 : i32
    %add3A_15 = vector.broadcast %add3A_14 : i32 to vector<16xi32>
    %add3A_16 = arith.addi %iota3A, %add3A_15 : vector<16xi32>
    %broadcast_in_dim3A = arith.constant 0 : i32
    %broadcast_in_dim3A_17 = vector.broadcast %broadcast_in_dim3A : i32 to vector<16xi32>
    %xor3A = arith.constant 4 : i32
    %xor3A_18 = vector.broadcast %xor3A : i32 to vector<16xi32>
    %xor3A_19 = arith.xori %iota3A, %xor3A_18 : vector<16xi32>
    %xor3A_20 = arith.constant 2 : i32
    %xor3A_21 = vector.broadcast %xor3A_20 : i32 to vector<16xi32>
    %xor3A_22 = arith.xori %iota3A, %xor3A_21 : vector<16xi32>
    %xor3A_23 = arith.constant 1 : i32
    %xor3A_24 = vector.broadcast %xor3A_23 : i32 to vector<16xi32>
    %xor3A_25 = arith.xori %iota3A, %xor3A_24 : vector<16xi32>
    %add3A_26 = arith.constant 0 : i32
    %add3A_27 = arith.addi %mul3A_2, %add3A_26 : i32
    "tpu.region"() ({
      %run_scoped3A = tpu.sem_alloc : memref<!tpu.dma_semaphore, #tpu.memory_space<semaphore_mem>>
      %dma_start3A = arith.constant 0 : i32
      %dma_start3A_35 = tpu.memref_slice %arg2[%add3A_27, %dma_start3A] : memref<16384x64xf32, #tpu.memory_space<hbm>> -> memref<256x64xf32, #tpu.memory_space<hbm>>
      %dma_start3A_36 = arith.constant 0 : i32
      %dma_start3A_37 = tpu.memref_slice %arg2[%add3A_27, %dma_start3A_36] : memref<16384x64xf32, #tpu.memory_space<hbm>> -> memref<256x64xf32, #tpu.memory_space<hbm>>
      tpu.enqueue_dma source(%dma_start3A_37 : memref<256x64xf32, #tpu.memory_space<hbm>>) target(%arg5 : memref<256x64xf32, #tpu.memory_space<vmem>>) target_semaphore(%run_scoped3A : memref<!tpu.dma_semaphore, #tpu.memory_space<semaphore_mem>>)
      %dma_wait3A = arith.constant 0 : i32
      %dma_wait3A_38 = tpu.memref_slice %arg2[%add3A_27, %dma_wait3A] : memref<16384x64xf32, #tpu.memory_space<hbm>> -> memref<256x64xf32, #tpu.memory_space<hbm>>
      %dma_wait3A_39 = arith.constant 0 : i32
      %dma_wait3A_40 = tpu.memref_slice %arg2[%add3A_27, %dma_wait3A_39] : memref<16384x64xf32, #tpu.memory_space<hbm>> -> memref<256x64xf32, #tpu.memory_space<hbm>>
      tpu.wait_dma2 semaphore(%run_scoped3A : memref<!tpu.dma_semaphore, #tpu.memory_space<semaphore_mem>>) src(%dma_wait3A_40 : memref<256x64xf32, #tpu.memory_space<hbm>>) dst(%arg5 : memref<256x64xf32, #tpu.memory_space<vmem>>)
      tpu.yield
    }) : () -> ()
    %parallel_loop3A = arith.constant 0 : i32
    %parallel_loop3A_28 = arith.constant 256 : i32
    %parallel_loop3A_29 = arith.constant 1 : i32
    scf.for %parallel_loop3A_35 = %parallel_loop3A to %parallel_loop3A_28 step %parallel_loop3A_29  : i32 {
      %parallel_loop3A_36 = arith.index_cast %parallel_loop3A_35 : i32 to index
      %parallel_loop3A_37 = arith.constant 0 : index
      %parallel_loop3A_38 = tpu.vector_load %arg5[%parallel_loop3A_36, %parallel_loop3A_37] {strides = array<i32>} : memref<256x64xf32, #tpu.memory_space<vmem>>, vector<16xf32>,
      %parallel_loop3A_39 = arith.index_cast %parallel_loop3A_35 : i32 to index
      %parallel_loop3A_40 = arith.constant 16 : index
      %parallel_loop3A_41 = tpu.vector_load %arg5[%parallel_loop3A_39, %parallel_loop3A_40] {strides = array<i32>} : memref<256x64xf32, #tpu.memory_space<vmem>>, vector<16xf32>,
      %parallel_loop3A_42 = arith.index_cast %parallel_loop3A_35 : i32 to index
      %parallel_loop3A_43 = arith.constant 32 : index
      %parallel_loop3A_44 = tpu.vector_load %arg5[%parallel_loop3A_42, %parallel_loop3A_43] {strides = array<i32>} : memref<256x64xf32, #tpu.memory_space<vmem>>, vector<16xf32>,
      %parallel_loop3A_45 = arith.index_cast %parallel_loop3A_35 : i32 to index
      %parallel_loop3A_46 = arith.constant 48 : index
      %parallel_loop3A_47 = tpu.vector_load %arg5[%parallel_loop3A_45, %parallel_loop3A_46] {strides = array<i32>} : memref<256x64xf32, #tpu.memory_space<vmem>>, vector<16xf32>,
      %parallel_loop3A_48 = arith.constant dense<true> : vector<16xi1>
      %parallel_loop3A_49, %parallel_loop3A_50, %parallel_loop3A_51 = tpu.sort %parallel_loop3A_38, %add3A_7 masked %parallel_loop3A_48 {descending = true} : (vector<16xf32>, vector<16xi32>, vector<16xi1>) -> (vector<16xi1>, vector<16xf32>, vector<16xi32>)
      %parallel_loop3A_52 = arith.constant dense<true> : vector<16xi1>
      %parallel_loop3A_53, %parallel_loop3A_54, %parallel_loop3A_55 = tpu.sort %parallel_loop3A_41, %add3A_10 masked %parallel_loop3A_52 : (vector<16xf32>, vector<16xi32>, vector<16xi1>) -> (vector<16xi1>, vector<16xf32>, vector<16xi32>)
      %parallel_loop3A_56 = arith.constant dense<true> : vector<16xi1>
      %parallel_loop3A_57, %parallel_loop3A_58, %parallel_loop3A_59 = tpu.sort %parallel_loop3A_44, %add3A_13 masked %parallel_loop3A_56 {descending = true} : (vector<16xf32>, vector<16xi32>, vector<16xi1>) -> (vector<16xi1>, vector<16xf32>, vector<16xi32>)
      %parallel_loop3A_60 = arith.constant dense<true> : vector<16xi1>
      %parallel_loop3A_61, %parallel_loop3A_62, %parallel_loop3A_63 = tpu.sort %parallel_loop3A_47, %add3A_16 masked %parallel_loop3A_60 : (vector<16xf32>, vector<16xi32>, vector<16xi1>) -> (vector<16xi1>, vector<16xf32>, vector<16xi32>)
      %parallel_loop3A_64 = arith.cmpf oge, %parallel_loop3A_50, %parallel_loop3A_54 : vector<16xf32>
      %parallel_loop3A_65 = arith.select %parallel_loop3A_64, %parallel_loop3A_50, %parallel_loop3A_54 : vector<16xi1>, vector<16xf32>
      %parallel_loop3A_66 = arith.select %parallel_loop3A_64, %parallel_loop3A_51, %parallel_loop3A_55 : vector<16xi1>, vector<16xi32>
      %parallel_loop3A_67 = arith.cmpf oge, %parallel_loop3A_58, %parallel_loop3A_62 : vector<16xf32>
      %parallel_loop3A_68 = arith.select %parallel_loop3A_67, %parallel_loop3A_58, %parallel_loop3A_62 : vector<16xi1>, vector<16xf32>
      %parallel_loop3A_69 = arith.select %parallel_loop3A_67, %parallel_loop3A_59, %parallel_loop3A_63 : vector<16xi1>, vector<16xi32>
      %parallel_loop3A_70 = arith.constant dense<true> : vector<16xi1>
      %parallel_loop3A_71, %parallel_loop3A_72, %parallel_loop3A_73 = tpu.sort %parallel_loop3A_65, %parallel_loop3A_66 masked %parallel_loop3A_70 {descending = true} : (vector<16xf32>, vector<16xi32>, vector<16xi1>) -> (vector<16xi1>, vector<16xf32>, vector<16xi32>)
      %parallel_loop3A_74 = arith.constant dense<true> : vector<16xi1>
      %parallel_loop3A_75, %parallel_loop3A_76, %parallel_loop3A_77 = tpu.sort %parallel_loop3A_68, %parallel_loop3A_69 masked %parallel_loop3A_74 : (vector<16xf32>, vector<16xi32>, vector<16xi1>) -> (vector<16xi1>, vector<16xf32>, vector<16xi32>)
      %parallel_loop3A_78 = arith.cmpf oge, %parallel_loop3A_72, %parallel_loop3A_76 : vector<16xf32>
      %parallel_loop3A_79 = arith.select %parallel_loop3A_78, %parallel_loop3A_72, %parallel_loop3A_76 : vector<16xi1>, vector<16xf32>
      %parallel_loop3A_80 = arith.select %parallel_loop3A_78, %parallel_loop3A_73, %parallel_loop3A_77 : vector<16xi1>, vector<16xi32>
      %parallel_loop3A_81 = arith.constant dense<true> : vector<16xi1>
      %parallel_loop3A_82, %parallel_loop3A_83, %parallel_loop3A_84 = tpu.sort %parallel_loop3A_79, %parallel_loop3A_80 masked %parallel_loop3A_81 {descending = true} : (vector<16xf32>, vector<16xi32>, vector<16xi1>) -> (vector<16xi1>, vector<16xf32>, vector<16xi32>)
      %parallel_loop3A_85 = arith.constant true
      %parallel_loop3A_86 = vector.broadcast %parallel_loop3A_85 : i1 to vector<16xi1>
      %parallel_loop3A_87 = tpu.scan <max>, %parallel_loop3A_83 masked %parallel_loop3A_86 : vector<16xf32>, vector<16xi1> -> vector<16xf32>
      %parallel_loop3A_88 = vector.extract %parallel_loop3A_87[15] : f32 from vector<16xf32>
      %parallel_loop3A_89 = vector.broadcast %parallel_loop3A_88 : f32 to vector<16xf32>
      %parallel_loop3A_90 = arith.subf %parallel_loop3A_83, %parallel_loop3A_89 : vector<16xf32>
      %parallel_loop3A_91 = math.exp %parallel_loop3A_90 : vector<16xf32>
      %parallel_loop3A_92 = arith.constant 0.000000e+00 : f32
      %parallel_loop3A_93 = vector.broadcast %parallel_loop3A_92 : f32 to vector<16xf32>
      %parallel_loop3A_94 = arith.select %lt3A_4, %parallel_loop3A_91, %parallel_loop3A_93 : vector<16xi1>, vector<16xf32>
      %parallel_loop3A_95 = arith.constant true
      %parallel_loop3A_96 = vector.broadcast %parallel_loop3A_95 : i1 to vector<16xi1>
      %parallel_loop3A_97 = tpu.scan <sum>, %parallel_loop3A_94 masked %parallel_loop3A_96 : vector<16xf32>, vector<16xi1> -> vector<16xf32>
      %parallel_loop3A_98 = vector.extract %parallel_loop3A_97[15] : f32 from vector<16xf32>
      %parallel_loop3A_99 = vector.broadcast %parallel_loop3A_98 : f32 to vector<16xf32>
      %parallel_loop3A_100 = arith.divf %parallel_loop3A_94, %parallel_loop3A_99 : vector<16xf32>
      %parallel_loop3A_101 = vector.broadcast %parallel_loop3A_35 : i32 to vector<16xi32>
      tpu.vector_store_idx %arg6[%parallel_loop3A_101, %iota3A], %parallel_loop3A_100 masked %lt3A_4 : memref<256x8xf32, #tpu.memory_space<vmem>>[vector<16xi32>, vector<16xi32>], vector<16xf32>, vector<16xi1>
      tpu.vector_store_idx %arg7[%parallel_loop3A_101, %iota3A], %parallel_loop3A_84 masked %lt3A_4 : memref<256x8xi32, #tpu.memory_space<vmem>>[vector<16xi32>, vector<16xi32>], vector<16xi32>, vector<16xi1>
    } {sc.loop_unroll_factor = 4 : i64, sc.parallel_access}
    "tpu.region"() ({
      %run_scoped3A = tpu.sem_alloc : memref<!tpu.dma_semaphore, #tpu.memory_space<semaphore_mem>>
      %dma_start3A = arith.constant 0 : i32
      %dma_start3A_35 = tpu.memref_slice %arg3[%add3A_27, %dma_start3A] : memref<16384x8xf32, #tpu.memory_space<hbm>> -> memref<256x8xf32, #tpu.memory_space<hbm>>
      %dma_start3A_36 = arith.constant 0 : i32
      %dma_start3A_37 = tpu.memref_slice %arg3[%add3A_27, %dma_start3A_36] : memref<16384x8xf32, #tpu.memory_space<hbm>> -> memref<256x8xf32, #tpu.memory_space<hbm>>
      tpu.enqueue_dma source(%arg6 : memref<256x8xf32, #tpu.memory_space<vmem>>) target(%dma_start3A_37 : memref<256x8xf32, #tpu.memory_space<hbm>>) target_semaphore(%run_scoped3A : memref<!tpu.dma_semaphore, #tpu.memory_space<semaphore_mem>>)
      %dma_wait3A = arith.constant 0 : i32
      %dma_wait3A_38 = tpu.memref_slice %arg3[%add3A_27, %dma_wait3A] : memref<16384x8xf32, #tpu.memory_space<hbm>> -> memref<256x8xf32, #tpu.memory_space<hbm>>
      %dma_wait3A_39 = arith.constant 0 : i32
      %dma_wait3A_40 = tpu.memref_slice %arg3[%add3A_27, %dma_wait3A_39] : memref<16384x8xf32, #tpu.memory_space<hbm>> -> memref<256x8xf32, #tpu.memory_space<hbm>>
      tpu.wait_dma2 semaphore(%run_scoped3A : memref<!tpu.dma_semaphore, #tpu.memory_space<semaphore_mem>>) src(%arg6 : memref<256x8xf32, #tpu.memory_space<vmem>>) dst(%dma_wait3A_40 : memref<256x8xf32, #tpu.memory_space<hbm>>)
      tpu.yield
    }) : () -> ()
    "tpu.region"() ({
      %run_scoped3A = tpu.sem_alloc : memref<!tpu.dma_semaphore, #tpu.memory_space<semaphore_mem>>
      %dma_start3A = arith.constant 0 : i32
      %dma_start3A_35 = tpu.memref_slice %arg4[%add3A_27, %dma_start3A] : memref<16384x8xi32, #tpu.memory_space<hbm>> -> memref<256x8xi32, #tpu.memory_space<hbm>>
      %dma_start3A_36 = arith.constant 0 : i32
      %dma_start3A_37 = tpu.memref_slice %arg4[%add3A_27, %dma_start3A_36] : memref<16384x8xi32, #tpu.memory_space<hbm>> -> memref<256x8xi32, #tpu.memory_space<hbm>>
      tpu.enqueue_dma source(%arg7 : memref<256x8xi32, #tpu.memory_space<vmem>>) target(%dma_start3A_37 : memref<256x8xi32, #tpu.memory_space<hbm>>) target_semaphore(%run_scoped3A : memref<!tpu.dma_semaphore, #tpu.memory_space<semaphore_mem>>)
      %dma_wait3A = arith.constant 0 : i32
      %dma_wait3A_38 = tpu.memref_slice %arg4[%add3A_27, %dma_wait3A] : memref<16384x8xi32, #tpu.memory_space<hbm>> -> memref<256x8xi32, #tpu.memory_space<hbm>>
      %dma_wait3A_39 = arith.constant 0 : i32
      %dma_wait3A_40 = tpu.memref_slice %arg4[%add3A_27, %dma_wait3A_39] : memref<16384x8xi32, #tpu.memory_space<hbm>> -> memref<256x8xi32, #tpu.memory_space<hbm>>
      tpu.wait_dma2 semaphore(%run_scoped3A : memref<!tpu.dma_semaphore, #tpu.memory_space<semaphore_mem>>) src(%arg7 : memref<256x8xi32, #tpu.memory_space<vmem>>) dst(%dma_wait3A_40 : memref<256x8xi32, #tpu.memory_space<hbm>>)
      tpu.yield
    }) : () -> ()
    %add3A_30 = arith.constant 256 : i32
    %add3A_31 = arith.addi %mul3A_2, %add3A_30 : i32
    "tpu.region"() ({
      %run_scoped3A = tpu.sem_alloc : memref<!tpu.dma_semaphore, #tpu.memory_space<semaphore_mem>>
      %dma_start3A = arith.constant 0 : i32
      %dma_start3A_35 = tpu.memref_slice %arg2[%add3A_31, %dma_start3A] : memref<16384x64xf32, #tpu.memory_space<hbm>> -> memref<256x64xf32, #tpu.memory_space<hbm>>
      %dma_start3A_36 = arith.constant 0 : i32
      %dma_start3A_37 = tpu.memref_slice %arg2[%add3A_31, %dma_start3A_36] : memref<16384x64xf32, #tpu.memory_space<hbm>> -> memref<256x64xf32, #tpu.memory_space<hbm>>
      tpu.enqueue_dma source(%dma_start3A_37 : memref<256x64xf32, #tpu.memory_space<hbm>>) target(%arg5 : memref<256x64xf32, #tpu.memory_space<vmem>>) target_semaphore(%run_scoped3A : memref<!tpu.dma_semaphore, #tpu.memory_space<semaphore_mem>>)
      %dma_wait3A = arith.constant 0 : i32
      %dma_wait3A_38 = tpu.memref_slice %arg2[%add3A_31, %dma_wait3A] : memref<16384x64xf32, #tpu.memory_space<hbm>> -> memref<256x64xf32, #tpu.memory_space<hbm>>
      %dma_wait3A_39 = arith.constant 0 : i32
      %dma_wait3A_40 = tpu.memref_slice %arg2[%add3A_31, %dma_wait3A_39] : memref<16384x64xf32, #tpu.memory_space<hbm>> -> memref<256x64xf32, #tpu.memory_space<hbm>>
      tpu.wait_dma2 semaphore(%run_scoped3A : memref<!tpu.dma_semaphore, #tpu.memory_space<semaphore_mem>>) src(%dma_wait3A_40 : memref<256x64xf32, #tpu.memory_space<hbm>>) dst(%arg5 : memref<256x64xf32, #tpu.memory_space<vmem>>)
      tpu.yield
    }) : () -> ()
    %parallel_loop3A_32 = arith.constant 0 : i32
    %parallel_loop3A_33 = arith.constant 256 : i32
    %parallel_loop3A_34 = arith.constant 1 : i32
    scf.for %parallel_loop3A_35 = %parallel_loop3A_32 to %parallel_loop3A_33 step %parallel_loop3A_34  : i32 {
      %parallel_loop3A_36 = arith.index_cast %parallel_loop3A_35 : i32 to index
      %parallel_loop3A_37 = arith.constant 0 : index
      %parallel_loop3A_38 = tpu.vector_load %arg5[%parallel_loop3A_36, %parallel_loop3A_37] {strides = array<i32>} : memref<256x64xf32, #tpu.memory_space<vmem>>, vector<16xf32>,
      %parallel_loop3A_39 = arith.index_cast %parallel_loop3A_35 : i32 to index
      %parallel_loop3A_40 = arith.constant 16 : index
      %parallel_loop3A_41 = tpu.vector_load %arg5[%parallel_loop3A_39, %parallel_loop3A_40] {strides = array<i32>} : memref<256x64xf32, #tpu.memory_space<vmem>>, vector<16xf32>,
      %parallel_loop3A_42 = arith.index_cast %parallel_loop3A_35 : i32 to index
      %parallel_loop3A_43 = arith.constant 32 : index
      %parallel_loop3A_44 = tpu.vector_load %arg5[%parallel_loop3A_42, %parallel_loop3A_43] {strides = array<i32>} : memref<256x64xf32, #tpu.memory_space<vmem>>, vector<16xf32>,
      %parallel_loop3A_45 = arith.index_cast %parallel_loop3A_35 : i32 to index
      %parallel_loop3A_46 = arith.constant 48 : index
      %parallel_loop3A_47 = tpu.vector_load %arg5[%parallel_loop3A_45, %parallel_loop3A_46] {strides = array<i32>} : memref<256x64xf32, #tpu.memory_space<vmem>>, vector<16xf32>,
      %parallel_loop3A_48 = arith.constant dense<true> : vector<16xi1>
      %parallel_loop3A_49, %parallel_loop3A_50, %parallel_loop3A_51 = tpu.sort %parallel_loop3A_38, %add3A_7 masked %parallel_loop3A_48 {descending = true} : (vector<16xf32>, vector<16xi32>, vector<16xi1>) -> (vector<16xi1>, vector<16xf32>, vector<16xi32>)
      %parallel_loop3A_52 = arith.constant dense<true> : vector<16xi1>
      %parallel_loop3A_53, %parallel_loop3A_54, %parallel_loop3A_55 = tpu.sort %parallel_loop3A_41, %add3A_10 masked %parallel_loop3A_52 : (vector<16xf32>, vector<16xi32>, vector<16xi1>) -> (vector<16xi1>, vector<16xf32>, vector<16xi32>)
      %parallel_loop3A_56 = arith.constant dense<true> : vector<16xi1>
      %parallel_loop3A_57, %parallel_loop3A_58, %parallel_loop3A_59 = tpu.sort %parallel_loop3A_44, %add3A_13 masked %parallel_loop3A_56 {descending = true} : (vector<16xf32>, vector<16xi32>, vector<16xi1>) -> (vector<16xi1>, vector<16xf32>, vector<16xi32>)
      %parallel_loop3A_60 = arith.constant dense<true> : vector<16xi1>
      %parallel_loop3A_61, %parallel_loop3A_62, %parallel_loop3A_63 = tpu.sort %parallel_loop3A_47, %add3A_16 masked %parallel_loop3A_60 : (vector<16xf32>, vector<16xi32>, vector<16xi1>) -> (vector<16xi1>, vector<16xf32>, vector<16xi32>)
      %parallel_loop3A_64 = arith.cmpf oge, %parallel_loop3A_50, %parallel_loop3A_54 : vector<16xf32>
      %parallel_loop3A_65 = arith.select %parallel_loop3A_64, %parallel_loop3A_50, %parallel_loop3A_54 : vector<16xi1>, vector<16xf32>
      %parallel_loop3A_66 = arith.select %parallel_loop3A_64, %parallel_loop3A_51, %parallel_loop3A_55 : vector<16xi1>, vector<16xi32>
      %parallel_loop3A_67 = arith.cmpf oge, %parallel_loop3A_58, %parallel_loop3A_62 : vector<16xf32>
      %parallel_loop3A_68 = arith.select %parallel_loop3A_67, %parallel_loop3A_58, %parallel_loop3A_62 : vector<16xi1>, vector<16xf32>
      %parallel_loop3A_69 = arith.select %parallel_loop3A_67, %parallel_loop3A_59, %parallel_loop3A_63 : vector<16xi1>, vector<16xi32>
      %parallel_loop3A_70 = arith.constant dense<true> : vector<16xi1>
      %parallel_loop3A_71, %parallel_loop3A_72, %parallel_loop3A_73 = tpu.sort %parallel_loop3A_65, %parallel_loop3A_66 masked %parallel_loop3A_70 {descending = true} : (vector<16xf32>, vector<16xi32>, vector<16xi1>) -> (vector<16xi1>, vector<16xf32>, vector<16xi32>)
      %parallel_loop3A_74 = arith.constant dense<true> : vector<16xi1>
      %parallel_loop3A_75, %parallel_loop3A_76, %parallel_loop3A_77 = tpu.sort %parallel_loop3A_68, %parallel_loop3A_69 masked %parallel_loop3A_74 : (vector<16xf32>, vector<16xi32>, vector<16xi1>) -> (vector<16xi1>, vector<16xf32>, vector<16xi32>)
      %parallel_loop3A_78 = arith.cmpf oge, %parallel_loop3A_72, %parallel_loop3A_76 : vector<16xf32>
      %parallel_loop3A_79 = arith.select %parallel_loop3A_78, %parallel_loop3A_72, %parallel_loop3A_76 : vector<16xi1>, vector<16xf32>
      %parallel_loop3A_80 = arith.select %parallel_loop3A_78, %parallel_loop3A_73, %parallel_loop3A_77 : vector<16xi1>, vector<16xi32>
      %parallel_loop3A_81 = arith.constant dense<true> : vector<16xi1>
      %parallel_loop3A_82, %parallel_loop3A_83, %parallel_loop3A_84 = tpu.sort %parallel_loop3A_79, %parallel_loop3A_80 masked %parallel_loop3A_81 {descending = true} : (vector<16xf32>, vector<16xi32>, vector<16xi1>) -> (vector<16xi1>, vector<16xf32>, vector<16xi32>)
      %parallel_loop3A_85 = arith.constant true
      %parallel_loop3A_86 = vector.broadcast %parallel_loop3A_85 : i1 to vector<16xi1>
      %parallel_loop3A_87 = tpu.scan <max>, %parallel_loop3A_83 masked %parallel_loop3A_86 : vector<16xf32>, vector<16xi1> -> vector<16xf32>
      %parallel_loop3A_88 = vector.extract %parallel_loop3A_87[15] : f32 from vector<16xf32>
      %parallel_loop3A_89 = vector.broadcast %parallel_loop3A_88 : f32 to vector<16xf32>
      %parallel_loop3A_90 = arith.subf %parallel_loop3A_83, %parallel_loop3A_89 : vector<16xf32>
      %parallel_loop3A_91 = math.exp %parallel_loop3A_90 : vector<16xf32>
      %parallel_loop3A_92 = arith.constant 0.000000e+00 : f32
      %parallel_loop3A_93 = vector.broadcast %parallel_loop3A_92 : f32 to vector<16xf32>
      %parallel_loop3A_94 = arith.select %lt3A_4, %parallel_loop3A_91, %parallel_loop3A_93 : vector<16xi1>, vector<16xf32>
      %parallel_loop3A_95 = arith.constant true
      %parallel_loop3A_96 = vector.broadcast %parallel_loop3A_95 : i1 to vector<16xi1>
      %parallel_loop3A_97 = tpu.scan <sum>, %parallel_loop3A_94 masked %parallel_loop3A_96 : vector<16xf32>, vector<16xi1> -> vector<16xf32>
      %parallel_loop3A_98 = vector.extract %parallel_loop3A_97[15] : f32 from vector<16xf32>
      %parallel_loop3A_99 = vector.broadcast %parallel_loop3A_98 : f32 to vector<16xf32>
      %parallel_loop3A_100 = arith.divf %parallel_loop3A_94, %parallel_loop3A_99 : vector<16xf32>
      %parallel_loop3A_101 = vector.broadcast %parallel_loop3A_35 : i32 to vector<16xi32>
      tpu.vector_store_idx %arg6[%parallel_loop3A_101, %iota3A], %parallel_loop3A_100 masked %lt3A_4 : memref<256x8xf32, #tpu.memory_space<vmem>>[vector<16xi32>, vector<16xi32>], vector<16xf32>, vector<16xi1>
      tpu.vector_store_idx %arg7[%parallel_loop3A_101, %iota3A], %parallel_loop3A_84 masked %lt3A_4 : memref<256x8xi32, #tpu.memory_space<vmem>>[vector<16xi32>, vector<16xi32>], vector<16xi32>, vector<16xi1>
    } {sc.loop_unroll_factor = 4 : i64, sc.parallel_access}
    "tpu.region"() ({
      %run_scoped3A = tpu.sem_alloc : memref<!tpu.dma_semaphore, #tpu.memory_space<semaphore_mem>>
      %dma_start3A = arith.constant 0 : i32
      %dma_start3A_35 = tpu.memref_slice %arg3[%add3A_31, %dma_start3A] : memref<16384x8xf32, #tpu.memory_space<hbm>> -> memref<256x8xf32, #tpu.memory_space<hbm>>
      %dma_start3A_36 = arith.constant 0 : i32
      %dma_start3A_37 = tpu.memref_slice %arg3[%add3A_31, %dma_start3A_36] : memref<16384x8xf32, #tpu.memory_space<hbm>> -> memref<256x8xf32, #tpu.memory_space<hbm>>
      tpu.enqueue_dma source(%arg6 : memref<256x8xf32, #tpu.memory_space<vmem>>) target(%dma_start3A_37 : memref<256x8xf32, #tpu.memory_space<hbm>>) target_semaphore(%run_scoped3A : memref<!tpu.dma_semaphore, #tpu.memory_space<semaphore_mem>>)
      %dma_wait3A = arith.constant 0 : i32
      %dma_wait3A_38 = tpu.memref_slice %arg3[%add3A_31, %dma_wait3A] : memref<16384x8xf32, #tpu.memory_space<hbm>> -> memref<256x8xf32, #tpu.memory_space<hbm>>
      %dma_wait3A_39 = arith.constant 0 : i32
      %dma_wait3A_40 = tpu.memref_slice %arg3[%add3A_31, %dma_wait3A_39] : memref<16384x8xf32, #tpu.memory_space<hbm>> -> memref<256x8xf32, #tpu.memory_space<hbm>>
      tpu.wait_dma2 semaphore(%run_scoped3A : memref<!tpu.dma_semaphore, #tpu.memory_space<semaphore_mem>>) src(%arg6 : memref<256x8xf32, #tpu.memory_space<vmem>>) dst(%dma_wait3A_40 : memref<256x8xf32, #tpu.memory_space<hbm>>)
      tpu.yield
    }) : () -> ()
    "tpu.region"() ({
      %run_scoped3A = tpu.sem_alloc : memref<!tpu.dma_semaphore, #tpu.memory_space<semaphore_mem>>
      %dma_start3A = arith.constant 0 : i32
      %dma_start3A_35 = tpu.memref_slice %arg4[%add3A_31, %dma_start3A] : memref<16384x8xi32, #tpu.memory_space<hbm>> -> memref<256x8xi32, #tpu.memory_space<hbm>>
      %dma_start3A_36 = arith.constant 0 : i32
      %dma_start3A_37 = tpu.memref_slice %arg4[%add3A_31, %dma_start3A_36] : memref<16384x8xi32, #tpu.memory_space<hbm>> -> memref<256x8xi32, #tpu.memory_space<hbm>>
      tpu.enqueue_dma source(%arg7 : memref<256x8xi32, #tpu.memory_space<vmem>>) target(%dma_start3A_37 : memref<256x8xi32, #tpu.memory_space<hbm>>) target_semaphore(%run_scoped3A : memref<!tpu.dma_semaphore, #tpu.memory_space<semaphore_mem>>)
      %dma_wait3A = arith.constant 0 : i32
      %dma_wait3A_38 = tpu.memref_slice %arg4[%add3A_31, %dma_wait3A] : memref<16384x8xi32, #tpu.memory_space<hbm>> -> memref<256x8xi32, #tpu.memory_space<hbm>>
      %dma_wait3A_39 = arith.constant 0 : i32
      %dma_wait3A_40 = tpu.memref_slice %arg4[%add3A_31, %dma_wait3A_39] : memref<16384x8xi32, #tpu.memory_space<hbm>> -> memref<256x8xi32, #tpu.memory_space<hbm>>
      tpu.wait_dma2 semaphore(%run_scoped3A : memref<!tpu.dma_semaphore, #tpu.memory_space<semaphore_mem>>) src(%arg7 : memref<256x8xi32, #tpu.memory_space<vmem>>) dst(%dma_wait3A_40 : memref<256x8xi32, #tpu.memory_space<hbm>>)
      tpu.yield
    }) : () -> ()
    return
  }
}

#map = affine_map<(d0, d1) -> (0, 0)>
module attributes {stable_mosaic.version = 14 : i64} {
  func.func @_topk_body(%arg0: i32, %arg1: i32, %arg2: memref<16384x64xf32, #tpu.memory_space<hbm>>, %arg3: memref<16384x8xf32, #tpu.memory_space<hbm>>, %arg4: memref<16384x8xi32, #tpu.memory_space<hbm>>, %arg5: memref<256x64xf32, #tpu.memory_space<vmem>>, %arg6: memref<256x8xf32, #tpu.memory_space<vmem>>, %arg7: memref<256x8xi32, #tpu.memory_space<vmem>>) attributes {dimension_semantics = [#tpu.dimension_semantics<core_parallel>, #tpu.dimension_semantics<subcore_parallel>], iteration_bounds = array<i64: 2, 16>, scalar_prefetch = 0 : i64, scratch_operands = 3 : i64, tpu.core_type = #tpu.core_type<sc_vector_subcore>, window_params = [{transform_indices = #map}, {transform_indices = #map}, {transform_indices = #map}]} {
    %mul3A = arith.constant 2 : i32
    %mul3A_0 = arith.muli %arg1, %mul3A : i32
    %add3A = arith.addi %mul3A_0, %arg0 : i32
    %mul3A_1 = arith.constant 512 : i32
    %mul3A_2 = arith.muli %add3A, %mul3A_1 : i32
    %iota3A = tpu.iota {dimensions = array<i32: 0>} : vector<16xi32>
    %lt3A = arith.constant 8 : i32
    %lt3A_3 = vector.broadcast %lt3A : i32 to vector<16xi32>
    %lt3A_4 = arith.cmpi slt, %iota3A, %lt3A_3 : vector<16xi32>
    %add3A_5 = arith.constant 0 : i32
    %add3A_6 = vector.broadcast %add3A_5 : i32 to vector<16xi32>
    %add3A_7 = arith.addi %iota3A, %add3A_6 : vector<16xi32>
    %add3A_8 = arith.constant 16 : i32
    %add3A_9 = vector.broadcast %add3A_8 : i32 to vector<16xi32>
    %add3A_10 = arith.addi %iota3A, %add3A_9 : vector<16xi32>
    %add3A_11 = arith.constant 32 : i32
    %add3A_12 = vector.broadcast %add3A_11 : i32 to vector<16xi32>
    %add3A_13 = arith.addi %iota3A, %add3A_12 : vector<16xi32>
    %add3A_14 = arith.constant 48 : i32
    %add3A_15 = vector.broadcast %add3A_14 : i32 to vector<16xi32>
    %add3A_16 = arith.addi %iota3A, %add3A_15 : vector<16xi32>
    %broadcast_in_dim3A = arith.constant 0 : i32
    %broadcast_in_dim3A_17 = vector.broadcast %broadcast_in_dim3A : i32 to vector<16xi32>
    %xor3A = arith.constant 4 : i32
    %xor3A_18 = vector.broadcast %xor3A : i32 to vector<16xi32>
    %xor3A_19 = arith.xori %iota3A, %xor3A_18 : vector<16xi32>
    %xor3A_20 = arith.constant 2 : i32
    %xor3A_21 = vector.broadcast %xor3A_20 : i32 to vector<16xi32>
    %xor3A_22 = arith.xori %iota3A, %xor3A_21 : vector<16xi32>
    %xor3A_23 = arith.constant 1 : i32
    %xor3A_24 = vector.broadcast %xor3A_23 : i32 to vector<16xi32>
    %xor3A_25 = arith.xori %iota3A, %xor3A_24 : vector<16xi32>
    %add3A_26 = arith.constant 0 : i32
    %add3A_27 = arith.addi %mul3A_2, %add3A_26 : i32
    "tpu.region"() ({
      %run_scoped3A = tpu.sem_alloc : memref<!tpu.dma_semaphore, #tpu.memory_space<semaphore_mem>>
      %dma_start3A = arith.constant 0 : i32
      %dma_start3A_35 = tpu.memref_slice %arg2[%add3A_27, %dma_start3A] : memref<16384x64xf32, #tpu.memory_space<hbm>> -> memref<256x64xf32, #tpu.memory_space<hbm>>
      %dma_start3A_36 = arith.constant 0 : i32
      %dma_start3A_37 = tpu.memref_slice %arg2[%add3A_27, %dma_start3A_36] : memref<16384x64xf32, #tpu.memory_space<hbm>> -> memref<256x64xf32, #tpu.memory_space<hbm>>
      tpu.enqueue_dma source(%dma_start3A_37 : memref<256x64xf32, #tpu.memory_space<hbm>>) target(%arg5 : memref<256x64xf32, #tpu.memory_space<vmem>>) target_semaphore(%run_scoped3A : memref<!tpu.dma_semaphore, #tpu.memory_space<semaphore_mem>>)
      %dma_wait3A = arith.constant 0 : i32
      %dma_wait3A_38 = tpu.memref_slice %arg2[%add3A_27, %dma_wait3A] : memref<16384x64xf32, #tpu.memory_space<hbm>> -> memref<256x64xf32, #tpu.memory_space<hbm>>
      %dma_wait3A_39 = arith.constant 0 : i32
      %dma_wait3A_40 = tpu.memref_slice %arg2[%add3A_27, %dma_wait3A_39] : memref<16384x64xf32, #tpu.memory_space<hbm>> -> memref<256x64xf32, #tpu.memory_space<hbm>>
      tpu.wait_dma2 semaphore(%run_scoped3A : memref<!tpu.dma_semaphore, #tpu.memory_space<semaphore_mem>>) src(%dma_wait3A_40 : memref<256x64xf32, #tpu.memory_space<hbm>>) dst(%arg5 : memref<256x64xf32, #tpu.memory_space<vmem>>)
      tpu.yield
    }) : () -> ()
    %parallel_loop3A = arith.constant 0 : i32
    %parallel_loop3A_28 = arith.constant 256 : i32
    %parallel_loop3A_29 = arith.constant 1 : i32
    scf.for %parallel_loop3A_35 = %parallel_loop3A to %parallel_loop3A_28 step %parallel_loop3A_29  : i32 {
      %parallel_loop3A_36 = arith.index_cast %parallel_loop3A_35 : i32 to index
      %parallel_loop3A_37 = arith.constant 0 : index
      %parallel_loop3A_38 = tpu.vector_load %arg5[%parallel_loop3A_36, %parallel_loop3A_37] {strides = array<i32>} : memref<256x64xf32, #tpu.memory_space<vmem>>, vector<16xf32>,
      %parallel_loop3A_39 = arith.index_cast %parallel_loop3A_35 : i32 to index
      %parallel_loop3A_40 = arith.constant 16 : index
      %parallel_loop3A_41 = tpu.vector_load %arg5[%parallel_loop3A_39, %parallel_loop3A_40] {strides = array<i32>} : memref<256x64xf32, #tpu.memory_space<vmem>>, vector<16xf32>,
      %parallel_loop3A_42 = arith.index_cast %parallel_loop3A_35 : i32 to index
      %parallel_loop3A_43 = arith.constant 32 : index
      %parallel_loop3A_44 = tpu.vector_load %arg5[%parallel_loop3A_42, %parallel_loop3A_43] {strides = array<i32>} : memref<256x64xf32, #tpu.memory_space<vmem>>, vector<16xf32>,
      %parallel_loop3A_45 = arith.index_cast %parallel_loop3A_35 : i32 to index
      %parallel_loop3A_46 = arith.constant 48 : index
      %parallel_loop3A_47 = tpu.vector_load %arg5[%parallel_loop3A_45, %parallel_loop3A_46] {strides = array<i32>} : memref<256x64xf32, #tpu.memory_space<vmem>>, vector<16xf32>,
      %parallel_loop3A_48 = arith.constant dense<true> : vector<16xi1>
      %parallel_loop3A_49, %parallel_loop3A_50, %parallel_loop3A_51 = tpu.sort %parallel_loop3A_38, %add3A_7 masked %parallel_loop3A_48 {descending = true} : (vector<16xf32>, vector<16xi32>, vector<16xi1>) -> (vector<16xi1>, vector<16xf32>, vector<16xi32>)
      %parallel_loop3A_52 = arith.constant dense<true> : vector<16xi1>
      %parallel_loop3A_53, %parallel_loop3A_54, %parallel_loop3A_55 = tpu.sort %parallel_loop3A_41, %add3A_10 masked %parallel_loop3A_52 : (vector<16xf32>, vector<16xi32>, vector<16xi1>) -> (vector<16xi1>, vector<16xf32>, vector<16xi32>)
      %parallel_loop3A_56 = arith.constant dense<true> : vector<16xi1>
      %parallel_loop3A_57, %parallel_loop3A_58, %parallel_loop3A_59 = tpu.sort %parallel_loop3A_44, %add3A_13 masked %parallel_loop3A_56 {descending = true} : (vector<16xf32>, vector<16xi32>, vector<16xi1>) -> (vector<16xi1>, vector<16xf32>, vector<16xi32>)
      %parallel_loop3A_60 = arith.constant dense<true> : vector<16xi1>
      %parallel_loop3A_61, %parallel_loop3A_62, %parallel_loop3A_63 = tpu.sort %parallel_loop3A_47, %add3A_16 masked %parallel_loop3A_60 : (vector<16xf32>, vector<16xi32>, vector<16xi1>) -> (vector<16xi1>, vector<16xf32>, vector<16xi32>)
      %parallel_loop3A_64 = arith.cmpf oge, %parallel_loop3A_50, %parallel_loop3A_54 : vector<16xf32>
      %parallel_loop3A_65 = arith.select %parallel_loop3A_64, %parallel_loop3A_50, %parallel_loop3A_54 : vector<16xi1>, vector<16xf32>
      %parallel_loop3A_66 = arith.select %parallel_loop3A_64, %parallel_loop3A_51, %parallel_loop3A_55 : vector<16xi1>, vector<16xi32>
      %parallel_loop3A_67 = arith.cmpf oge, %parallel_loop3A_58, %parallel_loop3A_62 : vector<16xf32>
      %parallel_loop3A_68 = arith.select %parallel_loop3A_67, %parallel_loop3A_58, %parallel_loop3A_62 : vector<16xi1>, vector<16xf32>
      %parallel_loop3A_69 = arith.select %parallel_loop3A_67, %parallel_loop3A_59, %parallel_loop3A_63 : vector<16xi1>, vector<16xi32>
      %parallel_loop3A_70 = arith.constant dense<true> : vector<16xi1>
      %parallel_loop3A_71, %parallel_loop3A_72, %parallel_loop3A_73 = tpu.sort %parallel_loop3A_65, %parallel_loop3A_66 masked %parallel_loop3A_70 {descending = true} : (vector<16xf32>, vector<16xi32>, vector<16xi1>) -> (vector<16xi1>, vector<16xf32>, vector<16xi32>)
      %parallel_loop3A_74 = arith.constant dense<true> : vector<16xi1>
      %parallel_loop3A_75, %parallel_loop3A_76, %parallel_loop3A_77 = tpu.sort %parallel_loop3A_68, %parallel_loop3A_69 masked %parallel_loop3A_74 : (vector<16xf32>, vector<16xi32>, vector<16xi1>) -> (vector<16xi1>, vector<16xf32>, vector<16xi32>)
      %parallel_loop3A_78 = arith.cmpf oge, %parallel_loop3A_72, %parallel_loop3A_76 : vector<16xf32>
      %parallel_loop3A_79 = arith.select %parallel_loop3A_78, %parallel_loop3A_72, %parallel_loop3A_76 : vector<16xi1>, vector<16xf32>
      %parallel_loop3A_80 = arith.select %parallel_loop3A_78, %parallel_loop3A_73, %parallel_loop3A_77 : vector<16xi1>, vector<16xi32>
      %parallel_loop3A_81 = arith.constant dense<true> : vector<16xi1>
      %parallel_loop3A_82, %parallel_loop3A_83, %parallel_loop3A_84 = tpu.sort %parallel_loop3A_79, %parallel_loop3A_80 masked %parallel_loop3A_81 {descending = true} : (vector<16xf32>, vector<16xi32>, vector<16xi1>) -> (vector<16xi1>, vector<16xf32>, vector<16xi32>)
      %parallel_loop3A_85 = arith.constant true
      %parallel_loop3A_86 = vector.broadcast %parallel_loop3A_85 : i1 to vector<16xi1>
      %parallel_loop3A_87 = tpu.scan <max>, %parallel_loop3A_83 masked %parallel_loop3A_86 : vector<16xf32>, vector<16xi1> -> vector<16xf32>
      %parallel_loop3A_88 = vector.extract %parallel_loop3A_87[15] : f32 from vector<16xf32>
      %parallel_loop3A_89 = vector.broadcast %parallel_loop3A_88 : f32 to vector<16xf32>
      %parallel_loop3A_90 = arith.subf %parallel_loop3A_83, %parallel_loop3A_89 : vector<16xf32>
      %parallel_loop3A_91 = math.exp %parallel_loop3A_90 : vector<16xf32>
      %parallel_loop3A_92 = arith.constant 0.000000e+00 : f32
      %parallel_loop3A_93 = vector.broadcast %parallel_loop3A_92 : f32 to vector<16xf32>
      %parallel_loop3A_94 = arith.select %lt3A_4, %parallel_loop3A_91, %parallel_loop3A_93 : vector<16xi1>, vector<16xf32>
      %parallel_loop3A_95 = arith.constant true
      %parallel_loop3A_96 = vector.broadcast %parallel_loop3A_95 : i1 to vector<16xi1>
      %parallel_loop3A_97 = tpu.scan <sum>, %parallel_loop3A_94 masked %parallel_loop3A_96 : vector<16xf32>, vector<16xi1> -> vector<16xf32>
      %parallel_loop3A_98 = vector.extract %parallel_loop3A_97[15] : f32 from vector<16xf32>
      %parallel_loop3A_99 = vector.broadcast %parallel_loop3A_98 : f32 to vector<16xf32>
      %parallel_loop3A_100 = arith.divf %parallel_loop3A_94, %parallel_loop3A_99 : vector<16xf32>
      %parallel_loop3A_101 = vector.broadcast %parallel_loop3A_35 : i32 to vector<16xi32>
      tpu.vector_store_idx %arg6[%parallel_loop3A_101, %iota3A], %parallel_loop3A_100 masked %lt3A_4 : memref<256x8xf32, #tpu.memory_space<vmem>>[vector<16xi32>, vector<16xi32>], vector<16xf32>, vector<16xi1>
      tpu.vector_store_idx %arg7[%parallel_loop3A_101, %iota3A], %parallel_loop3A_84 masked %lt3A_4 : memref<256x8xi32, #tpu.memory_space<vmem>>[vector<16xi32>, vector<16xi32>], vector<16xi32>, vector<16xi1>
    } {sc.loop_unroll_factor = 4 : i64, sc.parallel_access}
    "tpu.region"() ({
      %run_scoped3A = tpu.sem_alloc : memref<!tpu.dma_semaphore, #tpu.memory_space<semaphore_mem>>
      %dma_start3A = arith.constant 0 : i32
      %dma_start3A_35 = tpu.memref_slice %arg3[%add3A_27, %dma_start3A] : memref<16384x8xf32, #tpu.memory_space<hbm>> -> memref<256x8xf32, #tpu.memory_space<hbm>>
      %dma_start3A_36 = arith.constant 0 : i32
      %dma_start3A_37 = tpu.memref_slice %arg3[%add3A_27, %dma_start3A_36] : memref<16384x8xf32, #tpu.memory_space<hbm>> -> memref<256x8xf32, #tpu.memory_space<hbm>>
      tpu.enqueue_dma source(%arg6 : memref<256x8xf32, #tpu.memory_space<vmem>>) target(%dma_start3A_37 : memref<256x8xf32, #tpu.memory_space<hbm>>) target_semaphore(%run_scoped3A : memref<!tpu.dma_semaphore, #tpu.memory_space<semaphore_mem>>)
      %dma_wait3A = arith.constant 0 : i32
      %dma_wait3A_38 = tpu.memref_slice %arg3[%add3A_27, %dma_wait3A] : memref<16384x8xf32, #tpu.memory_space<hbm>> -> memref<256x8xf32, #tpu.memory_space<hbm>>
      %dma_wait3A_39 = arith.constant 0 : i32
      %dma_wait3A_40 = tpu.memref_slice %arg3[%add3A_27, %dma_wait3A_39] : memref<16384x8xf32, #tpu.memory_space<hbm>> -> memref<256x8xf32, #tpu.memory_space<hbm>>
      tpu.wait_dma2 semaphore(%run_scoped3A : memref<!tpu.dma_semaphore, #tpu.memory_space<semaphore_mem>>) src(%arg6 : memref<256x8xf32, #tpu.memory_space<vmem>>) dst(%dma_wait3A_40 : memref<256x8xf32, #tpu.memory_space<hbm>>)
      tpu.yield
    }) : () -> ()
    "tpu.region"() ({
      %run_scoped3A = tpu.sem_alloc : memref<!tpu.dma_semaphore, #tpu.memory_space<semaphore_mem>>
      %dma_start3A = arith.constant 0 : i32
      %dma_start3A_35 = tpu.memref_slice %arg4[%add3A_27, %dma_start3A] : memref<16384x8xi32, #tpu.memory_space<hbm>> -> memref<256x8xi32, #tpu.memory_space<hbm>>
      %dma_start3A_36 = arith.constant 0 : i32
      %dma_start3A_37 = tpu.memref_slice %arg4[%add3A_27, %dma_start3A_36] : memref<16384x8xi32, #tpu.memory_space<hbm>> -> memref<256x8xi32, #tpu.memory_space<hbm>>
      tpu.enqueue_dma source(%arg7 : memref<256x8xi32, #tpu.memory_space<vmem>>) target(%dma_start3A_37 : memref<256x8xi32, #tpu.memory_space<hbm>>) target_semaphore(%run_scoped3A : memref<!tpu.dma_semaphore, #tpu.memory_space<semaphore_mem>>)
      %dma_wait3A = arith.constant 0 : i32
      %dma_wait3A_38 = tpu.memref_slice %arg4[%add3A_27, %dma_wait3A] : memref<16384x8xi32, #tpu.memory_space<hbm>> -> memref<256x8xi32, #tpu.memory_space<hbm>>
      %dma_wait3A_39 = arith.constant 0 : i32
      %dma_wait3A_40 = tpu.memref_slice %arg4[%add3A_27, %dma_wait3A_39] : memref<16384x8xi32, #tpu.memory_space<hbm>> -> memref<256x8xi32, #tpu.memory_space<hbm>>
      tpu.wait_dma2 semaphore(%run_scoped3A : memref<!tpu.dma_semaphore, #tpu.memory_space<semaphore_mem>>) src(%arg7 : memref<256x8xi32, #tpu.memory_space<vmem>>) dst(%dma_wait3A_40 : memref<256x8xi32, #tpu.memory_space<hbm>>)
      tpu.yield
    }) : () -> ()
    %add3A_30 = arith.constant 256 : i32
    %add3A_31 = arith.addi %mul3A_2, %add3A_30 : i32
    "tpu.region"() ({
      %run_scoped3A = tpu.sem_alloc : memref<!tpu.dma_semaphore, #tpu.memory_space<semaphore_mem>>
      %dma_start3A = arith.constant 0 : i32
      %dma_start3A_35 = tpu.memref_slice %arg2[%add3A_31, %dma_start3A] : memref<16384x64xf32, #tpu.memory_space<hbm>> -> memref<256x64xf32, #tpu.memory_space<hbm>>
      %dma_start3A_36 = arith.constant 0 : i32
      %dma_start3A_37 = tpu.memref_slice %arg2[%add3A_31, %dma_start3A_36] : memref<16384x64xf32, #tpu.memory_space<hbm>> -> memref<256x64xf32, #tpu.memory_space<hbm>>
      tpu.enqueue_dma source(%dma_start3A_37 : memref<256x64xf32, #tpu.memory_space<hbm>>) target(%arg5 : memref<256x64xf32, #tpu.memory_space<vmem>>) target_semaphore(%run_scoped3A : memref<!tpu.dma_semaphore, #tpu.memory_space<semaphore_mem>>)
      %dma_wait3A = arith.constant 0 : i32
      %dma_wait3A_38 = tpu.memref_slice %arg2[%add3A_31, %dma_wait3A] : memref<16384x64xf32, #tpu.memory_space<hbm>> -> memref<256x64xf32, #tpu.memory_space<hbm>>
      %dma_wait3A_39 = arith.constant 0 : i32
      %dma_wait3A_40 = tpu.memref_slice %arg2[%add3A_31, %dma_wait3A_39] : memref<16384x64xf32, #tpu.memory_space<hbm>> -> memref<256x64xf32, #tpu.memory_space<hbm>>
      tpu.wait_dma2 semaphore(%run_scoped3A : memref<!tpu.dma_semaphore, #tpu.memory_space<semaphore_mem>>) src(%dma_wait3A_40 : memref<256x64xf32, #tpu.memory_space<hbm>>) dst(%arg5 : memref<256x64xf32, #tpu.memory_space<vmem>>)
      tpu.yield
    }) : () -> ()
    %parallel_loop3A_32 = arith.constant 0 : i32
    %parallel_loop3A_33 = arith.constant 256 : i32
    %parallel_loop3A_34 = arith.constant 1 : i32
    scf.for %parallel_loop3A_35 = %parallel_loop3A_32 to %parallel_loop3A_33 step %parallel_loop3A_34  : i32 {
      %parallel_loop3A_36 = arith.index_cast %parallel_loop3A_35 : i32 to index
      %parallel_loop3A_37 = arith.constant 0 : index
      %parallel_loop3A_38 = tpu.vector_load %arg5[%parallel_loop3A_36, %parallel_loop3A_37] {strides = array<i32>} : memref<256x64xf32, #tpu.memory_space<vmem>>, vector<16xf32>,
      %parallel_loop3A_39 = arith.index_cast %parallel_loop3A_35 : i32 to index
      %parallel_loop3A_40 = arith.constant 16 : index
      %parallel_loop3A_41 = tpu.vector_load %arg5[%parallel_loop3A_39, %parallel_loop3A_40] {strides = array<i32>} : memref<256x64xf32, #tpu.memory_space<vmem>>, vector<16xf32>,
      %parallel_loop3A_42 = arith.index_cast %parallel_loop3A_35 : i32 to index
      %parallel_loop3A_43 = arith.constant 32 : index
      %parallel_loop3A_44 = tpu.vector_load %arg5[%parallel_loop3A_42, %parallel_loop3A_43] {strides = array<i32>} : memref<256x64xf32, #tpu.memory_space<vmem>>, vector<16xf32>,
      %parallel_loop3A_45 = arith.index_cast %parallel_loop3A_35 : i32 to index
      %parallel_loop3A_46 = arith.constant 48 : index
      %parallel_loop3A_47 = tpu.vector_load %arg5[%parallel_loop3A_45, %parallel_loop3A_46] {strides = array<i32>} : memref<256x64xf32, #tpu.memory_space<vmem>>, vector<16xf32>,
      %parallel_loop3A_48 = arith.constant dense<true> : vector<16xi1>
      %parallel_loop3A_49, %parallel_loop3A_50, %parallel_loop3A_51 = tpu.sort %parallel_loop3A_38, %add3A_7 masked %parallel_loop3A_48 {descending = true} : (vector<16xf32>, vector<16xi32>, vector<16xi1>) -> (vector<16xi1>, vector<16xf32>, vector<16xi32>)
      %parallel_loop3A_52 = arith.constant dense<true> : vector<16xi1>
      %parallel_loop3A_53, %parallel_loop3A_54, %parallel_loop3A_55 = tpu.sort %parallel_loop3A_41, %add3A_10 masked %parallel_loop3A_52 : (vector<16xf32>, vector<16xi32>, vector<16xi1>) -> (vector<16xi1>, vector<16xf32>, vector<16xi32>)
      %parallel_loop3A_56 = arith.constant dense<true> : vector<16xi1>
      %parallel_loop3A_57, %parallel_loop3A_58, %parallel_loop3A_59 = tpu.sort %parallel_loop3A_44, %add3A_13 masked %parallel_loop3A_56 {descending = true} : (vector<16xf32>, vector<16xi32>, vector<16xi1>) -> (vector<16xi1>, vector<16xf32>, vector<16xi32>)
      %parallel_loop3A_60 = arith.constant dense<true> : vector<16xi1>
      %parallel_loop3A_61, %parallel_loop3A_62, %parallel_loop3A_63 = tpu.sort %parallel_loop3A_47, %add3A_16 masked %parallel_loop3A_60 : (vector<16xf32>, vector<16xi32>, vector<16xi1>) -> (vector<16xi1>, vector<16xf32>, vector<16xi32>)
      %parallel_loop3A_64 = arith.cmpf oge, %parallel_loop3A_50, %parallel_loop3A_54 : vector<16xf32>
      %parallel_loop3A_65 = arith.select %parallel_loop3A_64, %parallel_loop3A_50, %parallel_loop3A_54 : vector<16xi1>, vector<16xf32>
      %parallel_loop3A_66 = arith.select %parallel_loop3A_64, %parallel_loop3A_51, %parallel_loop3A_55 : vector<16xi1>, vector<16xi32>
      %parallel_loop3A_67 = arith.cmpf oge, %parallel_loop3A_58, %parallel_loop3A_62 : vector<16xf32>
      %parallel_loop3A_68 = arith.select %parallel_loop3A_67, %parallel_loop3A_58, %parallel_loop3A_62 : vector<16xi1>, vector<16xf32>
      %parallel_loop3A_69 = arith.select %parallel_loop3A_67, %parallel_loop3A_59, %parallel_loop3A_63 : vector<16xi1>, vector<16xi32>
      %parallel_loop3A_70 = arith.constant dense<true> : vector<16xi1>
      %parallel_loop3A_71, %parallel_loop3A_72, %parallel_loop3A_73 = tpu.sort %parallel_loop3A_65, %parallel_loop3A_66 masked %parallel_loop3A_70 {descending = true} : (vector<16xf32>, vector<16xi32>, vector<16xi1>) -> (vector<16xi1>, vector<16xf32>, vector<16xi32>)
      %parallel_loop3A_74 = arith.constant dense<true> : vector<16xi1>
      %parallel_loop3A_75, %parallel_loop3A_76, %parallel_loop3A_77 = tpu.sort %parallel_loop3A_68, %parallel_loop3A_69 masked %parallel_loop3A_74 : (vector<16xf32>, vector<16xi32>, vector<16xi1>) -> (vector<16xi1>, vector<16xf32>, vector<16xi32>)
      %parallel_loop3A_78 = arith.cmpf oge, %parallel_loop3A_72, %parallel_loop3A_76 : vector<16xf32>
      %parallel_loop3A_79 = arith.select %parallel_loop3A_78, %parallel_loop3A_72, %parallel_loop3A_76 : vector<16xi1>, vector<16xf32>
      %parallel_loop3A_80 = arith.select %parallel_loop3A_78, %parallel_loop3A_73, %parallel_loop3A_77 : vector<16xi1>, vector<16xi32>
      %parallel_loop3A_81 = arith.constant dense<true> : vector<16xi1>
      %parallel_loop3A_82, %parallel_loop3A_83, %parallel_loop3A_84 = tpu.sort %parallel_loop3A_79, %parallel_loop3A_80 masked %parallel_loop3A_81 {descending = true} : (vector<16xf32>, vector<16xi32>, vector<16xi1>) -> (vector<16xi1>, vector<16xf32>, vector<16xi32>)
      %parallel_loop3A_85 = arith.constant true
      %parallel_loop3A_86 = vector.broadcast %parallel_loop3A_85 : i1 to vector<16xi1>
      %parallel_loop3A_87 = tpu.scan <max>, %parallel_loop3A_83 masked %parallel_loop3A_86 : vector<16xf32>, vector<16xi1> -> vector<16xf32>
      %parallel_loop3A_88 = vector.extract %parallel_loop3A_87[15] : f32 from vector<16xf32>
      %parallel_loop3A_89 = vector.broadcast %parallel_loop3A_88 : f32 to vector<16xf32>
      %parallel_loop3A_90 = arith.subf %parallel_loop3A_83, %parallel_loop3A_89 : vector<16xf32>
      %parallel_loop3A_91 = math.exp %parallel_loop3A_90 : vector<16xf32>
      %parallel_loop3A_92 = arith.constant 0.000000e+00 : f32
      %parallel_loop3A_93 = vector.broadcast %parallel_loop3A_92 : f32 to vector<16xf32>
      %parallel_loop3A_94 = arith.select %lt3A_4, %parallel_loop3A_91, %parallel_loop3A_93 : vector<16xi1>, vector<16xf32>
      %parallel_loop3A_95 = arith.constant true
      %parallel_loop3A_96 = vector.broadcast %parallel_loop3A_95 : i1 to vector<16xi1>
      %parallel_loop3A_97 = tpu.scan <sum>, %parallel_loop3A_94 masked %parallel_loop3A_96 : vector<16xf32>, vector<16xi1> -> vector<16xf32>
      %parallel_loop3A_98 = vector.extract %parallel_loop3A_97[15] : f32 from vector<16xf32>
      %parallel_loop3A_99 = vector.broadcast %parallel_loop3A_98 : f32 to vector<16xf32>
      %parallel_loop3A_100 = arith.divf %parallel_loop3A_94, %parallel_loop3A_99 : vector<16xf32>
      %parallel_loop3A_101 = vector.broadcast %parallel_loop3A_35 : i32 to vector<16xi32>
      tpu.vector_store_idx %arg6[%parallel_loop3A_101, %iota3A], %parallel_loop3A_100 masked %lt3A_4 : memref<256x8xf32, #tpu.memory_space<vmem>>[vector<16xi32>, vector<16xi32>], vector<16xf32>, vector<16xi1>
      tpu.vector_store_idx %arg7[%parallel_loop3A_101, %iota3A], %parallel_loop3A_84 masked %lt3A_4 : memref<256x8xi32, #tpu.memory_space<vmem>>[vector<16xi32>, vector<16xi32>], vector<16xi32>, vector<16xi1>
    } {sc.loop_unroll_factor = 4 : i64, sc.parallel_access}
    "tpu.region"() ({
      %run_scoped3A = tpu.sem_alloc : memref<!tpu.dma_semaphore, #tpu.memory_space<semaphore_mem>>
      %dma_start3A = arith.constant 0 : i32
      %dma_start3A_35 = tpu.memref_slice %arg3[%add3A_31, %dma_start3A] : memref<16384x8xf32, #tpu.memory_space<hbm>> -> memref<256x8xf32, #tpu.memory_space<hbm>>
      %dma_start3A_36 = arith.constant 0 : i32
      %dma_start3A_37 = tpu.memref_slice %arg3[%add3A_31, %dma_start3A_36] : memref<16384x8xf32, #tpu.memory_space<hbm>> -> memref<256x8xf32, #tpu.memory_space<hbm>>
      tpu.enqueue_dma source(%arg6 : memref<256x8xf32, #tpu.memory_space<vmem>>) target(%dma_start3A_37 : memref<256x8xf32, #tpu.memory_space<hbm>>) target_semaphore(%run_scoped3A : memref<!tpu.dma_semaphore, #tpu.memory_space<semaphore_mem>>)
      %dma_wait3A = arith.constant 0 : i32
      %dma_wait3A_38 = tpu.memref_slice %arg3[%add3A_31, %dma_wait3A] : memref<16384x8xf32, #tpu.memory_space<hbm>> -> memref<256x8xf32, #tpu.memory_space<hbm>>
      %dma_wait3A_39 = arith.constant 0 : i32
      %dma_wait3A_40 = tpu.memref_slice %arg3[%add3A_31, %dma_wait3A_39] : memref<16384x8xf32, #tpu.memory_space<hbm>> -> memref<256x8xf32, #tpu.memory_space<hbm>>
      tpu.wait_dma2 semaphore(%run_scoped3A : memref<!tpu.dma_semaphore, #tpu.memory_space<semaphore_mem>>) src(%arg6 : memref<256x8xf32, #tpu.memory_space<vmem>>) dst(%dma_wait3A_40 : memref<256x8xf32, #tpu.memory_space<hbm>>)
      tpu.yield
    }) : () -> ()
    "tpu.region"() ({
      %run_scoped3A = tpu.sem_alloc : memref<!tpu.dma_semaphore, #tpu.memory_space<semaphore_mem>>
      %dma_start3A = arith.constant 0 : i32
      %dma_start3A_35 = tpu.memref_slice %arg4[%add3A_31, %dma_start3A] : memref<16384x8xi32, #tpu.memory_space<hbm>> -> memref<256x8xi32, #tpu.memory_space<hbm>>
      %dma_start3A_36 = arith.constant 0 : i32
      %dma_start3A_37 = tpu.memref_slice %arg4[%add3A_31, %dma_start3A_36] : memref<16384x8xi32, #tpu.memory_space<hbm>> -> memref<256x8xi32, #tpu.memory_space<hbm>>
      tpu.enqueue_dma source(%arg7 : memref<256x8xi32, #tpu.memory_space<vmem>>) target(%dma_start3A_37 : memref<256x8xi32, #tpu.memory_space<hbm>>) target_semaphore(%run_scoped3A : memref<!tpu.dma_semaphore, #tpu.memory_space<semaphore_mem>>)
      %dma_wait3A = arith.constant 0 : i32
      %dma_wait3A_38 = tpu.memref_slice %arg4[%add3A_31, %dma_wait3A] : memref<16384x8xi32, #tpu.memory_space<hbm>> -> memref<256x8xi32, #tpu.memory_space<hbm>>
      %dma_wait3A_39 = arith.constant 0 : i32
      %dma_wait3A_40 = tpu.memref_slice %arg4[%add3A_31, %dma_wait3A_39] : memref<16384x8xi32, #tpu.memory_space<hbm>> -> memref<256x8xi32, #tpu.memory_space<hbm>>
      tpu.wait_dma2 semaphore(%run_scoped3A : memref<!tpu.dma_semaphore, #tpu.memory_space<semaphore_mem>>) src(%arg7 : memref<256x8xi32, #tpu.memory_space<vmem>>) dst(%dma_wait3A_40 : memref<256x8xi32, #tpu.memory_space<hbm>>)
      tpu.yield
    }) : () -> ()
    return
  }
}

module attributes {stable_mosaic.version = 14 : i64} {
  func.func @_mm_block(%arg0: i32, %arg1: memref<1024x4096xf32, #tpu.memory_space<vmem>>, %arg2: memref<4096x64xf32, #tpu.memory_space<vmem>>, %arg3: memref<1x64xf32, #tpu.memory_space<vmem>>, %arg4: memref<1024x64xf32, #tpu.memory_space<vmem>>) attributes {dimension_semantics = [#tpu.dimension_semantics<arbitrary>], iteration_bounds = array<i64: 16>, scalar_prefetch = 0 : i64, scratch_operands = 0 : i64, tpu.core_type = #tpu.core_type<tc>, window_params = [{transform_indices = @transform_0, window_bounds = array<i64: 1024, 4096>}, {pipeline_mode = #tpu.pipeline_mode<synchronous>, transform_indices = @transform_1, window_bounds = array<i64: 4096, 64>}, {pipeline_mode = #tpu.pipeline_mode<synchronous>, transform_indices = @transform_2, window_bounds = array<i64: 1, 64>}, {transform_indices = @transform_3, window_bounds = array<i64: 1024, 64>}]} {
    %get3A = arith.constant 0 : index
    %get3A_0 = arith.constant 0 : index
    %get3A_1 = vector.load %arg1[%get3A, %get3A_0] : memref<1024x4096xf32, #tpu.memory_space<vmem>>, vector<1024x4096xf32>
    %get3A_2 = arith.constant 0 : index
    %get3A_3 = arith.constant 0 : index
    %get3A_4 = vector.load %arg2[%get3A_2, %get3A_3] : memref<4096x64xf32, #tpu.memory_space<vmem>>, vector<4096x64xf32>
    %dot_general3A = arith.constant dense<0.000000e+00> : vector<1024x64xf32>
    %dot_general3A_5 = tpu.matmul %get3A_1, %get3A_4, %dot_general3A {dimension_numbers = #tpu.dot_dimension_numbers<[1], [0], [0], [1], [0, 0, 1, 1], [], []>, transpose_lhs_hint = false} : vector<1024x4096xf32>, vector<4096x64xf32>, vector<1024x64xf32> -> vector<1024x64xf32>
    %get3A_6 = arith.constant 0 : index
    %get3A_7 = arith.constant 0 : index
    %get3A_8 = vector.load %arg3[%get3A_6, %get3A_7] : memref<1x64xf32, #tpu.memory_space<vmem>>, vector<1x64xf32>
    %add3A = vector.broadcast %get3A_8 : vector<1x64xf32> to vector<1024x64xf32>
    %add3A_9 = arith.addf %dot_general3A_5, %add3A : vector<1024x64xf32>
    %swap3A = arith.constant 0 : index
    %swap3A_10 = arith.constant 0 : index
    %swap3A_11 = vector.load %arg4[%swap3A, %swap3A_10] : memref<1024x64xf32, #tpu.memory_space<vmem>>, vector<1024x64xf32>
    tpu.vector_store %arg4[%swap3A, %swap3A_10], %add3A_9 {strides = array<i32>} : memref<1024x64xf32, #tpu.memory_space<vmem>>, vector<1024x64xf32>,
    return
  }
  func.func @transform_0(%arg0: i32) -> (i32, i32) {
    %add3A = arith.constant 16 : i32
    %add3A_0 = arith.addi %arg0, %add3A : i32
    %c0_i32 = arith.constant 0 : i32
    %c0_i32_1 = arith.constant 0 : i32
    return %add3A_0, %c0_i32 : i32, i32
  }
  func.func @transform_1(%arg0: i32) -> (i32, i32) {
    %c0_i32 = arith.constant 0 : i32
    %c0_i32_0 = arith.constant 0 : i32
    %c0_i32_1 = arith.constant 0 : i32
    return %c0_i32, %c0_i32_0 : i32, i32
  }
  func.func @transform_2(%arg0: i32) -> (i32, i32) {
    %c0_i32 = arith.constant 0 : i32
    %c0_i32_0 = arith.constant 0 : i32
    %c0_i32_1 = arith.constant 0 : i32
    return %c0_i32, %c0_i32_0 : i32, i32
  }
  func.func @transform_3(%arg0: i32) -> (i32, i32) {
    %c0_i32 = arith.constant 0 : i32
    %c0_i32_0 = arith.constant 0 : i32
    return %arg0, %c0_i32 : i32, i32
  }
}

module attributes {stable_mosaic.version = 14 : i64} {
  func.func @_mm_block(%arg0: i32, %arg1: memref<1024x4096xf32, #tpu.memory_space<vmem>>, %arg2: memref<4096x64xf32, #tpu.memory_space<vmem>>, %arg3: memref<1x64xf32, #tpu.memory_space<vmem>>, %arg4: memref<1024x64xf32, #tpu.memory_space<vmem>>) attributes {dimension_semantics = [#tpu.dimension_semantics<arbitrary>], iteration_bounds = array<i64: 16>, scalar_prefetch = 0 : i64, scratch_operands = 0 : i64, tpu.core_type = #tpu.core_type<tc>, window_params = [{transform_indices = @transform_0, window_bounds = array<i64: 1024, 4096>}, {pipeline_mode = #tpu.pipeline_mode<synchronous>, transform_indices = @transform_1, window_bounds = array<i64: 4096, 64>}, {pipeline_mode = #tpu.pipeline_mode<synchronous>, transform_indices = @transform_2, window_bounds = array<i64: 1, 64>}, {transform_indices = @transform_3, window_bounds = array<i64: 1024, 64>}]} {
    %get3A = arith.constant 0 : index
    %get3A_0 = arith.constant 0 : index
    %get3A_1 = vector.load %arg1[%get3A, %get3A_0] : memref<1024x4096xf32, #tpu.memory_space<vmem>>, vector<1024x4096xf32>
    %get3A_2 = arith.constant 0 : index
    %get3A_3 = arith.constant 0 : index
    %get3A_4 = vector.load %arg2[%get3A_2, %get3A_3] : memref<4096x64xf32, #tpu.memory_space<vmem>>, vector<4096x64xf32>
    %dot_general3A = arith.constant dense<0.000000e+00> : vector<1024x64xf32>
    %dot_general3A_5 = tpu.matmul %get3A_1, %get3A_4, %dot_general3A {dimension_numbers = #tpu.dot_dimension_numbers<[1], [0], [0], [1], [0, 0, 1, 1], [], []>, transpose_lhs_hint = false} : vector<1024x4096xf32>, vector<4096x64xf32>, vector<1024x64xf32> -> vector<1024x64xf32>
    %get3A_6 = arith.constant 0 : index
    %get3A_7 = arith.constant 0 : index
    %get3A_8 = vector.load %arg3[%get3A_6, %get3A_7] : memref<1x64xf32, #tpu.memory_space<vmem>>, vector<1x64xf32>
    %add3A = vector.broadcast %get3A_8 : vector<1x64xf32> to vector<1024x64xf32>
    %add3A_9 = arith.addf %dot_general3A_5, %add3A : vector<1024x64xf32>
    %swap3A = arith.constant 0 : index
    %swap3A_10 = arith.constant 0 : index
    %swap3A_11 = vector.load %arg4[%swap3A, %swap3A_10] : memref<1024x64xf32, #tpu.memory_space<vmem>>, vector<1024x64xf32>
    tpu.vector_store %arg4[%swap3A, %swap3A_10], %add3A_9 {strides = array<i32>} : memref<1024x64xf32, #tpu.memory_space<vmem>>, vector<1024x64xf32>,
    return
  }
  func.func @transform_0(%arg0: i32) -> (i32, i32) {
    %add3A = arith.constant 0 : i32
    %add3A_0 = arith.addi %arg0, %add3A : i32
    %c0_i32 = arith.constant 0 : i32
    %c0_i32_1 = arith.constant 0 : i32
    return %add3A_0, %c0_i32 : i32, i32
  }
  func.func @transform_1(%arg0: i32) -> (i32, i32) {
    %c0_i32 = arith.constant 0 : i32
    %c0_i32_0 = arith.constant 0 : i32
    %c0_i32_1 = arith.constant 0 : i32
    return %c0_i32, %c0_i32_0 : i32, i32
  }
  func.func @transform_2(%arg0: i32) -> (i32, i32) {
    %c0_i32 = arith.constant 0 : i32
    %c0_i32_0 = arith.constant 0 : i32
    %c0_i32_1 = arith.constant 0 : i32
    return %c0_i32, %c0_i32_0 : i32, i32
  }
  func.func @transform_3(%arg0: i32) -> (i32, i32) {
    %c0_i32 = arith.constant 0 : i32
    %c0_i32_0 = arith.constant 0 : i32
    return %arg0, %c0_i32 : i32, i32
  }
}

</mosaic_0001>

<sc_bundles>
// kernel: kernel.6.cloned.1.call-start
scs
__scs_entry_jumppad:
0x0: {  	(pc) =	sbr.rel $0x88, $3  }
0x1: {  	(tag) =	ssettag $0x0;
	lr =	simm.s32 $0x1  }
0x2: {  	[smem:$0x3F9E] =	sst lr;
	_ =	strace $0xD0000000  }
0x3: {  	_ = 	snop  }
0x4: {  	_ = 	snop  }
0x5: {  	_ = 	snop  }
0x6: {  	_ = 	snop  }
0x7: {  	_ = 	snop  }
__scs_overlays_trampoline_lowered:
0x8: {  	[smem:$0x3FAD] =	sst s0  }
0x9: {  	[smem:$0x3FAE] =	sst s1  }
0xa: {  	[smem:$0x3FAF] =	sst s2  }
0xb: {  	[smem:$0x3FB0] =	sst s3  }
0xc: {  	[smem:$0x3FB1] =	sst s4  }
0xd: {  	[smem:$0x3FB2] =	sst s5  }
0xe: {  	[smem:$0x3FB3] =	sst s6  }
0xf: {  	[smem:$0x3FB4] =	sst s7  }
0x10: {  	[smem:$0x3FB5] =	sst s8  }
0x11: {  	[smem:$0x3FB6] =	sst s9;
	s0 =	simm.s32 @!p0 $0x0  }
0x12: {  	s1 =	sld [smem:$0x3F9C];
	s0 =	simm.s32 @p0 $0x1  }
0x13: {  	[smem:$0x3FB7] =	sst s0;
	s0 =	simm.s32 @!p1 $0x0  }
0x14: {  	s2 =	sld [smem:$0x3F9B];
	s0 =	simm.s32 @p1 $0x1  }
0x15: {  	[smem:$0x3FB8] =	sst s0;
	s0 =	simm.s32 @!p2 $0x0  }
0x16: {  	s3 =	sld [smem:$0x3FDB];
	s0 =	simm.s32 @p2 $0x1  }
0x17: {  	s4 =	simm.s32 $0x1BF5;
	[smem:$0x3FBA] =	sst s0  }
0x18: {  	s0 =	sld [smem:$0x3F9D];
	_ =	swait.ge [sflag:s4], $0x0  }
0x19: {  	s7 =	sld [smem:$0x3F9E]  }
0x1a: {  	s8 =	sadd.s32 $0xFFFFE003, lr  }
0x1b: {  	s9 =	sadd.s32 $0xFFFFFEF7, lr;
	s5 =	simm.s32 $0xFFFFFFFF;
	p2 =	slt.u32 s8, $0xFFFFF086  }
0x1c: {  	p1 =	slt.u32 s9, $0xF7A;
	s5 =	simm.s32 @!p2 $0x0  }
0x1d: {  	s5 =	simm.s32 @p1 $0x1;
	p0 =	seq.s32 s7, s2  }
0x1e: {  	s7 =	smul.u32 @!p0 $0xF7A, s2;
	p2 =	seq.s32 @!p0 s5, $0x0  }
0x1f: {  	s9 =	smul.u32 $0xF7A, s1;
	s8 =	simm.s32 @!p0 $0x1BF5;
	p2 =	por !p2, p0  }
0x20: {  	[sflag:s8] =	ssyncset.s32 @!p0 $0xFFFFF086;
	s6 =	sadd.s32 @!p0 s3, s7;
	s7 =	simm.s32 @!p0 $0x108  }
0x21: {  	s3 =	sadd.s32 s3, s9;
	s6 =	sadd.s32 @!p0 $0x88, s6;
	s7 =	simm.s32 @p2 $0x1082  }
0x22: {  	[simem:s7], [sflag:s8] =	dma.local @!p0 [hbm:s6], $0xF7A  }
0x23: {  	s9 =	sor.u32 $0xD0000000, s2;
	s6 =	simm.s32 $0x108;
	_ =	swait.ge @!p0 [sflag:s8], $0x0  }
0x24: {  	s3 =	sadd.s32 $0x88, s3;
	s6 =	simm.s32 @!p1 $0x1082;
	[sflag:s4] =	ssyncset.s32 $0xFFFFF086  }
0x25: {  	[simem:s6], [sflag:s4] =	dma.local [hbm:s3], $0xF7A  }
0x26: {  	[smem:$0x3F9E] =	sst s1;
	(tag) =	ssettag s2;
	_ =	strace s9  }
0x27: {  	s1 =	sld [smem:$0x3FAE]  }
0x28: {  	s2 =	sld [smem:$0x3FAF]  }
0x29: {  	s4 =	sld [smem:$0x3FB1]  }
0x2a: {  	p0 =	seq.s32 s5, $0x0;
	s5 =	sld [smem:$0x3FB2]  }
0x2b: {  	s6 =	sld [smem:$0x3FB3]  }
0x2c: {  	s7 =	sld [smem:$0x3FB4]  }
0x2d: {  	s3 =	simm.s32 $0x108;
	s8 =	sld [smem:$0x3FB5]  }
0x2e: {  	s3 =	simm.s32 @!p0 $0x1082;
	s9 =	sld [smem:$0x3FB6]  }
0x2f: {  	lr =	sadd.s32 s0, s3;
	s0 =	sld [smem:$0x3FAD]  }
0x30: {  	s3 =	sld [smem:$0x3FB0]  }
0x31: {  	[smem:$0x3FB9] =	sst s10  }
0x32: {  	s10 =	sld [smem:$0x3FB7];
	_ =	sdelay $0x3  }
0x33: {  	p0 =	seq.s32 s10, $0x1;
	s10 =	sld [smem:$0x3FB9];
	_ =	sdelay $0x3  }
0x34: {  	[smem:$0x3FB9] =	sst s10  }
0x35: {  	s10 =	sld [smem:$0x3FB8];
	_ =	sdelay $0x3  }
0x36: {  	p1 =	seq.s32 s10, $0x1;
	s10 =	sld [smem:$0x3FB9];
	_ =	sdelay $0x3  }
0x37: {  	[smem:$0x3FB9] =	sst s10  }
0x38: {  	s10 =	sld [smem:$0x3FBA]  }
0x39: {  	_ = 	snop;
	(pc) =	sbr.ind lr, $3  }
0x3a: {  	_ = 	snop  }
0x3b: {  	_ = 	snop  }
0x3c: {  	p2 =	seq.s32 s10, $0x1;
	s10 =	sld [smem:$0x3FB9]  }
0x3d: {  	_ =	shalt  }
0x3e: {  	_ =	shalt  }
0x3f: {  	_ =	shalt  }
0x40: {  	_ =	shalt  }
0x41: {  	_ =	shalt  }
0x42: {  	_ =	shalt  }
0x43: {  	_ =	shalt  }
0x44: {  	_ =	shalt  }
0x45: {  	_ =	shalt  }
0x46: {  	_ =	shalt  }
0x47: {  	_ =	shalt  }
0x48: {  	_ =	shalt  }
0x49: {  	_ =	shalt  }
0x4a: {  	_ =	shalt  }
0x4b: {  	_ =	shalt  }
0x4c: {  	_ =	shalt  }
0x4d: {  	_ =	shalt  }
0x4e: {  	_ =	shalt  }
0x4f: {  	_ =	shalt  }
0x50: {  	_ =	shalt  }
0x51: {  	_ =	shalt  }
0x52: {  	_ =	shalt  }
0x53: {  	_ =	shalt  }
0x54: {  	_ =	shalt  }
0x55: {  	_ =	shalt  }
0x56: {  	_ =	shalt  }
0x57: {  	_ =	shalt  }
0x58: {  	_ =	shalt  }
0x59: {  	_ =	shalt  }
0x5a: {  	_ =	shalt  }
0x5b: {  	_ =	shalt  }
0x5c: {  	_ =	shalt  }
0x5d: {  	_ =	shalt  }
0x5e: {  	_ =	shalt  }
0x5f: {  	_ =	shalt  }
0x60: {  	_ =	shalt  }
0x61: {  	_ =	shalt  }
0x62: {  	_ =	shalt  }
0x63: {  	_ =	shalt  }
0x64: {  	_ =	shalt  }
0x65: {  	_ =	shalt  }
0x66: {  	_ =	shalt  }
0x67: {  	_ =	shalt  }
0x68: {  	_ =	shalt  }
0x69: {  	_ =	shalt  }
0x6a: {  	_ =	shalt  }
0x6b: {  	_ =	shalt  }
0x6c: {  	_ =	shalt  }
0x6d: {  	_ =	shalt  }
0x6e: {  	_ =	shalt  }
0x6f: {  	_ =	shalt  }
0x70: {  	_ =	shalt  }
0x71: {  	_ =	shalt  }
0x72: {  	_ =	shalt  }
0x73: {  	_ =	shalt  }
0x74: {  	_ =	shalt  }
0x75: {  	_ =	shalt  }
0x76: {  	_ =	shalt  }
0x77: {  	_ =	shalt  }
0x78: {  	_ =	shalt  }
0x79: {  	_ =	shalt  }
0x7a: {  	_ =	shalt  }
0x7b: {  	_ =	shalt  }
0x7c: {  	_ =	shalt  }
0x7d: {  	_ =	shalt  }
0x7e: {  	_ =	shalt  }
0x7f: {  	_ =	shalt  }
0x80: {  	_ =	shalt  }
0x81: {  	_ =	shalt  }
0x82: {  	_ =	shalt  }
0x83: {  	_ =	shalt  }
0x84: {  	_ =	shalt  }
0x85: {  	_ =	shalt  }
0x86: {  	_ =	shalt  }
0x87: {  	_ =	shalt  }
.Lfunc_end0:
.L_simem_size_0:
called_computation_lowered:
.L_overlay_start_0:
0x88: {  	s2 =	sld [smem:$0x3FD9]  }
0x89: {  	s3 =	sld [smem:$0x3FFE];
	_ =	sdelay $0x1  }
0x8a: {  	s1 =	srdreg.scid  }
0x8b: {  	s0 =	sand.u32 $0x1, s1  }
0x8c: {  	s16 =	sshll.u32 s0, $0xA;
	s2 =	sadd.s32 s3, s2  }
0x8d: {  	s2 =	sadd.s32 s2, s16  }
0x8e: {  	[smem:$0x3FC5] =	sst s2  }
0x8f: {  	_ = 	snop  }
0x90: {  	(tm) =	ssettm $0x1  }
0x91: {  	s17 =	sld [smem:$0x3FFB];
	_ =	sdelay $0x3  }
0x92: {  	_ =	strace s17  }
0x93: {  	s2 =	sld [smem:$0x3FFC];
	_ =	sdelay $0x3  }
0x94: {  	_ =	strace s2  }
0x95: {  	s2 =	sld [smem:$0x3FFD];
	_ =	sdelay $0x3  }
0x96: {  	_ =	strace s2  }
0x97: {  	_ =	strace $0x8FFFFFFF  }
0x98: {  	s18 =	sld [smem:$0x3FDB];
	_ =	sdelay $0x1  }
0x99: {  	s19 =	simm.s32 $_scs_section_size  }
0x9a: {  	s4 =	simm.s32 $_size__tile_overlayer_lowered;
	s5 =	simm.s32 $_tile_overlayer_lowered  }
0x9b: {  	s22 =	simm.s32 $0x1BFF;
	s21 =	sshll.u32 s5, $0x1;
	s2 =	sadd.s32 s19, s18  }
0x9c: {  	s6 =	simm.s32 $0x0;
	s20 =	sshll.u32 s4, $0x1;
	s4 =	sadd.s32 s21, s2  }
0x9d: {  	[timem:s6], [sflag:s22] =	dma.local [hbm:s4], s20  }
0x9e: {  	_ =	swait.ge [sflag:s22], s20  }
0x9f: {  	s3 =	ssub.s32 $0x0, s20;
	[sflag:s22] =	ssyncset.done $0x0  }
0xa0: {  	[sflag:s22] =	ssyncadd.s32 s3;
	_ =	sdelay $0x1  }
0xa1: {  	s23 =	simm.s32 $0x1B8B  }
0xa2: {  	_ =	swait.ge [sflag:s23], $0x1  }
0xa3: {  	[sflag:s23] =	ssyncset.done $0x0  }
0xa4: {  	s25 =	simm.s32 $0x1B8E;
	s24 =	sld [smem:$0x3FFE];
	[sflag:s23] =	ssyncadd.s32 $0xFFFFFFFF  }
0xa5: {  	s26 =	simm.s32 $execute0_lowered;
	[smem:$0x3FD2] =	sst s25  }
0xa6: {  	s4 =	sshll.u32 s26, $0x1;
	_ =	strace $0x80000046;
	[dreg:$0x1] =	wrdreg $0xFFFFFFFF  }
0xa7: {  	s28 =	simm.s32 $_size_execute0_lowered;
	s2 =	sadd.s32 s2, s4;
	[dreg:$0x0] =	wrdreg $0x0  }
0xa8: {  	s4 =	sshll.u32 s28, $0x1;
	[dreg:$0x2] =	wrdreg s2  }
0xa9: {  	[dreg:$0x3] =	wrdreg s4  }
0xaa: {  	[dreg:$0x4] =	wrdreg $0xC0  }
0xab: {  	_ =	task [dreg:s6], $0x5FFFF  }
0xac: {  	[dreg:$0x1] =	wrdreg $0xFFFFFFFF  }
0xad: {  	[dreg:$0x0] =	wrdreg $0x60  }
0xae: {  	[dreg:$0x2] =	wrdreg s24  }
0xaf: {  	[dreg:$0x3] =	wrdreg $0x9  }
0xb0: {  	_ =	task.clear_ibuf [dreg:s6], $0x4FFFF;
	_ =	strace $0x90000046  }
0xb1: {  	s29 =	simm.s32 $0x9;
	_ =	strace $0x80000048  }
0xb2: {  	_ =	swait.ge [sflag:s29], $0x1  }
0xb3: {  	[sflag:s29] =	ssyncadd.s32 $0xFFFFFFFF  }
0xb4: {  	_ =	strace $0x90000048  }
0xb5: {  	_ =	sfence  }
0xb6: {  	s30 =	sld [smem:$0x0];
	_ =	sdelay $0x2  }
0xb7: {  	s31 =	sshll.u32 s1, $0xD;
	s1 =	sshrl.u32 s1, $0x2  }
0xb8: {  	s3 =	sand.u32 $0x4000, s31;
	s1 =	sadd.s32 s1, s30  }
0xb9: {  	s0 =	sor.u32 s3, s0;
	s1 =	sshll.u32 s1, $0x11  }
0xba: {  	s0 =	sor.u32 s1, s0  }
0xbb: {  	s0 =	sadd.s32 $0x8F2B, s0  }
0xbc: {  	[sflag:s0] =	ssyncadd.remote.s32 $0x1  }
0xbd: {  	_ =	sfence.sel $0xFFFF  }
0xbe: {  	[dreg:$0x0] =	wrdreg $0xFFFFFFFF;
	(pc) =	sbr.abs _section_cstart, $3  }
0xbf: {  	[dreg:$0x1] =	wrdreg $0xFFFFFFFF  }
0xc0: {  	_ =	task.clear_ibuf [dreg:s6], $0x2FFFF;
	_ =	strace $0x9FFFFFFF  }
0xc1: {  	(tm) =	ssettm $0x7FFFFFFF  }
tec
execute0_lowered:
.L_overlay_start_1:
0x0: {  	(tag) =	ssettag $0x1  }
0x1: {  	s3 =	rddreg [dreg:$0x0]  }
0x2: {  	s0 =	rddreg [dreg:$0x1]  }
0x3: {  	s1 =	simm.s32 $0x0;
	s2 =	srdreg.scid;
	s12 =	simm.s32 $0x10000  }
0x4: {  	s13 =	simm.s32 $0x0;
	[smem:$0x7FF] =	sst s1;
	s6 =	sadd.s32 $0x1A00, s3  }
0x5: {  	s4 =	sand.u32 $0x1, s2;
	s7 =	sadd.s32 $0x41A00, s3;
	s2 =	stileid.u32  }
0x6: {  	s5 =	ssub.s32 $0x2, s4;
	s9 =	sshll.u32 s2, $0xE;
	s4 =	sshll.u32 s4, $0xD  }
0x7: {  	s10 =	sadd.s32 $0x81A00, s3;
	s8 =	sshrl.u32 s5, $0x1;
	s30 =	sor.u32 s4, s9  }
0x8: {  	_ =	strace $0x80000047;
	s11 =	ssub.s32 s5, s8;
	s3 =	sadd.s32 s6, s30  }
0x9: {  	s4 =	sadd.s32 s7, s30;
	s31 =	sor.u32 $0x1000, s30;
	s5 =	sadd.s32 s10, s30  }
0xa: {  	v0 =	vlaneseq.u32;
	vm0 =	vmmov $0xff;
	s6 =	sadd.s32 s6, s31;
	s7 =	sadd.s32 s7, s31;
	s8 =	sadd.s32 s10, s31  }
0xb: {  	v1 =	vor.u32 $0x10, v0;
	v2 =	vor.u32 $0x20, v0;
	v3 =	vor.u32 $0x30, v0;
	s9 =	smax.u32 s11, $0x1;
	s10 =	simm.s32 $0x1;
	s11 =	simm.s32 $0x8000  }
.LBB2_1:
0xc: {  	[tilespmem:s1], [sflag:$0x1] =	stream.linear.gather [hbm4b:s3+s1], $0x8000, $0x38;
	[tilespmem:$0x18000] =	vst v63  }
0xd: {  	_ =	swait.ge [sflag:s10], $0x8000  }
0xe: {  	[sflag:s10] =	ssyncset.done $0x0  }
0xf: {  	s14 =	simm.s32 $0x100;
	[sflag:s10] =	ssyncadd.s32 $0xFFFF8000  }
0x10: {  	v4 =	vld [tilespmem:s14+$0xB0]  }
0x11: {  	v5 =	vld [tilespmem:s14+$0xA0]  }
0x12: {  	v6 =	vld [tilespmem:s14+$0x90]  }
0x13: {  	v7 =	vld [tilespmem:s14+$0x80]  }
0x14: {  	v8 =	vld [tilespmem:s14+$0x30]  }
0x15: {  	(xrf1) =	vsort.ascd.msk.f32 $0xffff, v4, v3;
	v4 =	vld [tilespmem:s14+$0xFFFFFFB0]  }
0x16: {  	(xrf1) =	vsort.dscd.msk.f32 $0xffff, v5, v2;
	v5 =	vld [tilespmem:s14+$0xFFFFFFA0]  }
0x17: {  	v9 =	vld [tilespmem:s14+$0x10];
	(xrf1) =	vsort.ascd.msk.f32 $0xffff, v6, v1  }
0x18: {  	v6 =	vld [tilespmem:s14+$0x0];
	(xrf1) =	vsort.dscd.msk.f32 $0xffff, v7, v0  }
0x19: {  	v7 =	vld [tilespmem:s14+$0x20];
	(xrf1) =	vsort.ascd.msk.f32 $0xffff, v8, v3  }
0x1a: {  	(xrf1) =	vsort.ascd.msk.f32 $0xffff, v4, v3  }
0x1b: {  	(xrf1) =	vsort.dscd.msk.f32 $0xffff, v5, v2  }
0x1c: {  	v8 =	vld [tilespmem:s14+$0xFFFFFF80];
	(xrf1) =	vsort.ascd.msk.f32 $0xffff, v9, v1  }
0x1d: {  	v4 =	vld [tilespmem:s14+$0xFFFFFF30];
	(xrf1) =	vsort.dscd.msk.f32 $0xffff, v6, v0  }
0x1e: {  	v5 =	vld [tilespmem:s14+$0xFFFFFF20];
	(xrf1) =	vsort.dscd.msk.f32 $0xffff, v7, v2  }
0x1f: {  	v9 =	vld [tilespmem:s14+$0xFFFFFF90]  }
0x20: {  	v6 =	vld [tilespmem:s14+$0xFFFFFF00]  }
0x21: {  	v7 =	vld [tilespmem:s14+$0xFFFFFF10];
	(xrf1) =	vsort.dscd.msk.f32 $0xffff, v8, v0  }
0x22: {  	(xrf1) =	vsort.ascd.msk.f32 $0xffff, v4, v3  }
0x23: {  	(xrf1) =	vsort.dscd.msk.f32 $0xffff, v5, v2;
	v4, v5, _ =	vpop (xrf1)  }
0x24: {  	(xrf1) =	vsort.ascd.msk.f32 $0xffff, v9, v1;
	v8, v9, _ =	vpop (xrf1)  }
0x25: {  	(xrf1) =	vsort.dscd.msk.f32 $0xffff, v6, v0;
	v10, v14, _ =	vpop (xrf1)  }
0x26: {  	(xrf1) =	vsort.ascd.msk.f32 $0xffff, v7, v1;
	v15, v16, _ =	vpop (xrf1)  }
0x27: {  	v6, v7, _ =	vpop (xrf1)  }
0x28: {  	v11, v12, _ =	vpop (xrf1)  }
0x29: {  	v13, v17, _ =	vpop (xrf1)  }
0x2a: {  	v18, v19, _ =	vpop (xrf1)  }
0x2b: {  	v20, v21, _ =	vpop (xrf1)  }
0x2c: {  	v22, v23, _ =	vpop (xrf1)  }
0x2d: {  	vm2 =	vge.f32 v22, v6  }
0x2e: {  	v7 =	vsel vm2, v23, v7  }
0x2f: {  	vm1 =	vge.f32 v13, v11;
	v24, v25, _ =	vpop (xrf1);
	v6 =	vsel vm2, v22, v6  }
0x30: {  	v12 =	vsel vm1, v17, v12;
	v26, v27, _ =	vpop (xrf1)  }
0x31: {  	v11 =	vsel vm1, v13, v11;
	vm1 =	vge.f32 v20, v18;
	v13, v22, _ =	vpop (xrf1);
	(xrf1) =	vsort.ascd.msk.f32 $0xffff, v6, v7  }
0x32: {  	v17 =	vsel vm1, v20, v18;
	v18 =	vsel vm1, v21, v19;
	(xrf1) =	vsort.ascd.msk.f32 $0xffff, v11, v12;
	v6, v7, _ =	vpop (xrf1)  }
0x33: {  	(xrf1) =	vsort.dscd.msk.f32 $0xffff, v17, v18;
	v19, v20, _ =	vpop (xrf1)  }
0x34: {  	vm1 =	vge.f32 v13, v26;
	v11, v12, _ =	vpop (xrf1)  }
0x35: {  	v13 =	vsel vm1, v13, v26;
	v17 =	vsel vm1, v22, v27;
	vm1 =	vge.f32 v19, v11  }
0x36: {  	s25 =	simm.s32 $0x300;
	(xrf1) =	vsort.ascd.msk.f32 $0xffff, v13, v17;
	v11 =	vsel vm1, v19, v11;
	v12 =	vsel vm1, v20, v12  }
0x37: {  	(xrf1) =	vsort.dscd.msk.f32 $0xffff, v11, v12;
	v11 =	vld [tilespmem:s25+$0xB0]  }
0x38: {  	v12 =	vld [tilespmem:s25+$0xA0]  }
0x39: {  	v13 =	vld [tilespmem:s25+$0x90];
	vm1 =	vge.f32 v24, v6  }
0x3a: {  	v17 =	vld [tilespmem:s25+$0x80];
	v6 =	vsel vm1, v24, v6;
	v7 =	vsel vm1, v25, v7  }
0x3b: {  	v18 =	vld [tilespmem:s25+$0x30];
	(xrf1) =	vsort.dscd.msk.f32 $0xffff, v6, v7  }
0x3c: {  	v6 =	vld [tilespmem:s25+$0xFFFFFFB0];
	(xrf1) =	vsort.ascd.msk.f32 $0xffff, v11, v3  }
0x3d: {  	v7 =	vld [tilespmem:s25+$0xFFFFFFA0];
	(xrf1) =	vsort.dscd.msk.f32 $0xffff, v12, v2  }
0x3e: {  	v11 =	vld [tilespmem:s25+$0x10];
	(xrf1) =	vsort.ascd.msk.f32 $0xffff, v13, v1  }
0x3f: {  	v12, v13, _ =	vpop (xrf1);
	(xrf1) =	vsort.dscd.msk.f32 $0xffff, v17, v0  }
0x40: {  	v17 =	vld [tilespmem:s25+$0x0];
	v19, v21, _ =	vpop (xrf1);
	(xrf1) =	vsort.ascd.msk.f32 $0xffff, v18, v3  }
0x41: {  	v18 =	vld [tilespmem:s25+$0x20];
	v20, v22, _ =	vpop (xrf1);
	(xrf1) =	vsort.ascd.msk.f32 $0xffff, v6, v3  }
0x42: {  	vm1 =	vge.f32 v20, v12;
	(xrf1) =	vsort.dscd.msk.f32 $0xffff, v7, v2  }
0x43: {  	v12 =	vsel vm1, v20, v12;
	v13 =	vsel vm1, v22, v13;
	(xrf1) =	vsort.ascd.msk.f32 $0xffff, v11, v1  }
0x44: {  	v6 =	vld [tilespmem:s25+$0xFFFFFF80];
	v7, v23, _ =	vpop (xrf1);
	(xrf1) =	vsort.dscd.msk.f32 $0xffff, v12, v13  }
0x45: {  	v11 =	vld [tilespmem:s25+$0xFFFFFF30];
	v20, v22, _ =	vpop (xrf1);
	(xrf1) =	vsort.dscd.msk.f32 $0xffff, v17, v0  }
0x46: {  	v12 =	vld [tilespmem:s25+$0xFFFFFF20];
	vm1 =	vge.f32 v20, v7;
	(xrf1) =	vsort.dscd.msk.f32 $0xffff, v18, v2  }
0x47: {  	v13 =	vld [tilespmem:s25+$0xFFFFFF90];
	v7 =	vsel vm1, v20, v7;
	v17 =	vsel vm1, v22, v23  }
0x48: {  	v22 =	vld [tilespmem:s25+$0xFFFFFF00];
	(xrf1) =	vsort.dscd.msk.f32 $0xffff, v7, v17  }
0x49: {  	v24, v25, _ =	vpop (xrf1);
	v23 =	vld [tilespmem:s25+$0xFFFFFF10];
	(xrf1) =	vsort.dscd.msk.f32 $0xffff, v6, v0  }
0x4a: {  	(xrf1) =	vsort.ascd.msk.f32 $0xffff, v11, v3;
	v18, v11, _ =	vpop (xrf1)  }
0x4b: {  	(xrf1) =	vsort.dscd.msk.f32 $0xffff, v12, v2;
	v20, v17, _ =	vpop (xrf1)  }
0x4c: {  	vm1 =	vge.f32 v24, v19;
	(xrf1) =	vsort.ascd.msk.f32 $0xffff, v13, v1;
	v7, v6, _ =	vpop (xrf1)  }
0x4d: {  	v21 =	vsel vm1, v25, v21;
	(xrf1) =	vsort.dscd.msk.f32 $0xffff, v22, v0;
	v13, v12, _ =	vpop (xrf1)  }
0x4e: {  	v19 =	vsel vm1, v24, v19;
	(xrf1) =	vsort.ascd.msk.f32 $0xffff, v23, v1;
	v22, v23, _ =	vpop (xrf1)  }
0x4f: {  	vm1 =	vge.f32 v8, v4;
	v24, v25, _ =	vpop (xrf1)  }
0x50: {  	v5 =	vsel vm1, v9, v5;
	v26, v27, _ =	vpop (xrf1)  }
0x51: {  	v4 =	vsel vm1, v8, v4;
	vm1 =	vge.f32 v15, v10;
	(xrf1) =	vsort.dscd.msk.f32 $0xffff, v19, v21;
	v19, v21, _ =	vpop (xrf1)  }
0x52: {  	v8 =	vsel vm1, v15, v10;
	v28, v9, _ =	vpop (xrf1)  }
0x53: {  	v10 =	vsel vm1, v16, v14;
	v14, v15, _ =	vpop (xrf1)  }
0x54: {  	(xrf1) =	vsort.ascd.msk.f32 $0xffff, v4, v5;
	v4, v5, _ =	vpop (xrf1)  }
0x55: {  	vm1 =	vge.f32 v4, v22  }
0x56: {  	(xrf1) =	vsort.dscd.msk.f32 $0xffff, v8, v10;
	v10, v8, _ =	vpop (xrf1);
	v5 =	vsel vm1, v5, v23  }
0x57: {  	(xrf0) =	vmax.scan.msk.f32 $0xffff, v28;
	v4 =	vsel vm1, v4, v22;
	v29, v30, _ =	vpop (xrf1)  }
0x58: {  	v16, v31, _ =	vpop (xrf1)  }
0x59: {  	vm1 =	vge.f32 v14, v19;
	v22, v23, _ =	vpop (xrf1)  }
0x5a: {  	vm2 =	vge.f32 v26, v24;
	(xrf1) =	vsort.ascd.msk.f32 $0xffff, v4, v5;
	v14 =	vsel vm1, v14, v19;
	v4, v5, _ =	vpop (xrf1)  }
0x5b: {  	v24 =	vsel vm2, v26, v24;
	v25 =	vsel vm2, v27, v25;
	vm2 =	vge.f32 v22, v16;
	v19, v26, _ =	vpop (xrf1)  }
0x5c: {  	v15 =	vsel vm1, v15, v21;
	(xrf1) =	vsort.ascd.msk.f32 $0xffff, v24, v25;
	v16 =	vsel vm2, v22, v16;
	v21, v22, _ =	vpop (xrf1)  }
0x5d: {  	(xrf1) =	vsort.dscd.msk.f32 $0xffff, v14, v15;
	v14, _, _ =	vpop (xrf0)  }
0x5e: {  	v23 =	vsel vm2, v23, v31;
	vm1 =	vge.f32 v19, v21;
	v14 =	vbroadcast v14, $0xF  }
0x5f: {  	s26 =	simm.s32 $0x500;
	(xrf1) =	vsort.ascd.msk.f32 $0xffff, v16, v23;
	v19 =	vsel vm1, v19, v21  }
0x60: {  	(xrf0) =	vmax.scan.msk.f32 $0xffff, v10;
	v15 =	vld [tilespmem:s26+$0xB0];
	v21 =	vsel vm1, v26, v22;
	vm1 =	vge.f32 v29, v4;
	v14 =	vsub.f32 v28, v14  }
0x61: {  	v22 =	vld [tilespmem:s26+$0xA0];
	(xrf1) =	vsort.dscd.msk.f32 $0xffff, v19, v21;
	v4 =	vsel vm1, v29, v4;
	v5 =	vsel vm1, v30, v5  }
0x62: {  	v24 =	vld [tilespmem:s26+$0x90];
	(xrf1) =	vsort.dscd.msk.f32 $0xffff, v4, v5;
	v4 =	vmul.f32 $1.442695020e+00, v14  }
0x63: {  	v23, v16, _ =	vpop (xrf1);
	v19 =	vld [tilespmem:s26+$0x80]  }
0x64: {  	(xrf0) =	vmax.scan.msk.f32 $0xffff, v23  }
0x65: {  	(xrf1) =	vsort.ascd.msk.f32 $0xffff, v15, v3;
	v5, v14, _ =	vpop (xrf1)  }
0x66: {  	(xrf1) =	vsort.dscd.msk.f32 $0xffff, v22, v2;
	(erf) = vpow2.f32 v4;
	v4, _, _ =	vpop (xrf0)  }
0x67: {  	(xrf1) =	vsort.ascd.msk.f32 $0xffff, v24, v1;
	v15, v21, _ =	vpop (xrf1);
	v4 =	vbroadcast v4, $0xF  }
0x68: {  	v22 =	vld [tilespmem:s26+$0x30];
	(xrf1) =	vsort.dscd.msk.f32 $0xffff, v19, v0;
	vm1 =	vge.f32 v15, v5  }
0x69: {  	v24 =	vld [tilespmem:s26+$0xFFFFFFB0];
	v5 =	vsel vm1, v15, v5;
	v14 =	vsel vm1, v21, v14;
	v4 =	vsub.f32 v10, v4  }
0x6a: {  	v19, _, _ =	vpop (xrf0);
	v15 =	vld [tilespmem:s26+$0xFFFFFFA0];
	(xrf1) =	vsort.dscd.msk.f32 $0xffff, v5, v14  }
0x6b: {  	v4 =	vmul.f32 $1.442695020e+00, v4  }
0x6c: {  	v5 =	vld [tilespmem:s26+$0x10];
	v14 =	vbroadcast v19, $0xF;
	v10, v19, _ =	vpop (xrf1)  }
0x6d: {  	(xrf1) =	vsort.ascd.msk.f32 $0xffff, v22, v3;
	v25, v26, _ =	vpop (xrf1)  }
0x6e: {  	v21 =	vld [tilespmem:s26+$0x0];
	v14 =	vsub.f32 v23, v14;
	(xrf1) =	vsort.ascd.msk.f32 $0xffff, v24, v3;
	v23, v24, _ =	vpop (xrf1)  }
0x6f: {  	v22 =	vld [tilespmem:s26+$0x20];
	vm1 =	vge.f32 v23, v10;
	(xrf1) =	vsort.dscd.msk.f32 $0xffff, v15, v2;
	(erf) = vpow2.f32 v4;
	v4, v15, _ =	vpop (xrf1)  }
0x70: {  	v14 =	vmul.f32 $1.442695020e+00, v14;
	v10 =	vsel vm1, v23, v10;
	v19 =	vsel vm1, v24, v19;
	v23, v24, _ =	vpop (xrf1)  }
0x71: {  	(xrf1) =	vsort.ascd.msk.f32 $0xffff, v5, v1;
	v5 =	vld [tilespmem:s26+$0xFFFFFF80];
	vm1 =	vge.f32 v23, v4  }
0x72: {  	(erf) = vpow2.f32 v14;
	v14 =	vld [tilespmem:s26+$0xFFFFFF30];
	(xrf1) =	vsort.dscd.msk.f32 $0xffff, v10, v19;
	v10 =	vsel vm1, v24, v15  }
0x73: {  	v28 =	vld [tilespmem:s26+$0xFFFFFF20];
	(xrf1) =	vsort.dscd.msk.f32 $0xffff, v21, v0;
	v29, v30, _ =	vpop (xrf1)  }
0x74: {  	v4 =	vsel vm1, v23, v4;
	(xrf1) =	vsort.dscd.msk.f32 $0xffff, v22, v2;
	v22, v21, _ =	vpop (xrf1)  }
0x75: {  	v31 =	vld [tilespmem:s26+$0xFFFFFF90];
	v24, v23, _ =	vpop (xrf1);
	(xrf1) =	vsort.dscd.msk.f32 $0xffff, v4, v10  }
0x76: {  	v32 =	vld [tilespmem:s26+$0xFFFFFF00];
	(xrf1) =	vsort.dscd.msk.f32 $0xffff, v5, v0;
	v15, v10, _ =	vpop (xrf1)  }
0x77: {  	v5 =	vld [tilespmem:s26+$0xFFFFFF10];
	(xrf1) =	vsort.ascd.msk.f32 $0xffff, v14, v3;
	v19, v14, _ =	vpop (xrf1)  }
0x78: {  	(xrf1) =	vsort.dscd.msk.f32 $0xffff, v28, v2;
	v28, v4, _ =	vpop (xrf1)  }
0x79: {  	(xrf0) =	vmax.scan.msk.f32 $0xffff, v28  }
0x7a: {  	v27 =	vpop (erf);
	(xrf1) =	vsort.ascd.msk.f32 $0xffff, v31, v1  }
0x7b: {  	vm1 =	vge.f32 v29, v25;
	v33 =	vpop (erf);
	(xrf1) =	vsort.dscd.msk.f32 $0xffff, v32, v0  }
0x7c: {  	v31, v42, _ =	vpop (xrf1);
	(xrf1) =	vsort.ascd.msk.f32 $0xffff, v5, v1;
	v5 =	vsel vm1, v29, v25;
	v25 =	vsel vm1, v30, v26  }
0x7d: {  	v33 =	vnsel vm0, $0x0, v33;
	v34 =	vpop (erf)  }
0x7e: {  	(xrf2) =	vadd.scan.msk.f32 $0xffff, v33;
	v35, v36, _ =	vpop (xrf1)  }
0x7f: {  	(xrf1) =	vsort.dscd.msk.f32 $0xffff, v5, v25;
	v25, _, _ =	vpop (xrf0)  }
0x80: {  	vm1 =	vge.f32 v20, v18;
	v37, v38, _ =	vpop (xrf1);
	v25 =	vbroadcast v25, $0xF  }
0x81: {  	v20 =	vsel vm1, v20, v18;
	v26, v29, _ =	vpop (xrf1)  }
0x82: {  	v11 =	vsel vm1, v17, v11;
	vm1 =	vge.f32 v13, v7;
	v30, v5, _ =	vpop (xrf1);
	v17 =	vsub.f32 v28, v25  }
0x83: {  	v18 =	vnsel vm0, $0x0, v27;
	v7 =	vsel vm1, v13, v7;
	v12 =	vsel vm1, v12, v6;
	(xrf1) =	vsort.ascd.msk.f32 $0xffff, v20, v11;
	v27, v39, _ =	vpop (xrf1)  }
0x84: {  	v25, v28, _ =	vpop (xrf1);
	(xrf1) =	vsort.dscd.msk.f32 $0xffff, v7, v12;
	v7 =	vmul.f32 $1.442695020e+00, v17  }
0x85: {  	(xrf2) =	vadd.scan.msk.f32 $0xffff, v18;
	v11, v6, _ =	vpop (xrf1);
	vm1 =	vge.f32 v25, v31  }
0x86: {  	(xrf0) =	vmax.scan.msk.f32 $0xffff, v30;
	v17 =	vnsel vm0, $0x0, v34;
	v12, v13, _ =	vpop (xrf1);
	v20 =	vsel vm1, v25, v31  }
0x87: {  	(xrf2) =	vadd.scan.msk.f32 $0xffff, v17;
	v28 =	vsel vm1, v28, v42;
	vm1 =	vge.f32 v37, v35;
	v25, v31, _ =	vpop (xrf1)  }
0x88: {  	vm2 =	vge.f32 v27, v26;
	(erf) = vpow2.f32 v7;
	(xrf0) =	vmax.scan.msk.f32 $0xffff, v11;
	v44 =	vsel vm1, v38, v36;
	v7, v43, _ =	vpop (xrf1)  }
0x89: {  	(xrf1) =	vsort.ascd.msk.f32 $0xffff, v20, v28;
	v28 =	vsel vm1, v37, v35;
	v20, _, _ =	vpop (xrf2);
	vm1 =	vge.f32 v7, v25  }
0x8a: {  	v26 =	vsel vm2, v27, v26;
	v27, v45, _ =	vpop (xrf1);
	v7 =	vsel vm1, v7, v25  }
0x8b: {  	v29 =	vsel vm2, v39, v29;
	(xrf1) =	vsort.ascd.msk.f32 $0xffff, v28, v44;
	v47, v46, _ =	vpop (xrf1);
	v20 =	vbroadcast v20, $0xF  }
0x8c: {  	v25 =	vsel vm1, v43, v31;
	(xrf1) =	vsort.dscd.msk.f32 $0xffff, v26, v29;
	v28, v31, _ =	vpop (xrf1)  }
0x8d: {  	(xrf1) =	vsort.ascd.msk.f32 $0xffff, v7, v25;
	(erf) = vrcp.f32 v20;
	vm1 =	vge.f32 v47, v28;
	v7, _, _ =	vpop (xrf0)  }
0x8e: {  	v28 =	vsel vm1, v47, v28;
	v29 =	vsel vm1, v46, v31;
	v48, _, _ =	vpop (xrf0)  }
0x8f: {  	s17 =	simm.s32 $0x700;
	v20, _, _ =	vpop (xrf2);
	v25 =	vbroadcast v7, $0xF;
	(xrf1) =	vsort.dscd.msk.f32 $0xffff, v28, v29;
	v28 =	vbroadcast v48, $0xF  }
0x90: {  	vm2 =	vge.f32 v12, v27;
	v31 =	vld [tilespmem:s17+$0xB0];
	v26, v7, _ =	vpop (xrf1);
	v20 =	vbroadcast v20, $0xF  }
0x91: {  	v49 =	vld [tilespmem:s17+$0xA0];
	v13 =	vsel vm2, v13, v45;
	v25 =	vsub.f32 v30, v25;
	v29 =	vpop (erf)  }
0x92: {  	v12 =	vsel vm2, v12, v27;
	v27 =	vld [tilespmem:s17+$0x90];
	(xrf0) =	vmax.scan.msk.f32 $0xffff, v26;
	v50 =	vnsel vm0, $0x0, v29  }
0x93: {  	v30, _, _ =	vpop (xrf2);
	v29 =	vld [tilespmem:s17+$0x80];
	v11 =	vsub.f32 v11, v28;
	(erf) = vrcp.f32 v20;
	v25 =	vmul.f32 $1.442695020e+00, v25;
	(xrf2) =	vadd.scan.msk.f32 $0xffff, v50  }
0x94: {  	(xrf1) =	vsort.dscd.msk.f32 $0xffff, v12, v13;
	v20, v28, _ =	vpop (xrf1)  }
0x95: {  	v11 =	vmul.f32 $1.442695020e+00, v11;
	(xrf1) =	vsort.ascd.msk.f32 $0xffff, v31, v3;
	(erf) = vpow2.f32 v25;
	v12, v13, _ =	vpop (xrf1)  }
0x96: {  	v25 =	vbroadcast v30, $0xF;
	(xrf1) =	vsort.dscd.msk.f32 $0xffff, v49, v2;
	v30 =	vpop (erf)  }
0x97: {  	v31 =	vld [tilespmem:s17+$0x30];
	(erf) = vpow2.f32 v11;
	vm1 =	vge.f32 v12, v20;
	(xrf1) =	vsort.ascd.msk.f32 $0xffff, v27, v1;
	v27, v51, _ =	vpop (xrf1)  }
0x98: {  	(erf) = vrcp.f32 v25;
	v25 =	vld [tilespmem:s17+$0xFFFFFFB0];
	v11 =	vsel vm1, v12, v20;
	(xrf1) =	vsort.dscd.msk.f32 $0xffff, v29, v0;
	v12 =	vsel vm1, v13, v28;
	v13, _, _ =	vpop (xrf0)  }
0x99: {  	s28 =	simm.s32 $0x0;
	v52 =	vld [tilespmem:s17+$0xFFFFFFA0];
	v28, v29, _ =	vpop (xrf1);
	v13 =	vbroadcast v13, $0xF;
	(xrf1) =	vsort.dscd.msk.f32 $0xffff, v11, v12  }
0x9a: {  	v55 =	vld [tilespmem:s17+$0x10];
	v20 =	vor.u32 s28, v0;
	v53, v54, _ =	vpop (xrf1)  }
0x9b: {  	vm1 =	vge.f32 v24, v22;
	v56, v40, _ =	vpop (xrf1);
	v13 =	vsub.f32 v26, v13;
	v26 =	vmul.f32 v30, v33  }
0x9c: {  	v11 =	vsel vm1, v24, v22;
	v12 =	vsel vm1, v23, v21;
	(xrf1) =	vsort.ascd.msk.f32 $0xffff, v31, v3;
	v30 =	vpop (erf)  }
0x9d: {  	v21 =	vld [tilespmem:s17+$0x0];
	vm1 =	vge.f32 v19, v15;
	vm2 =	vge.f32 v53, v27;
	(xrf1) =	vsort.ascd.msk.f32 $0xffff, v25, v3;
	v13 =	vmul.f32 $1.442695020e+00, v13;
	v22, _, _ =	vpop (xrf2)  }
0x9e: {  	s29 =	simm.s32 $0x100;
	v23 =	vld [tilespmem:s17+$0x20];
	v27 =	vsel vm2, v53, v27;
	v34 =	vsel vm2, v54, v51;
	(xrf1) =	vsort.dscd.msk.f32 $0xffff, v52, v2;
	v24 =	vpop (erf);
	v22 =	vbroadcast v22, $0xF  }
0x9f: {  	v25 =	vor.u32 s29, v0;
	[tilespmem:v20+s11+$0x0] =	vst.idx.msk $0xff, v26;
	(erf) = vpow2.f32 v13;
	v26, v31, _ =	vpop (xrf1);
	(xrf1) =	vsort.ascd.msk.f32 $0xffff, v55, v1  }
0xa0: {  	s30 =	simm.s32 $0x80;
	v57 =	vld [tilespmem:s17+$0xFFFFFF80];
	v18 =	vmul.f32 v30, v18;
	[tilespmem:v20+s12+$0x0] =	vst.idx.msk $0xff, v8;
	v58 =	vpop (erf);
	(erf) = vrcp.f32 v22;
	vm2 =	vge.f32 v26, v56  }
0xa1: {  	v13 =	vsel vm1, v19, v15;
	v15 =	vld [tilespmem:s17+$0xFFFFFF30];
	(xrf1) =	vsort.dscd.msk.f32 $0xffff, v27, v34;
	v8 =	vpop (erf);
	v27 =	vor.u32 s30, v0;
	v22 =	vsel vm2, v26, v56  }
0xa2: {  	v19 =	vld [tilespmem:s17+$0xFFFFFF20];
	(xrf1) =	vsort.dscd.msk.f32 $0xffff, v21, v0;
	v20, v21, _ =	vpop (xrf1)  }
0xa3: {  	v14 =	vsel vm1, v14, v10;
	v26 =	vsel vm2, v31, v40;
	(xrf1) =	vsort.dscd.msk.f32 $0xffff, v23, v2;
	v23, v31, _ =	vpop (xrf1)  }
0xa4: {  	v59 =	vld [tilespmem:s17+$0xFFFFFF90];
	[tilespmem:v25+s11+$0x0] =	vst.idx.msk $0xff, v18;
	v17 =	vmul.f32 v8, v17;
	v18, v60, _ =	vpop (xrf1);
	(xrf1) =	vsort.dscd.msk.f32 $0xffff, v22, v26  }
0xa5: {  	v61 =	vld [tilespmem:s17+$0xFFFFFF00];
	vm1 =	vge.f32 v20, v28;
	[tilespmem:v25+s12+$0x0] =	vst.idx.msk $0xff, v9;
	(xrf1) =	vsort.dscd.msk.f32 $0xffff, v57, v0;
	v62, v22, _ =	vpop (xrf1)  }
0xa6: {  	s31 =	simm.s32 $0x180;
	v8 =	vnsel vm0, $0x0, v24;
	v26 =	vsel vm1, v20, v28;
	v28 =	vld [tilespmem:s17+$0xFFFFFF10];
	[tilespmem:v27+s11+$0x0] =	vst.idx.msk $0xff, v17;
	(xrf1) =	vsort.ascd.msk.f32 $0xffff, v15, v3;
	v63, v25, _ =	vpop (xrf1)  }
0xa7: {  	vm2 =	vge.f32 v18, v23;
	[tilespmem:v27+s12+$0x0] =	vst.idx.msk $0xff, v16;
	v16 =	vor.u32 s31, v0;
	(xrf1) =	vsort.dscd.msk.f32 $0xffff, v19, v2;
	v24, v15, _ =	vpop (xrf1)  }
0xa8: {  	v30 =	vsel vm1, v21, v29;
	v20 =	vsel vm2, v18, v23;
	v9 =	vpop (erf);
	(xrf0) =	vmax.scan.msk.f32 $0xffff, v24  }
0xa9: {  	s16 =	simm.s32 $0x4;
	v10 =	vnsel vm0, $0x0, v58;
	v21 =	vsel vm2, v60, v31;
	vm1 =	vge.f32 v63, v62;
	(xrf1) =	vsort.ascd.msk.f32 $0xffff, v59, v1;
	v17 =	vpop (erf)  }
0xaa: {  	s15 =	simm.s32 $0x8;
	s18 =	simm.s32 $0x10;
	s14 =	simm.s32 $0xC;
	v23 =	vsel vm1, v63, v62;
	v29, v27, _ =	vpop (xrf1);
	v9 =	vnsel vm0, $0x0, v9;
	(xrf1) =	vsort.dscd.msk.f32 $0xffff, v61, v0;
	v19 =	vmul.f32 v17, v50  }
.LBB2_2:
0xab: {  	p0 =	slt.u32 s18, $0xFC;
	v17 =	vsel vm1, v25, v22;
	(xrf1) =	vsort.ascd.msk.f32 $0xffff, v28, v1;
	v18, v22, _ =	vpop (xrf1);
	s19 =	smov.u32 s18;
	s18 =	sadd.s32 $0x4, s18  }
0xac: {  	v25, v28, _ =	vpop (xrf1);
	(xrf2) =	vadd.scan.msk.f32 $0xffff, v10;
	[tilespmem:v16+s11+$0x0] =	vst.idx.msk $0xff, v19  }
0xad: {  	v19, v31, _ =	vpop (xrf1);
	[tilespmem:v16+s12+$0x0] =	vst.idx.msk $0xff, v4;
	v4 =	vmov v15  }
0xae: {  	vm1 =	vge.f32 v25, v18;
	(xrf1) =	vsort.dscd.msk.f32 $0xffff, v26, v30;
	v16, _, _ =	vpop (xrf0)  }
0xaf: {  	v18 =	vsel vm1, v25, v18;
	v22 =	vsel vm1, v28, v22;
	v25, v15, _ =	vpop (xrf1);
	v16 =	vbroadcast v16, $0xF  }
0xb0: {  	v26, v28, _ =	vpop (xrf1)  }
0xb1: {  	vm1 =	vge.f32 v26, v19;
	v30, v32, _ =	vpop (xrf1);
	v16 =	vsub.f32 v24, v16;
	(xrf2) =	vadd.scan.msk.f32 $0xffff, v8  }
0xb2: {  	v19 =	vsel vm1, v26, v19;
	v24, v26, _ =	vpop (xrf1);
	(xrf1) =	vsort.ascd.msk.f32 $0xffff, v11, v12;
	v11 =	vmov v20;
	v12 =	vmov v21  }
0xb3: {  	v20 =	vsel vm1, v28, v31;
	v21, v28, _ =	vpop (xrf1);
	(xrf1) =	vsort.dscd.msk.f32 $0xffff, v13, v14;
	v33 =	vmul.f32 $1.442695020e+00, v16;
	v14 =	vmov v17  }
0xb4: {  	vm1 =	vge.f32 v30, v29;
	v13 =	vmov v23;
	v17, v31, _ =	vpop (xrf1);
	(xrf0) =	vmax.scan.msk.f32 $0xffff, v25  }
0xb5: {  	v34 =	vsel vm1, v30, v29;
	v32 =	vsel vm1, v32, v27;
	v29, v30, _ =	vpop (xrf1);
	(xrf2) =	vadd.scan.msk.f32 $0xffff, v9;
	(erf) = vpow2.f32 v33  }
0xb6: {  	(xrf1) =	vsort.ascd.msk.f32 $0xffff, v34, v32;
	v16, _, _ =	vpop (xrf2);
	vm1 =	vge.f32 v29, v17  }
0xb7: {  	v23, v27, _ =	vpop (xrf1);
	(xrf0) =	vmax.scan.msk.f32 $0xffff, v24;
	v17 =	vsel vm1, v29, v17  }
0xb8: {  	v29 =	vsel vm1, v30, v31;
	v16 =	vbroadcast v16, $0xF;
	v30, v31, _ =	vpop (xrf1);
	(xrf1) =	vsort.ascd.msk.f32 $0xffff, v18, v22  }
0xb9: {  	vm1 =	vge.f32 v21, v23;
	v18, v22, _ =	vpop (xrf1);
	(xrf1) =	vsort.dscd.msk.f32 $0xffff, v19, v20  }
0xba: {  	v19 =	vsel vm1, v21, v23;
	vm2 =	vge.f32 v30, v18;
	(xrf1) =	vsort.ascd.msk.f32 $0xffff, v17, v29;
	v17, _, _ =	vpop (xrf0);
	(erf) = vrcp.f32 v16  }
0xbb: {  	s17 =	sadd.s32 $0x200, s17;
	v16 =	vsel vm2, v30, v18;
	v18 =	vsel vm2, v31, v22;
	v20 =	vbroadcast v17, $0xF;
	v21, _, _ =	vpop (xrf2)  }
0xbc: {  	v23 =	vsel vm1, v28, v27;
	v22 =	vld [tilespmem:s17+$0xB0];
	v27, v17, _ =	vpop (xrf1);
	v21 =	vbroadcast v21, $0xF  }
0xbd: {  	v28 =	vld [tilespmem:s17+$0xA0];
	v20 =	vsub.f32 v25, v20;
	v25, _, _ =	vpop (xrf0)  }
0xbe: {  	v29 =	vld [tilespmem:s17+$0x90];
	(xrf1) =	vsort.dscd.msk.f32 $0xffff, v16, v18;
	v16 =	vbroadcast v25, $0xF;
	v18 =	vpop (erf)  }
0xbf: {  	v25 =	vld [tilespmem:s17+$0x80];
	v20 =	vmul.f32 $1.442695020e+00, v20;
	(xrf0) =	vmax.scan.msk.f32 $0xffff, v27;
	v18 =	vnsel vm0, $0x0, v18;
	v30, _, _ =	vpop (xrf2)  }
0xc0: {  	v31 =	vld [tilespmem:s17+$0x30];
	v16 =	vsub.f32 v24, v16;
	v24, v32, _ =	vpop (xrf1);
	v30 =	vbroadcast v30, $0xF;
	(erf) = vrcp.f32 v21;
	(xrf2) =	vadd.scan.msk.f32 $0xffff, v18  }
0xc1: {  	s20 =	sshll.u32 s16, $0x7;
	s16 =	smov.u32 s15;
	s15 =	smov.u32 s14;
	v21 =	vld [tilespmem:s17+$0x20];
	(xrf1) =	vsort.dscd.msk.f32 $0xffff, v19, v23;
	v19, v23, _ =	vpop (xrf1)  }
0xc2: {  	s21 =	sadd.s32 $0x80, s20;
	s22 =	sadd.s32 $0x100, s20;
	v33 =	vld [tilespmem:s17+$0x10];
	(xrf1) =	vsort.ascd.msk.f32 $0xffff, v22, v3;
	v16 =	vmul.f32 $1.442695020e+00, v16;
	(erf) = vpow2.f32 v20;
	v20 =	vor.u32 s20, v0;
	s20 =	sadd.s32 $0x180, s20  }
0xc3: {  	s14 =	smov.u32 s19;
	vm1 =	vge.f32 v19, v24;
	v22 =	vld [tilespmem:s17+$0x0];
	(xrf1) =	vsort.dscd.msk.f32 $0xffff, v28, v2;
	v28 =	vpop (erf)  }
0xc4: {  	v19 =	vsel vm1, v19, v24;
	v34 =	vld [tilespmem:s17+$0xFFFFFFB0];
	(xrf1) =	vsort.ascd.msk.f32 $0xffff, v29, v1;
	v29, v35, _ =	vpop (xrf1);
	(erf) = vpow2.f32 v16  }
0xc5: {  	v36 =	vsel vm1, v23, v32;
	v10 =	vmul.f32 v28, v10;
	v16 =	vld [tilespmem:s17+$0xFFFFFFA0];
	(xrf1) =	vsort.dscd.msk.f32 $0xffff, v25, v0;
	v24, _, _ =	vpop (xrf0);
	(erf) = vrcp.f32 v30  }
0xc6: {  	v32 =	vld [tilespmem:s17+$0xFFFFFF90];
	v25, v30, _ =	vpop (xrf1);
	v24 =	vbroadcast v24, $0xF;
	(xrf1) =	vsort.dscd.msk.f32 $0xffff, v19, v36  }
0xc7: {  	v19 =	vld [tilespmem:s17+$0xFFFFFF80];
	v23, v28, _ =	vpop (xrf1);
	[tilespmem:v20+s11+$0x0] =	vst.idx.msk $0xff, v10;
	v10 =	vor.u32 s22, v0  }
0xc8: {  	v36 =	vld [tilespmem:s17+$0xFFFFFF30];
	vm1 =	vge.f32 v23, v29;
	v37, v38, _ =	vpop (xrf1);
	v24 =	vsub.f32 v27, v24;
	[tilespmem:v20+s12+$0x0] =	vst.idx.msk $0xff, v6;
	v6 =	vmov v26  }
0xc9: {  	v27 =	vld [tilespmem:s17+$0xFFFFFF20];
	(xrf1) =	vsort.ascd.msk.f32 $0xffff, v31, v3;
	v20 =	vsel vm1, v23, v29;
	v23 =	vsel vm1, v28, v35;
	v26 =	vpop (erf)  }
0xca: {  	v28 =	vld [tilespmem:s17+$0xFFFFFF10];
	(xrf1) =	vsort.ascd.msk.f32 $0xffff, v34, v3;
	v24 =	vmul.f32 $1.442695020e+00, v24;
	v26 =	vmul.f32 v26, v8;
	v8, _, _ =	vpop (xrf2)  }
0xcb: {  	(xrf1) =	vsort.dscd.msk.f32 $0xffff, v16, v2;
	v16 =	vpop (erf);
	v29 =	vbroadcast v8, $0xF  }
0xcc: {  	(xrf1) =	vsort.ascd.msk.f32 $0xffff, v33, v1;
	v31, v33, _ =	vpop (xrf1);
	v8 =	vnsel vm0, $0x0, v16;
	(erf) = vpow2.f32 v24;
	[tilespmem:v10+s11+$0x0] =	vst.idx.msk $0xff, v26  }
0xcd: {  	v24 =	vor.u32 s21, v0;
	v16 =	vpop (erf);
	[tilespmem:v10+s12+$0x0] =	vst.idx.msk $0xff, v5;
	(erf) = vrcp.f32 v29;
	v5 =	vmov v15  }
0xce: {  	vm1 =	vge.f32 v31, v37;
	(xrf1) =	vsort.dscd.msk.f32 $0xffff, v20, v23;
	v10 =	vnsel vm0, $0x0, v16;
	v15 =	vpop (erf)  }
0xcf: {  	v16 =	vsel vm1, v31, v37;
	v20 =	vsel vm1, v33, v38;
	(xrf1) =	vsort.dscd.msk.f32 $0xffff, v22, v0;
	v22, v23, _ =	vpop (xrf1)  }
0xd0: {  	v9 =	vmul.f32 v15, v9;
	v29 =	vld [tilespmem:s17+$0xFFFFFF00];
	(xrf1) =	vsort.dscd.msk.f32 $0xffff, v21, v2;
	v21, v31, _ =	vpop (xrf1);
	vm1 =	vge.f32 v22, v25  }
0xd1: {  	v15, v33, _ =	vpop (xrf1);
	v26 =	vsel vm1, v22, v25;
	v30 =	vsel vm1, v23, v30;
	(xrf1) =	vsort.dscd.msk.f32 $0xffff, v16, v20  }
0xd2: {  	vm1 =	vge.f32 v15, v21;
	(xrf1) =	vsort.dscd.msk.f32 $0xffff, v19, v0;
	v19, v22, _ =	vpop (xrf1);
	[tilespmem:v24+s11+$0x0] =	vst.idx.msk $0xff, v9  }
.Ltmp0:
0xd3: {  	v16 =	vor.u32 s20, v0;
	v20 =	vsel vm1, v15, v21;
	(xrf1) =	vsort.ascd.msk.f32 $0xffff, v36, v3;
	v23, v25, _ =	vpop (xrf1);
	[tilespmem:v24+s12+$0x0] =	vst.idx.msk $0xff, v7;
	(pc) =	sbr.rel @p0 .LBB2_2-.Ltmp0, $4  }
0xd4: {  	v21 =	vsel vm1, v33, v31;
	v7 =	vmov v17;
	(xrf1) =	vsort.dscd.msk.f32 $0xffff, v27, v2;
	v24, v15, _ =	vpop (xrf1)  }
0xd5: {  	v9 =	vpop (erf);
	(xrf0) =	vmax.scan.msk.f32 $0xffff, v24  }
0xd6: {  	vm1 =	vge.f32 v23, v19;
	(xrf1) =	vsort.ascd.msk.f32 $0xffff, v32, v1;
	v9 =	vnsel vm0, $0x0, v9;
	v17 =	vpop (erf)  }
0xd7: {  	v23 =	vsel vm1, v23, v19;
	(xrf1) =	vsort.dscd.msk.f32 $0xffff, v29, v0;
	v29, v27, _ =	vpop (xrf1);
	v19 =	vmul.f32 v17, v18  }
0xd8: {  	(xrf1) =	vsort.ascd.msk.f32 $0xffff, v28, v1  }
0xd9: {  	v28, v31, _ =	vpop (xrf1)  }
0xda: {  	v32, v33, _ =	vpop (xrf1)  }
0xdb: {  	v34, v35, _ =	vpop (xrf1)  }
0xdc: {  	v37, v17, _ =	vpop (xrf1)  }
0xdd: {  	v38, v39, _ =	vpop (xrf1);
	(xrf1) =	vsort.dscd.msk.f32 $0xffff, v26, v30  }
0xde: {  	v26, v30, _ =	vpop (xrf1);
	(xrf1) =	vsort.ascd.msk.f32 $0xffff, v11, v12  }
0xdf: {  	v40, v18, _ =	vpop (xrf1);
	(xrf1) =	vsort.dscd.msk.f32 $0xffff, v13, v14  }
0xe0: {  	vm2 =	vge.f32 v32, v28;
	v36, _, _ =	vpop (xrf0)  }
0xe1: {  	v28 =	vsel vm2, v32, v28;
	vm3 =	vge.f32 v26, v29;
	v11, v12, _ =	vpop (xrf1)  }
0xe2: {  	v31 =	vsel vm2, v33, v31;
	vm2 =	vge.f32 v38, v34;
	v27 =	vsel vm3, v30, v27;
	v13, v14, _ =	vpop (xrf1)  }
0xe3: {  	v36 =	vbroadcast v36, $0xF;
	v34 =	vsel vm2, v38, v34;
	v26 =	vsel vm3, v26, v29;
	v51, v52, _ =	vpop (xrf1)  }
0xe4: {  	v35 =	vsel vm2, v39, v35;
	(xrf1) =	vsort.ascd.msk.f32 $0xffff, v26, v27;
	vm2 =	vge.f32 v51, v13;
	v53, v41, _ =	vpop (xrf1)  }
0xe5: {  	v24 =	vsub.f32 v24, v36;
	(xrf1) =	vsort.ascd.msk.f32 $0xffff, v28, v31;
	v13 =	vsel vm2, v51, v13;
	v29, v30, _ =	vpop (xrf1)  }
0xe6: {  	v14 =	vsel vm2, v52, v14;
	(xrf1) =	vsort.dscd.msk.f32 $0xffff, v34, v35;
	vm2 =	vge.f32 v11, v53;
	v26, v27, _ =	vpop (xrf1)  }
0xe7: {  	v11 =	vsel vm2, v11, v53;
	vm3 =	vge.f32 v29, v26  }
0xe8: {  	v24 =	vmul.f32 $1.442695020e+00, v24;
	v26 =	vsel vm3, v29, v26  }
0xe9: {  	(xrf1) =	vsort.ascd.msk.f32 $0xffff, v13, v14;
	v12 =	vsel vm2, v12, v41;
	v27 =	vsel vm3, v30, v27  }
0xea: {  	(xrf1) =	vsort.dscd.msk.f32 $0xffff, v26, v27  }
0xeb: {  	(xrf1) =	vsort.dscd.msk.f32 $0xffff, v11, v12;
	v26, v11, _ =	vpop (xrf1)  }
0xec: {  	(xrf2) =	vadd.scan.msk.f32 $0xffff, v10;
	v12, v13, _ =	vpop (xrf1)  }
0xed: {  	(erf) = vpow2.f32 v24;
	v14, v24, _ =	vpop (xrf1)  }
0xee: {  	vm2 =	vge.f32 v14, v12  }
0xef: {  	v13 =	vsel vm2, v24, v13;
	_ =	sdelay $0x1  }
0xf0: {  	(xrf2) =	vadd.scan.msk.f32 $0xffff, v8;
	v12 =	vsel vm2, v14, v12  }
0xf1: {  	(xrf1) =	vsort.dscd.msk.f32 $0xffff, v12, v13;
	v13, v24, _ =	vpop (xrf1)  }
0xf2: {  	v28, v29, _ =	vpop (xrf1)  }
0xf3: {  	v30, v31, _ =	vpop (xrf1)  }
0xf4: {  	vm2 =	vge.f32 v30, v13  }
0xf5: {  	v27, _, _ =	vpop (xrf2);
	v13 =	vsel vm2, v30, v13  }
0xf6: {  	v27 =	vbroadcast v27, $0xF;
	v12 =	vpop (erf)  }
0xf7: {  	(xrf0) =	vmax.scan.msk.f32 $0xffff, v37;
	v54, v55, _ =	vpop (xrf1)  }
0xf8: {  	(xrf0) =	vmax.scan.msk.f32 $0xffff, v40;
	(erf) = vrcp.f32 v27;
	v27 =	vsel vm2, v31, v24;
	v30, v31, _ =	vpop (xrf1)  }
0xf9: {  	v24 =	vnsel vm0, $0x0, v12;
	(xrf1) =	vsort.dscd.msk.f32 $0xffff, v13, v27;
	vm2 =	vge.f32 v30, v54;
	v12, v13, _ =	vpop (xrf1)  }
0xfa: {  	v14, _, _ =	vpop (xrf2);
	v27 =	vsel vm2, v30, v54;
	v30 =	vsel vm2, v31, v55;
	vm2 =	vge.f32 v12, v28  }
0xfb: {  	(xrf2) =	vadd.scan.msk.f32 $0xffff, v9;
	v14 =	vbroadcast v14, $0xF;
	v12 =	vsel vm2, v12, v28  }
0xfc: {  	(xrf1) =	vsort.dscd.msk.f32 $0xffff, v27, v30  }
0xfd: {  	v13 =	vsel vm2, v13, v29  }
0xfe: {  	(xrf1) =	vsort.dscd.msk.f32 $0xffff, v12, v13;
	v12, _, _ =	vpop (xrf0)  }
0xff: {  	(erf) = vrcp.f32 v14;
	v13 =	vsel vm1, v25, v22;
	(xrf1) =	vsort.ascd.msk.f32 $0xffff, v20, v21;
	v12 =	vbroadcast v12, $0xF;
	v14, _, _ =	vpop (xrf0)  }
0x100: {  	(xrf1) =	vsort.dscd.msk.f32 $0xffff, v23, v13;
	v13 =	vbroadcast v14, $0xF;
	_ =	sdelay $0x1  }
0x101: {  	(xrf0) =	vmax.scan.msk.f32 $0xffff, v26;
	v14 =	vsub.f32 v37, v12;
	v13 =	vsub.f32 v40, v13;
	_ =	sdelay $0x1  }
0x102: {  	v14 =	vmul.f32 $1.442695020e+00, v14;
	v21, v12, _ =	vpop (xrf1);
	v13 =	vmul.f32 $1.442695020e+00, v13  }
0x103: {  	(xrf0) =	vmax.scan.msk.f32 $0xffff, v21  }
0x104: {  	v22, _, _ =	vpop (xrf2)  }
0x105: {  	(xrf2) =	vadd.scan.msk.f32 $0xffff, v24;
	v23 =	vpop (erf)  }
0x106: {  	(erf) = vpow2.f32 v14;
	v14, _, _ =	vpop (xrf0)  }
0x107: {  	(erf) = vpow2.f32 v13;
	v30 =	vbroadcast v14, $0xF;
	v29, v13, _ =	vpop (xrf1)  }
0x108: {  	v31, v20, _ =	vpop (xrf1)  }
0x109: {  	v28, _, _ =	vpop (xrf0)  }
0x10a: {  	v22 =	vbroadcast v22, $0xF;
	v56, v14, _ =	vpop (xrf1)  }
0x10b: {  	v26 =	vsub.f32 v26, v30;
	v30, v57, _ =	vpop (xrf1)  }
0x10c: {  	(erf) = vrcp.f32 v22;
	v22 =	vbroadcast v28, $0xF;
	v28, v58, _ =	vpop (xrf1)  }
0x10d: {  	vm1 =	vge.f32 v28, v30  }
0x10e: {  	v21 =	vsub.f32 v21, v22;
	v22 =	vsel vm1, v28, v30;
	v28 =	vsel vm1, v58, v57  }
0x10f: {  	v27, _, _ =	vpop (xrf2);
	v26 =	vmul.f32 $1.442695020e+00, v26;
	(xrf1) =	vsort.dscd.msk.f32 $0xffff, v22, v28  }
0x110: {  	v27 =	vbroadcast v27, $0xF  }
0x111: {  	v25 =	vpop (erf);
	(erf) = vpow2.f32 v26;
	v21 =	vmul.f32 $1.442695020e+00, v21  }
0x112: {  	(xrf0) =	vmax.scan.msk.f32 $0xffff, v29;
	v59 =	vpop (erf);
	(erf) = vrcp.f32 v27  }
0x113: {  	v60 =	vpop (erf);
	(erf) = vpow2.f32 v21  }
0x114: {  	v26 =	vnsel vm0, $0x0, v60  }
0x115: {  	(xrf2) =	vadd.scan.msk.f32 $0xffff, v26;
	v21 =	vnsel vm0, $0x0, v59  }
0x116: {  	(xrf2) =	vadd.scan.msk.f32 $0xffff, v21;
	_ =	sdelay $0x1  }
0x117: {  	(xrf0) =	vmax.scan.msk.f32 $0xffff, v31;
	v62, _, _ =	vpop (xrf0)  }
0x118: {  	v22 =	vpop (erf)  }
0x119: {  	v27 =	vpop (erf)  }
0x11a: {  	v28 =	vpop (erf)  }
0x11b: {  	(xrf0) =	vmax.scan.msk.f32 $0xffff, v56;
	v34 =	vbroadcast v62, $0xF;
	v27 =	vnsel vm0, $0x0, v27;
	v61 =	vpop (erf)  }
0x11c: {  	(xrf2) =	vadd.scan.msk.f32 $0xffff, v27;
	v43, v63, _ =	vpop (xrf1)  }
0x11d: {  	v44, _, _ =	vpop (xrf0);
	v29 =	vsub.f32 v29, v34;
	v33 =	vnsel vm0, $0x0, v61;
	(xrf0) =	vmax.scan.msk.f32 $0xffff, v43  }
0x11e: {  	v37 =	vbroadcast v44, $0xF;
	v30, _, _ =	vpop (xrf2);
	(xrf2) =	vadd.scan.msk.f32 $0xffff, v33  }
0x11f: {  	v29 =	vmul.f32 $1.442695020e+00, v29;
	v30 =	vbroadcast v30, $0xF;
	v45, _, _ =	vpop (xrf2)  }
0x120: {  	v38 =	vbroadcast v45, $0xF  }
0x121: {  	(erf) = vrcp.f32 v30;
	v30 =	vsub.f32 v31, v37;
	v31, _, _ =	vpop (xrf0)  }
0x122: {  	v31 =	vbroadcast v31, $0xF;
	(erf) = vrcp.f32 v38  }
0x123: {  	v30 =	vmul.f32 $1.442695020e+00, v30;
	(erf) = vpow2.f32 v29;
	v29, _, _ =	vpop (xrf0)  }
0x124: {  	v29 =	vbroadcast v29, $0xF  }
0x125: {  	(erf) = vpow2.f32 v30;
	v30 =	vsub.f32 v56, v31  }
0x126: {  	v46, _, _ =	vpop (xrf2);
	v29 =	vsub.f32 v43, v29  }
0x127: {  	v31 =	vbroadcast v46, $0xF;
	v30 =	vmul.f32 $1.442695020e+00, v30  }
0x128: {  	v47, _, _ =	vpop (xrf2);
	v29 =	vmul.f32 $1.442695020e+00, v29  }
0x129: {  	(erf) = vrcp.f32 v31;
	v31 =	vbroadcast v47, $0xF  }
0x12a: {  	(erf) = vpow2.f32 v30  }
0x12b: {  	v30 =	vpop (erf);
	(erf) = vrcp.f32 v31  }
0x12c: {  	(erf) = vpow2.f32 v29;
	v29 =	vpop (erf)  }
0x12d: {  	v31 =	vpop (erf)  }
0x12e: {  	v48 =	vpop (erf)  }
0x12f: {  	v32 =	vnsel vm0, $0x0, v48  }
0x130: {  	(xrf2) =	vadd.scan.msk.f32 $0xffff, v32  }
0x131: {  	v31 =	vnsel vm0, $0x0, v31  }
0x132: {  	v49 =	vpop (erf);
	(xrf2) =	vadd.scan.msk.f32 $0xffff, v31  }
0x133: {  	s16 =	sshll.u32 s16, $0x7;
	v50 =	vpop (erf)  }
0x134: {  	v52 =	vor.u32 s16, v0;
	v35 =	vnsel vm0, $0x0, v50;
	v51 =	vpop (erf)  }
0x135: {  	s17 =	sadd.s32 $0x100, s16;
	(xrf2) =	vadd.scan.msk.f32 $0xffff, v35;
	v53 =	vpop (erf)  }
0x136: {  	v54 =	vor.u32 s17, v0;
	v10 =	vmul.f32 v23, v10;
	v39 =	vnsel vm0, $0x0, v53  }
0x137: {  	[tilespmem:v16+s11+$0x0] =	vst.idx.msk $0xff, v19;
	s18 =	sadd.s32 $0x80, s16;
	(xrf2) =	vadd.scan.msk.f32 $0xffff, v39  }
0x138: {  	[tilespmem:v16+s12+$0x0] =	vst.idx.msk $0xff, v4;
	v4 =	vor.u32 s18, v0  }
0x139: {  	v8 =	vmul.f32 v25, v8;
	[tilespmem:v52+s11+$0x0] =	vst.idx.msk $0xff, v10  }
0x13a: {  	s16 =	sadd.s32 $0x180, s16;
	[tilespmem:v52+s12+$0x0] =	vst.idx.msk $0xff, v6;
	v10, _, _ =	vpop (xrf2)  }
0x13b: {  	v6 =	vor.u32 s16, v0;
	[tilespmem:v54+s11+$0x0] =	vst.idx.msk $0xff, v8;
	v8 =	vmul.f32 v22, v9;
	v9 =	vbroadcast v10, $0xF  }
0x13c: {  	s15 =	sshll.u32 s15, $0x7;
	[tilespmem:v54+s12+$0x0] =	vst.idx.msk $0xff, v5;
	v16, _, _ =	vpop (xrf2)  }
0x13d: {  	s19 =	sadd.s32 $0x100, s15;
	[tilespmem:v4+s11+$0x0] =	vst.idx.msk $0xff, v8;
	v10 =	vor.u32 s15, v0;
	v8 =	vbroadcast v16, $0xF  }
0x13e: {  	[tilespmem:v4+s12+$0x0] =	vst.idx.msk $0xff, v7;
	v7 =	vor.u32 s19, v0;
	v5 =	vmul.f32 v28, v24;
	(erf) = vrcp.f32 v9  }
0x13f: {  	s20 =	sadd.s32 $0x80, s15;
	(erf) = vrcp.f32 v8;
	v9, _, _ =	vpop (xrf2)  }
0x140: {  	[tilespmem:v6+s11+$0x0] =	vst.idx.msk $0xff, v5;
	v4 =	vmul.f32 v30, v26;
	v8 =	vor.u32 s20, v0;
	v5 =	vbroadcast v9, $0xF  }
0x141: {  	[tilespmem:v6+s12+$0x0] =	vst.idx.msk $0xff, v15;
	v6 =	vmul.f32 v29, v21;
	s15 =	sadd.s32 $0x180, s15;
	v9, _, _ =	vpop (xrf2)  }
0x142: {  	[tilespmem:v10+s11+$0x0] =	vst.idx.msk $0xff, v4;
	v4 =	vbroadcast v9, $0xF;
	(erf) = vrcp.f32 v5;
	v5 =	vor.u32 s15, v0  }
0x143: {  	[tilespmem:v7+s11+$0x0] =	vst.idx.msk $0xff, v6;
	v6 =	vmul.f32 v49, v27  }
0x144: {  	s14 =	sshll.u32 s14, $0x7;
	[tilespmem:v7+s12+$0x0] =	vst.idx.msk $0xff, v17;
	(erf) = vrcp.f32 v4  }
0x145: {  	v4 =	vor.u32 s14, v0;
	[tilespmem:v8+s11+$0x0] =	vst.idx.msk $0xff, v6;
	v6 =	vmul.f32 v51, v33  }
0x146: {  	s21 =	sadd.s32 $0x100, s14;
	[tilespmem:v8+s12+$0x0] =	vst.idx.msk $0xff, v11  }
0x147: {  	v8 =	vor.u32 s21, v0;
	v7 =	vpop (erf);
	[tilespmem:v5+s11+$0x0] =	vst.idx.msk $0xff, v6  }
0x148: {  	s22 =	sadd.s32 $0x80, s14;
	v6 =	vmul.f32 v7, v32;
	[tilespmem:v5+s12+$0x0] =	vst.idx.msk $0xff, v12;
	v5 =	vpop (erf)  }
0x149: {  	[tilespmem:v10+s12+$0x0] =	vst.idx.msk $0xff, v18;
	v7 =	vor.u32 s22, v0;
	v5 =	vmul.f32 v5, v31  }
0x14a: {  	s14 =	sadd.s32 $0x180, s14;
	[tilespmem:v4+s11+$0x0] =	vst.idx.msk $0xff, v6  }
0x14b: {  	v6 =	vor.u32 s14, v0;
	[tilespmem:v4+s12+$0x0] =	vst.idx.msk $0xff, v20;
	v4 =	vpop (erf)  }
0x14c: {  	[tilespmem:v8+s11+$0x0] =	vst.idx.msk $0xff, v5;
	v4 =	vmul.f32 v4, v35  }
0x14d: {  	[tilespmem:v8+s12+$0x0] =	vst.idx.msk $0xff, v13;
	v5 =	vpop (erf)  }
0x14e: {  	[tilespmem:v7+s11+$0x0] =	vst.idx.msk $0xff, v4;
	v4 =	vmul.f32 v5, v39  }
0x14f: {  	[tilespmem:v7+s12+$0x0] =	vst.idx.msk $0xff, v14  }
0x150: {  	[tilespmem:v6+s11+$0x0] =	vst.idx.msk $0xff, v4  }
0x151: {  	s23 =	simm.s32 $0x0;
	[tilespmem:v6+s12+$0x0] =	vst.idx.msk $0xff, v63  }
0x152: {  	[hbm4b:s4+s23] =	stream.linear.scatter [tilespmem:s11], [sflag:$0x1], $0x8000, $0x38;
	[tilespmem:$0x18000] =	vst v63  }
0x153: {  	_ =	swait.ge [sflag:s10], $0x8000  }
0x154: {  	[sflag:s10] =	ssyncset.done $0x0  }
0x155: {  	[sflag:s10] =	ssyncadd.s32 $0xFFFF8000  }
0x156: {  	[hbm4b:s5+s23] =	stream.linear.scatter [tilespmem:s12], [sflag:$0x1], $0x8000, $0x38;
	[tilespmem:$0x18000] =	vst v63  }
0x157: {  	_ =	swait.ge [sflag:s10], $0x8000  }
0x158: {  	[sflag:s10] =	ssyncset.done $0x0  }
0x159: {  	[sflag:s10] =	ssyncadd.s32 $0xFFFF8000  }
0x15a: {  	[tilespmem:s23], [sflag:$0x1] =	stream.linear.gather [hbm4b:s6+s23], $0x8000, $0x38;
	[tilespmem:$0x18000] =	vst v63  }
0x15b: {  	_ =	swait.ge [sflag:s10], $0x8000  }
0x15c: {  	[sflag:s10] =	ssyncset.done $0x0  }
0x15d: {  	s24 =	simm.s32 $0x100;
	[sflag:s10] =	ssyncadd.s32 $0xFFFF8000  }
0x15e: {  	v4 =	vld [tilespmem:s24+$0xB0]  }
0x15f: {  	v5 =	vld [tilespmem:s24+$0xA0]  }
0x160: {  	v6 =	vld [tilespmem:s24+$0x90]  }
0x161: {  	v7 =	vld [tilespmem:s24+$0x80]  }
0x162: {  	v8 =	vld [tilespmem:s24+$0x30]  }
0x163: {  	(xrf1) =	vsort.ascd.msk.f32 $0xffff, v4, v3;
	v4 =	vld [tilespmem:s24+$0xFFFFFFB0]  }
0x164: {  	(xrf1) =	vsort.dscd.msk.f32 $0xffff, v5, v2;
	v5 =	vld [tilespmem:s24+$0xFFFFFFA0]  }
0x165: {  	v9 =	vld [tilespmem:s24+$0x10];
	(xrf1) =	vsort.ascd.msk.f32 $0xffff, v6, v1  }
0x166: {  	v6 =	vld [tilespmem:s24+$0x0];
	(xrf1) =	vsort.dscd.msk.f32 $0xffff, v7, v0  }
0x167: {  	v7 =	vld [tilespmem:s24+$0x20];
	(xrf1) =	vsort.ascd.msk.f32 $0xffff, v8, v3  }
0x168: {  	(xrf1) =	vsort.ascd.msk.f32 $0xffff, v4, v3  }
0x169: {  	(xrf1) =	vsort.dscd.msk.f32 $0xffff, v5, v2  }
0x16a: {  	v8 =	vld [tilespmem:s24+$0xFFFFFF80];
	(xrf1) =	vsort.ascd.msk.f32 $0xffff, v9, v1  }
0x16b: {  	v4 =	vld [tilespmem:s24+$0xFFFFFF30];
	(xrf1) =	vsort.dscd.msk.f32 $0xffff, v6, v0  }
0x16c: {  	v5 =	vld [tilespmem:s24+$0xFFFFFF20];
	(xrf1) =	vsort.dscd.msk.f32 $0xffff, v7, v2  }
0x16d: {  	v9 =	vld [tilespmem:s24+$0xFFFFFF90]  }
0x16e: {  	v6 =	vld [tilespmem:s24+$0xFFFFFF00]  }
0x16f: {  	v7 =	vld [tilespmem:s24+$0xFFFFFF10];
	(xrf1) =	vsort.dscd.msk.f32 $0xffff, v8, v0  }
0x170: {  	(xrf1) =	vsort.ascd.msk.f32 $0xffff, v4, v3  }
0x171: {  	(xrf1) =	vsort.dscd.msk.f32 $0xffff, v5, v2;
	v4, v5, _ =	vpop (xrf1)  }
0x172: {  	(xrf1) =	vsort.ascd.msk.f32 $0xffff, v9, v1;
	v8, v9, _ =	vpop (xrf1)  }
0x173: {  	(xrf1) =	vsort.dscd.msk.f32 $0xffff, v6, v0;
	v10, v14, _ =	vpop (xrf1)  }
0x174: {  	(xrf1) =	vsort.ascd.msk.f32 $0xffff, v7, v1;
	v15, v16, _ =	vpop (xrf1)  }
0x175: {  	v6, v7, _ =	vpop (xrf1)  }
0x176: {  	v11, v12, _ =	vpop (xrf1)  }
0x177: {  	v13, v17, _ =	vpop (xrf1)  }
0x178: {  	v18, v19, _ =	vpop (xrf1)  }
0x179: {  	v20, v21, _ =	vpop (xrf1)  }
0x17a: {  	v22, v23, _ =	vpop (xrf1)  }
0x17b: {  	vm2 =	vge.f32 v22, v6  }
0x17c: {  	v7 =	vsel vm2, v23, v7  }
0x17d: {  	vm1 =	vge.f32 v13, v11;
	v24, v25, _ =	vpop (xrf1);
	v6 =	vsel vm2, v22, v6  }
0x17e: {  	v12 =	vsel vm1, v17, v12;
	v26, v27, _ =	vpop (xrf1)  }
0x17f: {  	v11 =	vsel vm1, v13, v11;
	vm1 =	vge.f32 v20, v18;
	v13, v22, _ =	vpop (xrf1);
	(xrf1) =	vsort.ascd.msk.f32 $0xffff, v6, v7  }
0x180: {  	v17 =	vsel vm1, v20, v18;
	v18 =	vsel vm1, v21, v19;
	(xrf1) =	vsort.ascd.msk.f32 $0xffff, v11, v12;
	v6, v7, _ =	vpop (xrf1)  }
0x181: {  	(xrf1) =	vsort.dscd.msk.f32 $0xffff, v17, v18;
	v19, v20, _ =	vpop (xrf1)  }
0x182: {  	vm1 =	vge.f32 v13, v26;
	v11, v12, _ =	vpop (xrf1)  }
0x183: {  	v13 =	vsel vm1, v13, v26;
	v17 =	vsel vm1, v22, v27;
	vm1 =	vge.f32 v19, v11  }
0x184: {  	s25 =	simm.s32 $0x300;
	(xrf1) =	vsort.ascd.msk.f32 $0xffff, v13, v17;
	v11 =	vsel vm1, v19, v11;
	v12 =	vsel vm1, v20, v12  }
0x185: {  	(xrf1) =	vsort.dscd.msk.f32 $0xffff, v11, v12;
	v11 =	vld [tilespmem:s25+$0xB0]  }
0x186: {  	v12 =	vld [tilespmem:s25+$0xA0]  }
0x187: {  	v13 =	vld [tilespmem:s25+$0x90];
	vm1 =	vge.f32 v24, v6  }
0x188: {  	v17 =	vld [tilespmem:s25+$0x80];
	v6 =	vsel vm1, v24, v6;
	v7 =	vsel vm1, v25, v7  }
0x189: {  	v18 =	vld [tilespmem:s25+$0x30];
	(xrf1) =	vsort.dscd.msk.f32 $0xffff, v6, v7  }
0x18a: {  	v6 =	vld [tilespmem:s25+$0xFFFFFFB0];
	(xrf1) =	vsort.ascd.msk.f32 $0xffff, v11, v3  }
0x18b: {  	v7 =	vld [tilespmem:s25+$0xFFFFFFA0];
	(xrf1) =	vsort.dscd.msk.f32 $0xffff, v12, v2  }
0x18c: {  	v11 =	vld [tilespmem:s25+$0x10];
	(xrf1) =	vsort.ascd.msk.f32 $0xffff, v13, v1  }
0x18d: {  	v12, v13, _ =	vpop (xrf1);
	(xrf1) =	vsort.dscd.msk.f32 $0xffff, v17, v0  }
0x18e: {  	v17 =	vld [tilespmem:s25+$0x0];
	v19, v21, _ =	vpop (xrf1);
	(xrf1) =	vsort.ascd.msk.f32 $0xffff, v18, v3  }
0x18f: {  	v18 =	vld [tilespmem:s25+$0x20];
	v20, v22, _ =	vpop (xrf1);
	(xrf1) =	vsort.ascd.msk.f32 $0xffff, v6, v3  }
0x190: {  	vm1 =	vge.f32 v20, v12;
	(xrf1) =	vsort.dscd.msk.f32 $0xffff, v7, v2  }
0x191: {  	v12 =	vsel vm1, v20, v12;
	v13 =	vsel vm1, v22, v13;
	(xrf1) =	vsort.ascd.msk.f32 $0xffff, v11, v1  }
0x192: {  	v6 =	vld [tilespmem:s25+$0xFFFFFF80];
	v7, v23, _ =	vpop (xrf1);
	(xrf1) =	vsort.dscd.msk.f32 $0xffff, v12, v13  }
0x193: {  	v11 =	vld [tilespmem:s25+$0xFFFFFF30];
	v20, v22, _ =	vpop (xrf1);
	(xrf1) =	vsort.dscd.msk.f32 $0xffff, v17, v0  }
0x194: {  	v12 =	vld [tilespmem:s25+$0xFFFFFF20];
	vm1 =	vge.f32 v20, v7;
	(xrf1) =	vsort.dscd.msk.f32 $0xffff, v18, v2  }
0x195: {  	v13 =	vld [tilespmem:s25+$0xFFFFFF90];
	v7 =	vsel vm1, v20, v7;
	v17 =	vsel vm1, v22, v23  }
0x196: {  	v22 =	vld [tilespmem:s25+$0xFFFFFF00];
	(xrf1) =	vsort.dscd.msk.f32 $0xffff, v7, v17  }
0x197: {  	v24, v25, _ =	vpop (xrf1);
	v23 =	vld [tilespmem:s25+$0xFFFFFF10];
	(xrf1) =	vsort.dscd.msk.f32 $0xffff, v6, v0  }
0x198: {  	(xrf1) =	vsort.ascd.msk.f32 $0xffff, v11, v3;
	v18, v11, _ =	vpop (xrf1)  }
0x199: {  	(xrf1) =	vsort.dscd.msk.f32 $0xffff, v12, v2;
	v20, v17, _ =	vpop (xrf1)  }
0x19a: {  	vm1 =	vge.f32 v24, v19;
	(xrf1) =	vsort.ascd.msk.f32 $0xffff, v13, v1;
	v7, v6, _ =	vpop (xrf1)  }
0x19b: {  	v21 =	vsel vm1, v25, v21;
	(xrf1) =	vsort.dscd.msk.f32 $0xffff, v22, v0;
	v13, v12, _ =	vpop (xrf1)  }
0x19c: {  	v19 =	vsel vm1, v24, v19;
	(xrf1) =	vsort.ascd.msk.f32 $0xffff, v23, v1;
	v22, v23, _ =	vpop (xrf1)  }
0x19d: {  	vm1 =	vge.f32 v8, v4;
	v24, v25, _ =	vpop (xrf1)  }
0x19e: {  	v5 =	vsel vm1, v9, v5;
	v26, v27, _ =	vpop (xrf1)  }
0x19f: {  	v4 =	vsel vm1, v8, v4;
	vm1 =	vge.f32 v15, v10;
	(xrf1) =	vsort.dscd.msk.f32 $0xffff, v19, v21;
	v19, v21, _ =	vpop (xrf1)  }
0x1a0: {  	v8 =	vsel vm1, v15, v10;
	v28, v9, _ =	vpop (xrf1)  }
0x1a1: {  	v10 =	vsel vm1, v16, v14;
	v14, v15, _ =	vpop (xrf1)  }
0x1a2: {  	(xrf1) =	vsort.ascd.msk.f32 $0xffff, v4, v5;
	v4, v5, _ =	vpop (xrf1)  }
0x1a3: {  	vm1 =	vge.f32 v4, v22  }
0x1a4: {  	(xrf1) =	vsort.dscd.msk.f32 $0xffff, v8, v10;
	v10, v8, _ =	vpop (xrf1);
	v5 =	vsel vm1, v5, v23  }
0x1a5: {  	(xrf0) =	vmax.scan.msk.f32 $0xffff, v28;
	v4 =	vsel vm1, v4, v22;
	v29, v30, _ =	vpop (xrf1)  }
0x1a6: {  	v16, v31, _ =	vpop (xrf1)  }
0x1a7: {  	vm1 =	vge.f32 v14, v19;
	v22, v23, _ =	vpop (xrf1)  }
0x1a8: {  	vm2 =	vge.f32 v26, v24;
	(xrf1) =	vsort.ascd.msk.f32 $0xffff, v4, v5;
	v14 =	vsel vm1, v14, v19;
	v4, v5, _ =	vpop (xrf1)  }
0x1a9: {  	v24 =	vsel vm2, v26, v24;
	v25 =	vsel vm2, v27, v25;
	vm2 =	vge.f32 v22, v16;
	v19, v26, _ =	vpop (xrf1)  }
0x1aa: {  	v15 =	vsel vm1, v15, v21;
	(xrf1) =	vsort.ascd.msk.f32 $0xffff, v24, v25;
	v16 =	vsel vm2, v22, v16;
	v21, v22, _ =	vpop (xrf1)  }
0x1ab: {  	(xrf1) =	vsort.dscd.msk.f32 $0xffff, v14, v15;
	v14, _, _ =	vpop (xrf0)  }
0x1ac: {  	v23 =	vsel vm2, v23, v31;
	vm1 =	vge.f32 v19, v21;
	v14 =	vbroadcast v14, $0xF  }
0x1ad: {  	s26 =	simm.s32 $0x500;
	(xrf1) =	vsort.ascd.msk.f32 $0xffff, v16, v23;
	v19 =	vsel vm1, v19, v21  }
0x1ae: {  	(xrf0) =	vmax.scan.msk.f32 $0xffff, v10;
	v15 =	vld [tilespmem:s26+$0xB0];
	v21 =	vsel vm1, v26, v22;
	vm1 =	vge.f32 v29, v4;
	v14 =	vsub.f32 v28, v14  }
0x1af: {  	v22 =	vld [tilespmem:s26+$0xA0];
	(xrf1) =	vsort.dscd.msk.f32 $0xffff, v19, v21;
	v4 =	vsel vm1, v29, v4;
	v5 =	vsel vm1, v30, v5  }
0x1b0: {  	v24 =	vld [tilespmem:s26+$0x90];
	(xrf1) =	vsort.dscd.msk.f32 $0xffff, v4, v5;
	v4 =	vmul.f32 $1.442695020e+00, v14  }
0x1b1: {  	v23, v16, _ =	vpop (xrf1);
	v19 =	vld [tilespmem:s26+$0x80]  }
0x1b2: {  	(xrf0) =	vmax.scan.msk.f32 $0xffff, v23  }
0x1b3: {  	(xrf1) =	vsort.ascd.msk.f32 $0xffff, v15, v3;
	v5, v14, _ =	vpop (xrf1)  }
0x1b4: {  	(xrf1) =	vsort.dscd.msk.f32 $0xffff, v22, v2;
	(erf) = vpow2.f32 v4;
	v4, _, _ =	vpop (xrf0)  }
0x1b5: {  	(xrf1) =	vsort.ascd.msk.f32 $0xffff, v24, v1;
	v15, v21, _ =	vpop (xrf1);
	v4 =	vbroadcast v4, $0xF  }
0x1b6: {  	v22 =	vld [tilespmem:s26+$0x30];
	(xrf1) =	vsort.dscd.msk.f32 $0xffff, v19, v0;
	vm1 =	vge.f32 v15, v5  }
0x1b7: {  	v24 =	vld [tilespmem:s26+$0xFFFFFFB0];
	v5 =	vsel vm1, v15, v5;
	v14 =	vsel vm1, v21, v14;
	v4 =	vsub.f32 v10, v4  }
0x1b8: {  	v19, _, _ =	vpop (xrf0);
	v15 =	vld [tilespmem:s26+$0xFFFFFFA0];
	(xrf1) =	vsort.dscd.msk.f32 $0xffff, v5, v14  }
0x1b9: {  	v4 =	vmul.f32 $1.442695020e+00, v4  }
0x1ba: {  	v5 =	vld [tilespmem:s26+$0x10];
	v14 =	vbroadcast v19, $0xF;
	v10, v19, _ =	vpop (xrf1)  }
0x1bb: {  	(xrf1) =	vsort.ascd.msk.f32 $0xffff, v22, v3;
	v25, v26, _ =	vpop (xrf1)  }
0x1bc: {  	v21 =	vld [tilespmem:s26+$0x0];
	v14 =	vsub.f32 v23, v14;
	(xrf1) =	vsort.ascd.msk.f32 $0xffff, v24, v3;
	v23, v24, _ =	vpop (xrf1)  }
0x1bd: {  	v22 =	vld [tilespmem:s26+$0x20];
	vm1 =	vge.f32 v23, v10;
	(xrf1) =	vsort.dscd.msk.f32 $0xffff, v15, v2;
	(erf) = vpow2.f32 v4;
	v4, v15, _ =	vpop (xrf1)  }
0x1be: {  	v14 =	vmul.f32 $1.442695020e+00, v14;
	v10 =	vsel vm1, v23, v10;
	v19 =	vsel vm1, v24, v19;
	v23, v24, _ =	vpop (xrf1)  }
0x1bf: {  	(xrf1) =	vsort.ascd.msk.f32 $0xffff, v5, v1;
	v5 =	vld [tilespmem:s26+$0xFFFFFF80];
	vm1 =	vge.f32 v23, v4  }
0x1c0: {  	(erf) = vpow2.f32 v14;
	v14 =	vld [tilespmem:s26+$0xFFFFFF30];
	(xrf1) =	vsort.dscd.msk.f32 $0xffff, v10, v19;
	v10 =	vsel vm1, v24, v15  }
0x1c1: {  	v28 =	vld [tilespmem:s26+$0xFFFFFF20];
	(xrf1) =	vsort.dscd.msk.f32 $0xffff, v21, v0;
	v29, v30, _ =	vpop (xrf1)  }
0x1c2: {  	v4 =	vsel vm1, v23, v4;
	(xrf1) =	vsort.dscd.msk.f32 $0xffff, v22, v2;
	v22, v21, _ =	vpop (xrf1)  }
0x1c3: {  	v31 =	vld [tilespmem:s26+$0xFFFFFF90];
	v24, v23, _ =	vpop (xrf1);
	(xrf1) =	vsort.dscd.msk.f32 $0xffff, v4, v10  }
0x1c4: {  	v55 =	vld [tilespmem:s26+$0xFFFFFF00];
	(xrf1) =	vsort.dscd.msk.f32 $0xffff, v5, v0;
	v15, v10, _ =	vpop (xrf1)  }
0x1c5: {  	v5 =	vld [tilespmem:s26+$0xFFFFFF10];
	(xrf1) =	vsort.ascd.msk.f32 $0xffff, v14, v3;
	v19, v14, _ =	vpop (xrf1)  }
0x1c6: {  	(xrf1) =	vsort.dscd.msk.f32 $0xffff, v28, v2;
	v28, v4, _ =	vpop (xrf1)  }
0x1c7: {  	(xrf0) =	vmax.scan.msk.f32 $0xffff, v28  }
0x1c8: {  	v27 =	vpop (erf);
	(xrf1) =	vsort.ascd.msk.f32 $0xffff, v31, v1  }
0x1c9: {  	vm1 =	vge.f32 v29, v25;
	v56 =	vpop (erf);
	(xrf1) =	vsort.dscd.msk.f32 $0xffff, v55, v0  }
0x1ca: {  	v31, v58, _ =	vpop (xrf1);
	(xrf1) =	vsort.ascd.msk.f32 $0xffff, v5, v1;
	v5 =	vsel vm1, v29, v25;
	v25 =	vsel vm1, v30, v26  }
0x1cb: {  	v33 =	vnsel vm0, $0x0, v56;
	v57 =	vpop (erf)  }
0x1cc: {  	(xrf2) =	vadd.scan.msk.f32 $0xffff, v33;
	v59, v60, _ =	vpop (xrf1)  }
0x1cd: {  	(xrf1) =	vsort.dscd.msk.f32 $0xffff, v5, v25;
	v25, _, _ =	vpop (xrf0)  }
0x1ce: {  	vm1 =	vge.f32 v20, v18;
	v62, v61, _ =	vpop (xrf1);
	v25 =	vbroadcast v25, $0xF  }
0x1cf: {  	v20 =	vsel vm1, v20, v18;
	v26, v29, _ =	vpop (xrf1)  }
0x1d0: {  	v11 =	vsel vm1, v17, v11;
	vm1 =	vge.f32 v13, v7;
	v30, v5, _ =	vpop (xrf1);
	v17 =	vsub.f32 v28, v25  }
0x1d1: {  	v18 =	vnsel vm0, $0x0, v27;
	v7 =	vsel vm1, v13, v7;
	v12 =	vsel vm1, v12, v6;
	(xrf1) =	vsort.ascd.msk.f32 $0xffff, v20, v11;
	v27, v63, _ =	vpop (xrf1)  }
0x1d2: {  	v25, v28, _ =	vpop (xrf1);
	(xrf1) =	vsort.dscd.msk.f32 $0xffff, v7, v12;
	v7 =	vmul.f32 $1.442695020e+00, v17  }
0x1d3: {  	(xrf2) =	vadd.scan.msk.f32 $0xffff, v18;
	v11, v6, _ =	vpop (xrf1);
	vm1 =	vge.f32 v25, v31  }
0x1d4: {  	(xrf0) =	vmax.scan.msk.f32 $0xffff, v30;
	v17 =	vnsel vm0, $0x0, v57;
	v12, v13, _ =	vpop (xrf1);
	v20 =	vsel vm1, v25, v31  }
0x1d5: {  	(xrf2) =	vadd.scan.msk.f32 $0xffff, v17;
	v28 =	vsel vm1, v28, v58;
	vm1 =	vge.f32 v62, v59;
	v25, v31, _ =	vpop (xrf1)  }
0x1d6: {  	vm2 =	vge.f32 v27, v26;
	(erf) = vpow2.f32 v7;
	(xrf0) =	vmax.scan.msk.f32 $0xffff, v11;
	v43 =	vsel vm1, v61, v60;
	v7, v42, _ =	vpop (xrf1)  }
0x1d7: {  	(xrf1) =	vsort.ascd.msk.f32 $0xffff, v20, v28;
	v28 =	vsel vm1, v62, v59;
	v20, _, _ =	vpop (xrf2);
	vm1 =	vge.f32 v7, v25  }
0x1d8: {  	v26 =	vsel vm2, v27, v26;
	v27, v44, _ =	vpop (xrf1);
	v7 =	vsel vm1, v7, v25  }
0x1d9: {  	v29 =	vsel vm2, v63, v29;
	(xrf1) =	vsort.ascd.msk.f32 $0xffff, v28, v43;
	v46, v45, _ =	vpop (xrf1);
	v20 =	vbroadcast v20, $0xF  }
0x1da: {  	v25 =	vsel vm1, v42, v31;
	(xrf1) =	vsort.dscd.msk.f32 $0xffff, v26, v29;
	v28, v31, _ =	vpop (xrf1)  }
0x1db: {  	(xrf1) =	vsort.ascd.msk.f32 $0xffff, v7, v25;
	(erf) = vrcp.f32 v20;
	vm1 =	vge.f32 v46, v28;
	v7, _, _ =	vpop (xrf0)  }
0x1dc: {  	v28 =	vsel vm1, v46, v28;
	v29 =	vsel vm1, v45, v31;
	v47, _, _ =	vpop (xrf0)  }
0x1dd: {  	s17 =	simm.s32 $0x700;
	v20, _, _ =	vpop (xrf2);
	v25 =	vbroadcast v7, $0xF;
	(xrf1) =	vsort.dscd.msk.f32 $0xffff, v28, v29;
	v28 =	vbroadcast v47, $0xF  }
0x1de: {  	vm2 =	vge.f32 v12, v27;
	v31 =	vld [tilespmem:s17+$0xB0];
	v26, v7, _ =	vpop (xrf1);
	v20 =	vbroadcast v20, $0xF  }
0x1df: {  	v48 =	vld [tilespmem:s17+$0xA0];
	v13 =	vsel vm2, v13, v44;
	v25 =	vsub.f32 v30, v25;
	v29 =	vpop (erf)  }
0x1e0: {  	v12 =	vsel vm2, v12, v27;
	v27 =	vld [tilespmem:s17+$0x90];
	(xrf0) =	vmax.scan.msk.f32 $0xffff, v26;
	v49 =	vnsel vm0, $0x0, v29  }
0x1e1: {  	v30, _, _ =	vpop (xrf2);
	v29 =	vld [tilespmem:s17+$0x80];
	v11 =	vsub.f32 v11, v28;
	(erf) = vrcp.f32 v20;
	v25 =	vmul.f32 $1.442695020e+00, v25;
	(xrf2) =	vadd.scan.msk.f32 $0xffff, v49  }
0x1e2: {  	(xrf1) =	vsort.dscd.msk.f32 $0xffff, v12, v13;
	v20, v28, _ =	vpop (xrf1)  }
0x1e3: {  	v11 =	vmul.f32 $1.442695020e+00, v11;
	(xrf1) =	vsort.ascd.msk.f32 $0xffff, v31, v3;
	(erf) = vpow2.f32 v25;
	v12, v13, _ =	vpop (xrf1)  }
0x1e4: {  	v25 =	vbroadcast v30, $0xF;
	(xrf1) =	vsort.dscd.msk.f32 $0xffff, v48, v2;
	v30 =	vpop (erf)  }
0x1e5: {  	v31 =	vld [tilespmem:s17+$0x30];
	(erf) = vpow2.f32 v11;
	vm1 =	vge.f32 v12, v20;
	(xrf1) =	vsort.ascd.msk.f32 $0xffff, v27, v1;
	v27, v50, _ =	vpop (xrf1)  }
0x1e6: {  	(erf) = vrcp.f32 v25;
	v25 =	vld [tilespmem:s17+$0xFFFFFFB0];
	v11 =	vsel vm1, v12, v20;
	(xrf1) =	vsort.dscd.msk.f32 $0xffff, v29, v0;
	v12 =	vsel vm1, v13, v28;
	v13, _, _ =	vpop (xrf0)  }
0x1e7: {  	s28 =	simm.s32 $0x0;
	v51 =	vld [tilespmem:s17+$0xFFFFFFA0];
	v28, v29, _ =	vpop (xrf1);
	v13 =	vbroadcast v13, $0xF;
	(xrf1) =	vsort.dscd.msk.f32 $0xffff, v11, v12  }
0x1e8: {  	v54 =	vld [tilespmem:s17+$0x10];
	v20 =	vor.u32 s28, v0;
	v52, v53, _ =	vpop (xrf1)  }
0x1e9: {  	vm1 =	vge.f32 v24, v22;
	v56, v55, _ =	vpop (xrf1);
	v13 =	vsub.f32 v26, v13;
	v26 =	vmul.f32 v30, v33  }
0x1ea: {  	v11 =	vsel vm1, v24, v22;
	v12 =	vsel vm1, v23, v21;
	(xrf1) =	vsort.ascd.msk.f32 $0xffff, v31, v3;
	v30 =	vpop (erf)  }
0x1eb: {  	v21 =	vld [tilespmem:s17+$0x0];
	vm1 =	vge.f32 v19, v15;
	vm2 =	vge.f32 v52, v27;
	(xrf1) =	vsort.ascd.msk.f32 $0xffff, v25, v3;
	v13 =	vmul.f32 $1.442695020e+00, v13;
	v22, _, _ =	vpop (xrf2)  }
0x1ec: {  	s29 =	simm.s32 $0x100;
	v23 =	vld [tilespmem:s17+$0x20];
	v27 =	vsel vm2, v52, v27;
	v34 =	vsel vm2, v53, v50;
	(xrf1) =	vsort.dscd.msk.f32 $0xffff, v51, v2;
	v24 =	vpop (erf);
	v22 =	vbroadcast v22, $0xF  }
0x1ed: {  	v25 =	vor.u32 s29, v0;
	[tilespmem:v20+s11+$0x0] =	vst.idx.msk $0xff, v26;
	(erf) = vpow2.f32 v13;
	v26, v31, _ =	vpop (xrf1);
	(xrf1) =	vsort.ascd.msk.f32 $0xffff, v54, v1  }
0x1ee: {  	s30 =	simm.s32 $0x80;
	v57 =	vld [tilespmem:s17+$0xFFFFFF80];
	v18 =	vmul.f32 v30, v18;
	[tilespmem:v20+s12+$0x0] =	vst.idx.msk $0xff, v8;
	v58 =	vpop (erf);
	(erf) = vrcp.f32 v22;
	vm2 =	vge.f32 v26, v56  }
0x1ef: {  	v13 =	vsel vm1, v19, v15;
	v15 =	vld [tilespmem:s17+$0xFFFFFF30];
	(xrf1) =	vsort.dscd.msk.f32 $0xffff, v27, v34;
	v8 =	vpop (erf);
	v27 =	vor.u32 s30, v0;
	v22 =	vsel vm2, v26, v56  }
0x1f0: {  	v19 =	vld [tilespmem:s17+$0xFFFFFF20];
	(xrf1) =	vsort.dscd.msk.f32 $0xffff, v21, v0;
	v20, v21, _ =	vpop (xrf1)  }
0x1f1: {  	v14 =	vsel vm1, v14, v10;
	v26 =	vsel vm2, v31, v55;
	(xrf1) =	vsort.dscd.msk.f32 $0xffff, v23, v2;
	v23, v31, _ =	vpop (xrf1)  }
0x1f2: {  	v59 =	vld [tilespmem:s17+$0xFFFFFF90];
	[tilespmem:v25+s11+$0x0] =	vst.idx.msk $0xff, v18;
	v17 =	vmul.f32 v8, v17;
	v18, v60, _ =	vpop (xrf1);
	(xrf1) =	vsort.dscd.msk.f32 $0xffff, v22, v26  }
0x1f3: {  	v61 =	vld [tilespmem:s17+$0xFFFFFF00];
	vm1 =	vge.f32 v20, v28;
	[tilespmem:v25+s12+$0x0] =	vst.idx.msk $0xff, v9;
	(xrf1) =	vsort.dscd.msk.f32 $0xffff, v57, v0;
	v62, v22, _ =	vpop (xrf1)  }
0x1f4: {  	s31 =	simm.s32 $0x180;
	v8 =	vnsel vm0, $0x0, v24;
	v26 =	vsel vm1, v20, v28;
	v28 =	vld [tilespmem:s17+$0xFFFFFF10];
	[tilespmem:v27+s11+$0x0] =	vst.idx.msk $0xff, v17;
	(xrf1) =	vsort.ascd.msk.f32 $0xffff, v15, v3;
	v63, v25, _ =	vpop (xrf1)  }
0x1f5: {  	vm2 =	vge.f32 v18, v23;
	[tilespmem:v27+s12+$0x0] =	vst.idx.msk $0xff, v16;
	v16 =	vor.u32 s31, v0;
	(xrf1) =	vsort.dscd.msk.f32 $0xffff, v19, v2;
	v24, v15, _ =	vpop (xrf1)  }
0x1f6: {  	v30 =	vsel vm1, v21, v29;
	v20 =	vsel vm2, v18, v23;
	v9 =	vpop (erf);
	(xrf0) =	vmax.scan.msk.f32 $0xffff, v24  }
0x1f7: {  	s18 =	simm.s32 $0x10;
	v10 =	vnsel vm0, $0x0, v58;
	v21 =	vsel vm2, v60, v31;
	vm1 =	vge.f32 v63, v62;
	(xrf1) =	vsort.ascd.msk.f32 $0xffff, v59, v1;
	v17 =	vpop (erf)  }
0x1f8: {  	s16 =	simm.s32 $0x4;
	s15 =	simm.s32 $0x8;
	s14 =	simm.s32 $0xC;
	v23 =	vsel vm1, v63, v62;
	v29, v27, _ =	vpop (xrf1);
	v9 =	vnsel vm0, $0x0, v9;
	(xrf1) =	vsort.dscd.msk.f32 $0xffff, v61, v0;
	v19 =	vmul.f32 v17, v49  }
.LBB2_4:
0x1f9: {  	p0 =	slt.u32 s18, $0xFC;
	v17 =	vsel vm1, v25, v22;
	(xrf1) =	vsort.ascd.msk.f32 $0xffff, v28, v1;
	v18, v22, _ =	vpop (xrf1);
	s19 =	smov.u32 s18;
	s18 =	sadd.s32 $0x4, s18  }
0x1fa: {  	v25, v28, _ =	vpop (xrf1);
	(xrf2) =	vadd.scan.msk.f32 $0xffff, v10;
	[tilespmem:v16+s11+$0x0] =	vst.idx.msk $0xff, v19  }
0x1fb: {  	v19, v31, _ =	vpop (xrf1);
	[tilespmem:v16+s12+$0x0] =	vst.idx.msk $0xff, v4;
	v4 =	vmov v15  }
0x1fc: {  	vm1 =	vge.f32 v25, v18;
	(xrf1) =	vsort.dscd.msk.f32 $0xffff, v26, v30;
	v16, _, _ =	vpop (xrf0)  }
0x1fd: {  	v18 =	vsel vm1, v25, v18;
	v22 =	vsel vm1, v28, v22;
	v25, v15, _ =	vpop (xrf1);
	v16 =	vbroadcast v16, $0xF  }
0x1fe: {  	v26, v28, _ =	vpop (xrf1)  }
0x1ff: {  	vm1 =	vge.f32 v26, v19;
	v30, v32, _ =	vpop (xrf1);
	v16 =	vsub.f32 v24, v16;
	(xrf2) =	vadd.scan.msk.f32 $0xffff, v8  }
0x200: {  	v19 =	vsel vm1, v26, v19;
	v24, v26, _ =	vpop (xrf1);
	(xrf1) =	vsort.ascd.msk.f32 $0xffff, v11, v12;
	v11 =	vmov v20;
	v12 =	vmov v21  }
0x201: {  	v20 =	vsel vm1, v28, v31;
	v21, v28, _ =	vpop (xrf1);
	(xrf1) =	vsort.dscd.msk.f32 $0xffff, v13, v14;
	v33 =	vmul.f32 $1.442695020e+00, v16;
	v14 =	vmov v17  }
0x202: {  	vm1 =	vge.f32 v30, v29;
	v13 =	vmov v23;
	v17, v31, _ =	vpop (xrf1);
	(xrf0) =	vmax.scan.msk.f32 $0xffff, v25  }
0x203: {  	v34 =	vsel vm1, v30, v29;
	v32 =	vsel vm1, v32, v27;
	v29, v30, _ =	vpop (xrf1);
	(xrf2) =	vadd.scan.msk.f32 $0xffff, v9;
	(erf) = vpow2.f32 v33  }
0x204: {  	(xrf1) =	vsort.ascd.msk.f32 $0xffff, v34, v32;
	v16, _, _ =	vpop (xrf2);
	vm1 =	vge.f32 v29, v17  }
0x205: {  	v23, v27, _ =	vpop (xrf1);
	(xrf0) =	vmax.scan.msk.f32 $0xffff, v24;
	v17 =	vsel vm1, v29, v17  }
0x206: {  	v29 =	vsel vm1, v30, v31;
	v16 =	vbroadcast v16, $0xF;
	v30, v31, _ =	vpop (xrf1);
	(xrf1) =	vsort.ascd.msk.f32 $0xffff, v18, v22  }
0x207: {  	vm1 =	vge.f32 v21, v23;
	v18, v22, _ =	vpop (xrf1);
	(xrf1) =	vsort.dscd.msk.f32 $0xffff, v19, v20  }
0x208: {  	v19 =	vsel vm1, v21, v23;
	vm2 =	vge.f32 v30, v18;
	(xrf1) =	vsort.ascd.msk.f32 $0xffff, v17, v29;
	v17, _, _ =	vpop (xrf0);
	(erf) = vrcp.f32 v16  }
0x209: {  	s17 =	sadd.s32 $0x200, s17;
	v16 =	vsel vm2, v30, v18;
	v18 =	vsel vm2, v31, v22;
	v20 =	vbroadcast v17, $0xF;
	v21, _, _ =	vpop (xrf2)  }
0x20a: {  	v23 =	vsel vm1, v28, v27;
	v22 =	vld [tilespmem:s17+$0xB0];
	v27, v17, _ =	vpop (xrf1);
	v21 =	vbroadcast v21, $0xF  }
0x20b: {  	v28 =	vld [tilespmem:s17+$0xA0];
	v20 =	vsub.f32 v25, v20;
	v25, _, _ =	vpop (xrf0)  }
0x20c: {  	v29 =	vld [tilespmem:s17+$0x90];
	(xrf1) =	vsort.dscd.msk.f32 $0xffff, v16, v18;
	v16 =	vbroadcast v25, $0xF;
	v18 =	vpop (erf)  }
0x20d: {  	v25 =	vld [tilespmem:s17+$0x80];
	v20 =	vmul.f32 $1.442695020e+00, v20;
	(xrf0) =	vmax.scan.msk.f32 $0xffff, v27;
	v18 =	vnsel vm0, $0x0, v18;
	v30, _, _ =	vpop (xrf2)  }
0x20e: {  	v31 =	vld [tilespmem:s17+$0x30];
	v16 =	vsub.f32 v24, v16;
	v24, v32, _ =	vpop (xrf1);
	v30 =	vbroadcast v30, $0xF;
	(erf) = vrcp.f32 v21;
	(xrf2) =	vadd.scan.msk.f32 $0xffff, v18  }
0x20f: {  	s20 =	sshll.u32 s16, $0x7;
	s16 =	smov.u32 s15;
	s15 =	smov.u32 s14;
	v21 =	vld [tilespmem:s17+$0x20];
	(xrf1) =	vsort.dscd.msk.f32 $0xffff, v19, v23;
	v19, v23, _ =	vpop (xrf1)  }
0x210: {  	s21 =	sadd.s32 $0x80, s20;
	s22 =	sadd.s32 $0x100, s20;
	v33 =	vld [tilespmem:s17+$0x10];
	(xrf1) =	vsort.ascd.msk.f32 $0xffff, v22, v3;
	v16 =	vmul.f32 $1.442695020e+00, v16;
	(erf) = vpow2.f32 v20;
	v20 =	vor.u32 s20, v0;
	s20 =	sadd.s32 $0x180, s20  }
0x211: {  	s14 =	smov.u32 s19;
	vm1 =	vge.f32 v19, v24;
	v22 =	vld [tilespmem:s17+$0x0];
	(xrf1) =	vsort.dscd.msk.f32 $0xffff, v28, v2;
	v28 =	vpop (erf)  }
0x212: {  	v19 =	vsel vm1, v19, v24;
	v34 =	vld [tilespmem:s17+$0xFFFFFFB0];
	(xrf1) =	vsort.ascd.msk.f32 $0xffff, v29, v1;
	v29, v35, _ =	vpop (xrf1);
	(erf) = vpow2.f32 v16  }
0x213: {  	v36 =	vsel vm1, v23, v32;
	v10 =	vmul.f32 v28, v10;
	v16 =	vld [tilespmem:s17+$0xFFFFFFA0];
	(xrf1) =	vsort.dscd.msk.f32 $0xffff, v25, v0;
	v24, _, _ =	vpop (xrf0);
	(erf) = vrcp.f32 v30  }
0x214: {  	v32 =	vld [tilespmem:s17+$0xFFFFFF90];
	v25, v30, _ =	vpop (xrf1);
	v24 =	vbroadcast v24, $0xF;
	(xrf1) =	vsort.dscd.msk.f32 $0xffff, v19, v36  }
0x215: {  	v19 =	vld [tilespmem:s17+$0xFFFFFF80];
	v23, v28, _ =	vpop (xrf1);
	[tilespmem:v20+s11+$0x0] =	vst.idx.msk $0xff, v10;
	v10 =	vor.u32 s22, v0  }
0x216: {  	v36 =	vld [tilespmem:s17+$0xFFFFFF30];
	vm1 =	vge.f32 v23, v29;
	v37, v38, _ =	vpop (xrf1);
	v24 =	vsub.f32 v27, v24;
	[tilespmem:v20+s12+$0x0] =	vst.idx.msk $0xff, v6;
	v6 =	vmov v26  }
0x217: {  	v27 =	vld [tilespmem:s17+$0xFFFFFF20];
	(xrf1) =	vsort.ascd.msk.f32 $0xffff, v31, v3;
	v20 =	vsel vm1, v23, v29;
	v23 =	vsel vm1, v28, v35;
	v26 =	vpop (erf)  }
0x218: {  	v28 =	vld [tilespmem:s17+$0xFFFFFF10];
	(xrf1) =	vsort.ascd.msk.f32 $0xffff, v34, v3;
	v24 =	vmul.f32 $1.442695020e+00, v24;
	v26 =	vmul.f32 v26, v8;
	v8, _, _ =	vpop (xrf2)  }
0x219: {  	(xrf1) =	vsort.dscd.msk.f32 $0xffff, v16, v2;
	v16 =	vpop (erf);
	v29 =	vbroadcast v8, $0xF  }
0x21a: {  	(xrf1) =	vsort.ascd.msk.f32 $0xffff, v33, v1;
	v31, v33, _ =	vpop (xrf1);
	v8 =	vnsel vm0, $0x0, v16;
	(erf) = vpow2.f32 v24;
	[tilespmem:v10+s11+$0x0] =	vst.idx.msk $0xff, v26  }
0x21b: {  	v24 =	vor.u32 s21, v0;
	v16 =	vpop (erf);
	[tilespmem:v10+s12+$0x0] =	vst.idx.msk $0xff, v5;
	(erf) = vrcp.f32 v29;
	v5 =	vmov v15  }
0x21c: {  	vm1 =	vge.f32 v31, v37;
	(xrf1) =	vsort.dscd.msk.f32 $0xffff, v20, v23;
	v10 =	vnsel vm0, $0x0, v16;
	v15 =	vpop (erf)  }
0x21d: {  	v16 =	vsel vm1, v31, v37;
	v20 =	vsel vm1, v33, v38;
	(xrf1) =	vsort.dscd.msk.f32 $0xffff, v22, v0;
	v22, v23, _ =	vpop (xrf1)  }
0x21e: {  	v9 =	vmul.f32 v15, v9;
	v29 =	vld [tilespmem:s17+$0xFFFFFF00];
	(xrf1) =	vsort.dscd.msk.f32 $0xffff, v21, v2;
	v21, v31, _ =	vpop (xrf1);
	vm1 =	vge.f32 v22, v25  }
0x21f: {  	v15, v33, _ =	vpop (xrf1);
	v26 =	vsel vm1, v22, v25;
	v30 =	vsel vm1, v23, v30;
	(xrf1) =	vsort.dscd.msk.f32 $0xffff, v16, v20  }
0x220: {  	vm1 =	vge.f32 v15, v21;
	(xrf1) =	vsort.dscd.msk.f32 $0xffff, v19, v0;
	v19, v22, _ =	vpop (xrf1);
	[tilespmem:v24+s11+$0x0] =	vst.idx.msk $0xff, v9  }
.Ltmp1:
0x221: {  	v16 =	vor.u32 s20, v0;
	v20 =	vsel vm1, v15, v21;
	(xrf1) =	vsort.ascd.msk.f32 $0xffff, v36, v3;
	v23, v25, _ =	vpop (xrf1);
	[tilespmem:v24+s12+$0x0] =	vst.idx.msk $0xff, v7;
	(pc) =	sbr.rel @p0 .LBB2_4-.Ltmp1, $4  }
0x222: {  	v21 =	vsel vm1, v33, v31;
	v7 =	vmov v17;
	(xrf1) =	vsort.dscd.msk.f32 $0xffff, v27, v2;
	v24, v15, _ =	vpop (xrf1)  }
0x223: {  	v9 =	vpop (erf);
	(xrf0) =	vmax.scan.msk.f32 $0xffff, v24  }
0x224: {  	vm1 =	vge.f32 v23, v19;
	(xrf1) =	vsort.ascd.msk.f32 $0xffff, v32, v1;
	v9 =	vnsel vm0, $0x0, v9;
	v17 =	vpop (erf)  }
0x225: {  	v23 =	vsel vm1, v23, v19;
	(xrf1) =	vsort.dscd.msk.f32 $0xffff, v29, v0;
	v29, v27, _ =	vpop (xrf1);
	v19 =	vmul.f32 v17, v18  }
0x226: {  	(xrf1) =	vsort.ascd.msk.f32 $0xffff, v28, v1;
	_ =	sdelay $0x1  }
0x227: {  	v45, v31, _ =	vpop (xrf1)  }
0x228: {  	v32, v33, _ =	vpop (xrf1)  }
0x229: {  	v34, v35, _ =	vpop (xrf1)  }
0x22a: {  	v37, v17, _ =	vpop (xrf1)  }
0x22b: {  	v38, v39, _ =	vpop (xrf1)  }
0x22c: {  	(xrf1) =	vsort.dscd.msk.f32 $0xffff, v26, v30;
	v26, v30, _ =	vpop (xrf1)  }
0x22d: {  	(xrf1) =	vsort.ascd.msk.f32 $0xffff, v11, v12;
	v40, v18, _ =	vpop (xrf1)  }
0x22e: {  	vm2 =	vge.f32 v32, v45;
	(xrf1) =	vsort.dscd.msk.f32 $0xffff, v13, v14;
	vm3 =	vge.f32 v26, v29;
	v11, v12, _ =	vpop (xrf1)  }
0x22f: {  	v28 =	vsel vm2, v32, v45;
	v27 =	vsel vm3, v30, v27;
	v13, v14, _ =	vpop (xrf1)  }
0x230: {  	v31 =	vsel vm2, v33, v31;
	vm2 =	vge.f32 v38, v34;
	v26 =	vsel vm3, v26, v29;
	v46, v47, _ =	vpop (xrf1)  }
0x231: {  	v34 =	vsel vm2, v38, v34;
	(xrf1) =	vsort.ascd.msk.f32 $0xffff, v26, v27;
	v48, v41, _ =	vpop (xrf1)  }
0x232: {  	v35 =	vsel vm2, v39, v35;
	(xrf1) =	vsort.ascd.msk.f32 $0xffff, v28, v31;
	vm2 =	vge.f32 v46, v13;
	v49, v50, _ =	vpop (xrf1)  }
0x233: {  	(xrf1) =	vsort.dscd.msk.f32 $0xffff, v34, v35;
	v13 =	vsel vm2, v46, v13;
	v26, v27, _ =	vpop (xrf1)  }
0x234: {  	v14 =	vsel vm2, v47, v14;
	vm2 =	vge.f32 v11, v48;
	vm3 =	vge.f32 v49, v26  }
0x235: {  	(xrf1) =	vsort.ascd.msk.f32 $0xffff, v13, v14;
	v26 =	vsel vm3, v49, v26;
	v27 =	vsel vm3, v50, v27  }
0x236: {  	v36, _, _ =	vpop (xrf0);
	v11 =	vsel vm2, v11, v48;
	v12 =	vsel vm2, v12, v41;
	(xrf1) =	vsort.dscd.msk.f32 $0xffff, v26, v27  }
0x237: {  	v36 =	vbroadcast v36, $0xF;
	(xrf1) =	vsort.dscd.msk.f32 $0xffff, v11, v12;
	_ =	sdelay $0x1  }
0x238: {  	v24 =	vsub.f32 v24, v36  }
0x239: {  	v26, v11, _ =	vpop (xrf1)  }
0x23a: {  	v24 =	vmul.f32 $1.442695020e+00, v24;
	v52, v51, _ =	vpop (xrf1)  }
0x23b: {  	(xrf2) =	vadd.scan.msk.f32 $0xffff, v10;
	v53, v54, _ =	vpop (xrf1)  }
0x23c: {  	vm2 =	vge.f32 v53, v52  }
0x23d: {  	v12 =	vsel vm2, v53, v52;
	v13 =	vsel vm2, v54, v51  }
0x23e: {  	(xrf1) =	vsort.dscd.msk.f32 $0xffff, v12, v13  }
0x23f: {  	(erf) = vpow2.f32 v24;
	v58, v24, _ =	vpop (xrf1)  }
0x240: {  	(xrf0) =	vmax.scan.msk.f32 $0xffff, v37;
	v28, v59, _ =	vpop (xrf1)  }
0x241: {  	(xrf2) =	vadd.scan.msk.f32 $0xffff, v8;
	v61, v60, _ =	vpop (xrf1)  }
0x242: {  	(xrf0) =	vmax.scan.msk.f32 $0xffff, v40;
	vm2 =	vge.f32 v61, v58;
	v62, v63, _ =	vpop (xrf1)  }
0x243: {  	v13 =	vsel vm2, v61, v58;
	v34 =	vsel vm2, v60, v24;
	v35, v36, _ =	vpop (xrf1)  }
0x244: {  	(xrf1) =	vsort.dscd.msk.f32 $0xffff, v13, v34;
	vm2 =	vge.f32 v35, v62;
	v38, v39, _ =	vpop (xrf1)  }
0x245: {  	(xrf2) =	vadd.scan.msk.f32 $0xffff, v9;
	v55, _, _ =	vpop (xrf2);
	v41 =	vsel vm2, v35, v62;
	v42 =	vsel vm2, v36, v63;
	vm2 =	vge.f32 v38, v28  }
0x246: {  	v43, _, _ =	vpop (xrf0);
	v27 =	vbroadcast v55, $0xF;
	v12 =	vsel vm2, v38, v28;
	v13 =	vsel vm2, v39, v59;
	(xrf1) =	vsort.dscd.msk.f32 $0xffff, v41, v42  }
0x247: {  	(xrf1) =	vsort.dscd.msk.f32 $0xffff, v12, v13;
	v12 =	vbroadcast v43, $0xF  }
0x248: {  	v44 =	vsel vm1, v25, v22;
	v45, _, _ =	vpop (xrf0);
	(erf) = vrcp.f32 v27;
	(xrf1) =	vsort.ascd.msk.f32 $0xffff, v20, v21  }
0x249: {  	v46 =	vbroadcast v45, $0xF;
	(xrf1) =	vsort.dscd.msk.f32 $0xffff, v23, v44  }
0x24a: {  	(xrf0) =	vmax.scan.msk.f32 $0xffff, v26  }
0x24b: {  	v56, _, _ =	vpop (xrf2);
	v13 =	vsub.f32 v40, v46  }
0x24c: {  	v47 =	vsub.f32 v37, v12;
	v48, v12, _ =	vpop (xrf1)  }
0x24d: {  	v14 =	vbroadcast v56, $0xF;
	v57 =	vpop (erf);
	v13 =	vmul.f32 $1.442695020e+00, v13;
	(xrf0) =	vmax.scan.msk.f32 $0xffff, v48  }
0x24e: {  	v24 =	vnsel vm0, $0x0, v57  }
0x24f: {  	v49, _, _ =	vpop (xrf2);
	(erf) = vrcp.f32 v14;
	(xrf2) =	vadd.scan.msk.f32 $0xffff, v24;
	v14 =	vmul.f32 $1.442695020e+00, v47  }
0x250: {  	v50, _, _ =	vpop (xrf0)  }
0x251: {  	v23 =	vpop (erf);
	(erf) = vpow2.f32 v14  }
0x252: {  	(erf) = vpow2.f32 v13;
	v53, v13, _ =	vpop (xrf1)  }
0x253: {  	v52, _, _ =	vpop (xrf0)  }
0x254: {  	v54 =	vbroadcast v50, $0xF;
	v55, v20, _ =	vpop (xrf1)  }
0x255: {  	v56, v14, _ =	vpop (xrf1)  }
0x256: {  	v26 =	vsub.f32 v26, v54;
	v58, v57, _ =	vpop (xrf1)  }
0x257: {  	v59 =	vbroadcast v52, $0xF;
	v61, v60, _ =	vpop (xrf1)  }
0x258: {  	v22 =	vbroadcast v49, $0xF;
	v26 =	vmul.f32 $1.442695020e+00, v26;
	v25 =	vpop (erf);
	vm1 =	vge.f32 v61, v58  }
0x259: {  	v51, _, _ =	vpop (xrf2);
	v21 =	vsub.f32 v48, v59;
	v37 =	vsel vm1, v61, v58;
	v38 =	vsel vm1, v60, v57  }
0x25a: {  	v27 =	vbroadcast v51, $0xF;
	(erf) = vrcp.f32 v22;
	v62 =	vpop (erf);
	(xrf1) =	vsort.dscd.msk.f32 $0xffff, v37, v38  }
0x25b: {  	(erf) = vpow2.f32 v26;
	v63 =	vpop (erf);
	v21 =	vmul.f32 $1.442695020e+00, v21  }
0x25c: {  	(xrf0) =	vmax.scan.msk.f32 $0xffff, v53;
	(erf) = vrcp.f32 v27;
	v26 =	vnsel vm0, $0x0, v63  }
0x25d: {  	(xrf2) =	vadd.scan.msk.f32 $0xffff, v26;
	(erf) = vpow2.f32 v21;
	_ =	sdelay $0x2  }
0x25e: {  	v21 =	vnsel vm0, $0x0, v62  }
0x25f: {  	(xrf2) =	vadd.scan.msk.f32 $0xffff, v21  }
0x260: {  	v42, _, _ =	vpop (xrf0)  }
0x261: {  	(xrf0) =	vmax.scan.msk.f32 $0xffff, v55;
	v22 =	vpop (erf)  }
0x262: {  	v39 =	vpop (erf)  }
0x263: {  	(xrf0) =	vmax.scan.msk.f32 $0xffff, v56;
	v28 =	vpop (erf);
	v27 =	vnsel vm0, $0x0, v39  }
0x264: {  	(xrf2) =	vadd.scan.msk.f32 $0xffff, v27;
	v41 =	vpop (erf)  }
0x265: {  	v40, _, _ =	vpop (xrf2);
	v33 =	vnsel vm0, $0x0, v41  }
0x266: {  	v34 =	vbroadcast v42, $0xF;
	(xrf2) =	vadd.scan.msk.f32 $0xffff, v33;
	v43, v36, _ =	vpop (xrf1)  }
0x267: {  	v44, _, _ =	vpop (xrf0);
	(xrf0) =	vmax.scan.msk.f32 $0xffff, v43  }
0x268: {  	v29 =	vsub.f32 v53, v34;
	v37 =	vbroadcast v44, $0xF  }
0x269: {  	v30 =	vbroadcast v40, $0xF;
	v45, _, _ =	vpop (xrf2)  }
0x26a: {  	v29 =	vmul.f32 $1.442695020e+00, v29;
	v47, _, _ =	vpop (xrf0);
	v46 =	vsub.f32 v55, v37;
	v38 =	vbroadcast v45, $0xF  }
0x26b: {  	v31 =	vbroadcast v47, $0xF;
	(erf) = vrcp.f32 v30  }
0x26c: {  	v30 =	vmul.f32 $1.442695020e+00, v46;
	(erf) = vrcp.f32 v38  }
0x26d: {  	(erf) = vpow2.f32 v29;
	v48, _, _ =	vpop (xrf0)  }
0x26e: {  	v50 =	vsub.f32 v56, v31;
	v49, _, _ =	vpop (xrf2);
	(erf) = vpow2.f32 v30;
	v29 =	vbroadcast v48, $0xF  }
0x26f: {  	v51 =	vbroadcast v49, $0xF  }
0x270: {  	v30 =	vmul.f32 $1.442695020e+00, v50;
	v52, _, _ =	vpop (xrf2);
	v29 =	vsub.f32 v43, v29  }
0x271: {  	(erf) = vrcp.f32 v51;
	v53 =	vbroadcast v52, $0xF  }
0x272: {  	(erf) = vpow2.f32 v30;
	v29 =	vmul.f32 $1.442695020e+00, v29  }
0x273: {  	(erf) = vrcp.f32 v53  }
0x274: {  	v54 =	vpop (erf);
	(erf) = vpow2.f32 v29  }
0x275: {  	v55 =	vpop (erf)  }
0x276: {  	v56 =	vpop (erf)  }
0x277: {  	v57 =	vpop (erf)  }
0x278: {  	v32 =	vnsel vm0, $0x0, v57  }
0x279: {  	v31 =	vnsel vm0, $0x0, v56;
	(xrf2) =	vadd.scan.msk.f32 $0xffff, v32  }
0x27a: {  	v58 =	vpop (erf);
	(xrf2) =	vadd.scan.msk.f32 $0xffff, v31  }
0x27b: {  	s16 =	sshll.u32 s16, $0x7;
	v59 =	vpop (erf)  }
0x27c: {  	s17 =	sadd.s32 $0x100, s16;
	v35 =	vnsel vm0, $0x0, v59;
	v60 =	vpop (erf)  }
0x27d: {  	v63 =	vor.u32 s17, v0;
	(xrf2) =	vadd.scan.msk.f32 $0xffff, v35;
	v62 =	vpop (erf)  }
0x27e: {  	[tilespmem:v16+s11+$0x0] =	vst.idx.msk $0xff, v19;
	s26 =	sadd.s32 $0x80, s16;
	v39 =	vnsel vm0, $0x0, v62  }
0x27f: {  	[tilespmem:v16+s12+$0x0] =	vst.idx.msk $0xff, v4;
	v4 =	vor.u32 s26, v0;
	(xrf2) =	vadd.scan.msk.f32 $0xffff, v39  }
0x280: {  	v61 =	vor.u32 s16, v0;
	s16 =	sadd.s32 $0x180, s16;
	v44 =	vmul.f32 v25, v8  }
0x281: {  	v46 =	vor.u32 s16, v0  }
0x282: {  	s15 =	sshll.u32 s15, $0x7;
	v47 =	vmul.f32 v22, v9;
	[tilespmem:v63+s11+$0x0] =	vst.idx.msk $0xff, v44  }
0x283: {  	[tilespmem:v63+s12+$0x0] =	vst.idx.msk $0xff, v5;
	v49 =	vor.u32 s15, v0;
	v45, _, _ =	vpop (xrf2)  }
0x284: {  	v5 =	vmul.f32 v28, v24;
	[tilespmem:v4+s11+$0x0] =	vst.idx.msk $0xff, v47;
	v48 =	vbroadcast v45, $0xF;
	v50, _, _ =	vpop (xrf2)  }
0x285: {  	[tilespmem:v4+s12+$0x0] =	vst.idx.msk $0xff, v7;
	v51 =	vbroadcast v50, $0xF  }
0x286: {  	s28 =	sadd.s32 $0x100, s15;
	[tilespmem:v46+s11+$0x0] =	vst.idx.msk $0xff, v5;
	v4 =	vmul.f32 v54, v26;
	(erf) = vrcp.f32 v48  }
0x287: {  	[tilespmem:v46+s12+$0x0] =	vst.idx.msk $0xff, v15;
	v52 =	vor.u32 s28, v0;
	v53, _, _ =	vpop (xrf2);
	(erf) = vrcp.f32 v51  }
0x288: {  	s29 =	sadd.s32 $0x80, s15;
	v43 =	vmul.f32 v23, v10;
	[tilespmem:v49+s11+$0x0] =	vst.idx.msk $0xff, v4;
	v5 =	vbroadcast v53, $0xF  }
0x289: {  	s15 =	sadd.s32 $0x180, s15;
	v54 =	vmul.f32 v55, v21;
	v55 =	vor.u32 s29, v0;
	[tilespmem:v49+s12+$0x0] =	vst.idx.msk $0xff, v18;
	v56, _, _ =	vpop (xrf2)  }
0x28a: {  	[tilespmem:v61+s11+$0x0] =	vst.idx.msk $0xff, v43;
	(erf) = vrcp.f32 v5;
	v5 =	vor.u32 s15, v0;
	v4 =	vbroadcast v56, $0xF  }
0x28b: {  	[tilespmem:v61+s12+$0x0] =	vst.idx.msk $0xff, v6  }
0x28c: {  	s14 =	sshll.u32 s14, $0x7;
	[tilespmem:v52+s11+$0x0] =	vst.idx.msk $0xff, v54;
	v57 =	vmul.f32 v58, v27;
	(erf) = vrcp.f32 v4  }
0x28d: {  	[tilespmem:v52+s12+$0x0] =	vst.idx.msk $0xff, v17;
	v58 =	vmul.f32 v60, v33;
	v4 =	vor.u32 s14, v0  }
0x28e: {  	s30 =	sadd.s32 $0x100, s14;
	[tilespmem:v55+s11+$0x0] =	vst.idx.msk $0xff, v57  }
0x28f: {  	v60 =	vor.u32 s30, v0;
	[tilespmem:v5+s11+$0x0] =	vst.idx.msk $0xff, v58;
	v59 =	vpop (erf)  }
0x290: {  	s31 =	sadd.s32 $0x80, s14;
	[tilespmem:v5+s12+$0x0] =	vst.idx.msk $0xff, v12;
	v61 =	vmul.f32 v59, v32;
	v5 =	vpop (erf)  }
0x291: {  	[tilespmem:v55+s12+$0x0] =	vst.idx.msk $0xff, v11;
	v62 =	vor.u32 s31, v0;
	v5 =	vmul.f32 v5, v31  }
0x292: {  	s14 =	sadd.s32 $0x180, s14;
	[tilespmem:v4+s11+$0x0] =	vst.idx.msk $0xff, v61  }
0x293: {  	v63 =	vor.u32 s14, v0;
	[tilespmem:v4+s12+$0x0] =	vst.idx.msk $0xff, v20;
	v4 =	vpop (erf)  }
0x294: {  	[tilespmem:v60+s11+$0x0] =	vst.idx.msk $0xff, v5;
	v4 =	vmul.f32 v4, v35  }
0x295: {  	[tilespmem:v60+s12+$0x0] =	vst.idx.msk $0xff, v13;
	v5 =	vpop (erf)  }
0x296: {  	[tilespmem:v62+s11+$0x0] =	vst.idx.msk $0xff, v4;
	v4 =	vmul.f32 v5, v39  }
0x297: {  	[tilespmem:v62+s12+$0x0] =	vst.idx.msk $0xff, v14  }
0x298: {  	[tilespmem:v63+s11+$0x0] =	vst.idx.msk $0xff, v4  }
0x299: {  	[tilespmem:v63+s12+$0x0] =	vst.idx.msk $0xff, v36  }
0x29a: {  	[hbm4b:s7+s1] =	stream.linear.scatter [tilespmem:s11], [sflag:$0x1], $0x8000, $0x38;
	[tilespmem:$0x18000] =	vst v63  }
0x29b: {  	s13 =	sadd.s32 $0x1, s13;
	_ =	swait.ge [sflag:s10], $0x8000  }
0x29c: {  	p0 =	sne.s32 s13, s9;
	[sflag:s10] =	ssyncset.done $0x0  }
.Ltmp2:
0x29d: {  	[sflag:s10] =	ssyncadd.s32 $0xFFFF8000;
	(pc) =	sbr.rel @p0 .LBB2_1-.Ltmp2, $4  }
0x29e: {  	[hbm4b:s8+s1] =	stream.linear.scatter [tilespmem:s12], [sflag:$0x1], $0x8000, $0x38;
	[tilespmem:$0x18000] =	vst v63  }
0x29f: {  	_ =	swait.ge [sflag:s10], $0x8000  }
0x2a0: {  	[sflag:s10] =	ssyncset.done $0x0  }
0x2a1: {  	[sflag:s10] =	ssyncadd.s32 $0xFFFF8000  }
0x2a2: {  	_ =	sfence.sel $0x180000  }
0x2a3: {  	[bflag:$0x0] =	sbarrier.arrive $0xFFFF  }
0x2a4: {  	p0 =	sne.s32 s2, $0x0;
	_ =	strace $0x90000047  }
0x2a5: {  	s0 =	sadd.s32 @!p0 $0x100000, s0;
	[bflag:$0x2] =	sbarrier.arrive $0xFFFF  }
0x2a6: {  	[sflag:s0] =	ssyncadd.tile.s32 @!p0 $0x1;
	_ =	shalt  }
.Lfunc_end2:
_tile_overlayer_lowered:
.L_overlay_start_2:
0x2a7: {  	(tag) =	ssettag $0x2  }
0x2a8: {  	s0 =	rddreg [dreg:$0x0];
	s2 =	stileid.u32  }
0x2a9: {  	s1 =	rddreg [dreg:$0x1];
	p0 =	sne.s32 s2, $0x0  }
0x2aa: {  	s3 =	rddreg [dreg:$0x2];
	[bflag:$0x3] =	sbarrier.arrive $0xFFFF;
	s2 =	simm.s32 @!p0 $0x1C01  }
0x2ab: {  	[timem:s3], [sflag:s2] =	dma.local @!p0 [hbm:s0], s1  }
0x2ac: {  	s0 =	simm.s32 @!p0 $0x1  }
0x2ad: {  	_ =	swait.ge @!p0 [sflag:s0], s1  }
0x2ae: {  	s1 =	ssub.s32 @!p0 $0x0, s1;
	[sflag:s0] =	ssyncset.done @!p0 $0x0  }
0x2af: {  	[sflag:s0] =	ssyncadd.s32 @!p0 s1  }
0x2b0: {  	[bflag:$0x3] =	sbarrier.arrive $0xFFFF  }
0x2b1: {  	_ =	shalt  }

// kernel: kernel.9.cloned.1.call-start
scs
__scs_entry_jumppad:
0x0: {  	(pc) =	sbr.rel $0x88, $3  }
0x1: {  	(tag) =	ssettag $0x0;
	lr =	simm.s32 $0x1  }
0x2: {  	[smem:$0x3F9E] =	sst lr;
	_ =	strace $0xD0000000  }
0x3: {  	_ = 	snop  }
0x4: {  	_ = 	snop  }
0x5: {  	_ = 	snop  }
0x6: {  	_ = 	snop  }
0x7: {  	_ = 	snop  }
__scs_overlays_trampoline_lowered:
0x8: {  	[smem:$0x3FAD] =	sst s0  }
0x9: {  	[smem:$0x3FAE] =	sst s1  }
0xa: {  	[smem:$0x3FAF] =	sst s2  }
0xb: {  	[smem:$0x3FB0] =	sst s3  }
0xc: {  	[smem:$0x3FB1] =	sst s4  }
0xd: {  	[smem:$0x3FB2] =	sst s5  }
0xe: {  	[smem:$0x3FB3] =	sst s6  }
0xf: {  	[smem:$0x3FB4] =	sst s7  }
0x10: {  	[smem:$0x3FB5] =	sst s8  }
0x11: {  	[smem:$0x3FB6] =	sst s9;
	s0 =	simm.s32 @!p0 $0x0  }
0x12: {  	s1 =	sld [smem:$0x3F9C];
	s0 =	simm.s32 @p0 $0x1  }
0x13: {  	[smem:$0x3FB7] =	sst s0;
	s0 =	simm.s32 @!p1 $0x0  }
0x14: {  	s2 =	sld [smem:$0x3F9B];
	s0 =	simm.s32 @p1 $0x1  }
0x15: {  	[smem:$0x3FB8] =	sst s0;
	s0 =	simm.s32 @!p2 $0x0  }
0x16: {  	s3 =	sld [smem:$0x3FDB];
	s0 =	simm.s32 @p2 $0x1  }
0x17: {  	s4 =	simm.s32 $0x1BF5;
	[smem:$0x3FBA] =	sst s0  }
0x18: {  	s0 =	sld [smem:$0x3F9D];
	_ =	swait.ge [sflag:s4], $0x0  }
0x19: {  	s7 =	sld [smem:$0x3F9E]  }
0x1a: {  	s8 =	sadd.s32 $0xFFFFE003, lr  }
0x1b: {  	s9 =	sadd.s32 $0xFFFFFEF7, lr;
	s5 =	simm.s32 $0xFFFFFFFF;
	p2 =	slt.u32 s8, $0xFFFFF086  }
0x1c: {  	p1 =	slt.u32 s9, $0xF7A;
	s5 =	simm.s32 @!p2 $0x0  }
0x1d: {  	s5 =	simm.s32 @p1 $0x1;
	p0 =	seq.s32 s7, s2  }
0x1e: {  	s7 =	smul.u32 @!p0 $0xF7A, s2;
	p2 =	seq.s32 @!p0 s5, $0x0  }
0x1f: {  	s9 =	smul.u32 $0xF7A, s1;
	s8 =	simm.s32 @!p0 $0x1BF5;
	p2 =	por !p2, p0  }
0x20: {  	[sflag:s8] =	ssyncset.s32 @!p0 $0xFFFFF086;
	s6 =	sadd.s32 @!p0 s3, s7;
	s7 =	simm.s32 @!p0 $0x108  }
0x21: {  	s3 =	sadd.s32 s3, s9;
	s6 =	sadd.s32 @!p0 $0x88, s6;
	s7 =	simm.s32 @p2 $0x1082  }
0x22: {  	[simem:s7], [sflag:s8] =	dma.local @!p0 [hbm:s6], $0xF7A  }
0x23: {  	s9 =	sor.u32 $0xD0000000, s2;
	s6 =	simm.s32 $0x108;
	_ =	swait.ge @!p0 [sflag:s8], $0x0  }
0x24: {  	s3 =	sadd.s32 $0x88, s3;
	s6 =	simm.s32 @!p1 $0x1082;
	[sflag:s4] =	ssyncset.s32 $0xFFFFF086  }
0x25: {  	[simem:s6], [sflag:s4] =	dma.local [hbm:s3], $0xF7A  }
0x26: {  	[smem:$0x3F9E] =	sst s1;
	(tag) =	ssettag s2;
	_ =	strace s9  }
0x27: {  	s1 =	sld [smem:$0x3FAE]  }
0x28: {  	s2 =	sld [smem:$0x3FAF]  }
0x29: {  	s4 =	sld [smem:$0x3FB1]  }
0x2a: {  	p0 =	seq.s32 s5, $0x0;
	s5 =	sld [smem:$0x3FB2]  }
0x2b: {  	s6 =	sld [smem:$0x3FB3]  }
0x2c: {  	s7 =	sld [smem:$0x3FB4]  }
0x2d: {  	s3 =	simm.s32 $0x108;
	s8 =	sld [smem:$0x3FB5]  }
0x2e: {  	s3 =	simm.s32 @!p0 $0x1082;
	s9 =	sld [smem:$0x3FB6]  }
0x2f: {  	lr =	sadd.s32 s0, s3;
	s0 =	sld [smem:$0x3FAD]  }
0x30: {  	s3 =	sld [smem:$0x3FB0]  }
0x31: {  	[smem:$0x3FB9] =	sst s10  }
0x32: {  	s10 =	sld [smem:$0x3FB7];
	_ =	sdelay $0x3  }
0x33: {  	p0 =	seq.s32 s10, $0x1;
	s10 =	sld [smem:$0x3FB9];
	_ =	sdelay $0x3  }
0x34: {  	[smem:$0x3FB9] =	sst s10  }
0x35: {  	s10 =	sld [smem:$0x3FB8];
	_ =	sdelay $0x3  }
0x36: {  	p1 =	seq.s32 s10, $0x1;
	s10 =	sld [smem:$0x3FB9];
	_ =	sdelay $0x3  }
0x37: {  	[smem:$0x3FB9] =	sst s10  }
0x38: {  	s10 =	sld [smem:$0x3FBA]  }
0x39: {  	_ = 	snop;
	(pc) =	sbr.ind lr, $3  }
0x3a: {  	_ = 	snop  }
0x3b: {  	_ = 	snop  }
0x3c: {  	p2 =	seq.s32 s10, $0x1;
	s10 =	sld [smem:$0x3FB9]  }
0x3d: {  	_ =	shalt  }
0x3e: {  	_ =	shalt  }
0x3f: {  	_ =	shalt  }
0x40: {  	_ =	shalt  }
0x41: {  	_ =	shalt  }
0x42: {  	_ =	shalt  }
0x43: {  	_ =	shalt  }
0x44: {  	_ =	shalt  }
0x45: {  	_ =	shalt  }
0x46: {  	_ =	shalt  }
0x47: {  	_ =	shalt  }
0x48: {  	_ =	shalt  }
0x49: {  	_ =	shalt  }
0x4a: {  	_ =	shalt  }
0x4b: {  	_ =	shalt  }
0x4c: {  	_ =	shalt  }
0x4d: {  	_ =	shalt  }
0x4e: {  	_ =	shalt  }
0x4f: {  	_ =	shalt  }
0x50: {  	_ =	shalt  }
0x51: {  	_ =	shalt  }
0x52: {  	_ =	shalt  }
0x53: {  	_ =	shalt  }
0x54: {  	_ =	shalt  }
0x55: {  	_ =	shalt  }
0x56: {  	_ =	shalt  }
0x57: {  	_ =	shalt  }
0x58: {  	_ =	shalt  }
0x59: {  	_ =	shalt  }
0x5a: {  	_ =	shalt  }
0x5b: {  	_ =	shalt  }
0x5c: {  	_ =	shalt  }
0x5d: {  	_ =	shalt  }
0x5e: {  	_ =	shalt  }
0x5f: {  	_ =	shalt  }
0x60: {  	_ =	shalt  }
0x61: {  	_ =	shalt  }
0x62: {  	_ =	shalt  }
0x63: {  	_ =	shalt  }
0x64: {  	_ =	shalt  }
0x65: {  	_ =	shalt  }
0x66: {  	_ =	shalt  }
0x67: {  	_ =	shalt  }
0x68: {  	_ =	shalt  }
0x69: {  	_ =	shalt  }
0x6a: {  	_ =	shalt  }
0x6b: {  	_ =	shalt  }
0x6c: {  	_ =	shalt  }
0x6d: {  	_ =	shalt  }
0x6e: {  	_ =	shalt  }
0x6f: {  	_ =	shalt  }
0x70: {  	_ =	shalt  }
0x71: {  	_ =	shalt  }
0x72: {  	_ =	shalt  }
0x73: {  	_ =	shalt  }
0x74: {  	_ =	shalt  }
0x75: {  	_ =	shalt  }
0x76: {  	_ =	shalt  }
0x77: {  	_ =	shalt  }
0x78: {  	_ =	shalt  }
0x79: {  	_ =	shalt  }
0x7a: {  	_ =	shalt  }
0x7b: {  	_ =	shalt  }
0x7c: {  	_ =	shalt  }
0x7d: {  	_ =	shalt  }
0x7e: {  	_ =	shalt  }
0x7f: {  	_ =	shalt  }
0x80: {  	_ =	shalt  }
0x81: {  	_ =	shalt  }
0x82: {  	_ =	shalt  }
0x83: {  	_ =	shalt  }
0x84: {  	_ =	shalt  }
0x85: {  	_ =	shalt  }
0x86: {  	_ =	shalt  }
0x87: {  	_ =	shalt  }
.Lfunc_end0:
.L_simem_size_0:
called_computation.1_lowered:
.L_overlay_start_0:
0x88: {  	s2 =	sld [smem:$0x3FD9]  }
0x89: {  	s3 =	sld [smem:$0x3FFE];
	_ =	sdelay $0x1  }
0x8a: {  	s1 =	srdreg.scid  }
0x8b: {  	s0 =	sand.u32 $0x1, s1  }
0x8c: {  	s17 =	sshll.u32 s0, $0xA;
	s2 =	sadd.s32 s3, s2  }
0x8d: {  	s2 =	sadd.s32 s2, s17  }
0x8e: {  	[smem:$0x3FC5] =	sst s2  }
0x8f: {  	_ = 	snop  }
0x90: {  	(tm) =	ssettm $0x1  }
0x91: {  	s18 =	sld [smem:$0x3FFB];
	_ =	sdelay $0x3  }
0x92: {  	_ =	strace s18  }
0x93: {  	s2 =	sld [smem:$0x3FFC];
	_ =	sdelay $0x3  }
0x94: {  	_ =	strace s2  }
0x95: {  	s2 =	sld [smem:$0x3FFD];
	_ =	sdelay $0x3  }
0x96: {  	_ =	strace s2  }
0x97: {  	_ =	strace $0x8FFFFFFF  }
0x98: {  	s19 =	sld [smem:$0x3FDB];
	_ =	sdelay $0x1  }
0x99: {  	s20 =	simm.s32 $_scs_section_size  }
0x9a: {  	s4 =	simm.s32 $_size__tile_overlayer_lowered;
	s5 =	simm.s32 $_tile_overlayer_lowered  }
0x9b: {  	s6 =	simm.s32 $0x1BFF;
	s21 =	sshll.u32 s5, $0x1;
	s3 =	sadd.s32 s20, s19  }
0x9c: {  	s22 =	simm.s32 $0x0;
	s4 =	sshll.u32 s4, $0x1;
	s5 =	sadd.s32 s21, s3  }
0x9d: {  	[timem:s22], [sflag:s6] =	dma.local [hbm:s5], s4  }
0x9e: {  	_ =	swait.ge [sflag:s6], s4  }
0x9f: {  	s4 =	ssub.s32 $0x0, s4;
	[sflag:s6] =	ssyncset.done $0x0  }
0xa0: {  	[sflag:s6] =	ssyncadd.s32 s4;
	_ =	sdelay $0x1  }
0xa1: {  	s23 =	simm.s32 $0x1B8B  }
0xa2: {  	_ =	swait.ge [sflag:s23], $0x1  }
0xa3: {  	[sflag:s23] =	ssyncset.done $0x0  }
0xa4: {  	[sflag:s23] =	ssyncadd.s32 $0xFFFFFFFF  }
0xa5: {  	s4 =	sld [smem:$0x0]  }
0xa6: {  	s5 =	sand.u32 $0xFFFFFFFE, s1  }
0xa7: {  	p0 =	sne.s32 s1, s5  }
0xa8: {  	s5 =	sshll.u32 @p0 s5, $0xE  }
0xa9: {  	s5 =	sadd.s32 @p0 $0x11B8D, s5;
	s6 =	sshll.u32 @p0 s4, $0x11  }
0xaa: {  	s5 =	sor.u32 @p0 s6, s5  }
0xab: {  	[sflag:s5] =	ssyncadd.remote.s32 @p0 $0x1;
	_ =	sdelay $0x1  }
0xac: {  	s5 =	simm.s32 @p0 $0x1B8D  }
0xad: {  	_ =	swait.eq @p0 [sflag:s5], $0x1  }
0xae: {  	[sflag:s5] =	ssyncadd.s32 @p0 $0xFFFFFFFF  }
0xaf: {  	s6 =	sshll.u32 @!p0 s1, $0xE  }
0xb0: {  	s6 =	sor.u32 @!p0 $0x4000, s6;
	s5 =	simm.s32 @!p0 $0x1B8D  }
0xb1: {  	s4 =	sshll.u32 @!p0 s4, $0x11;
	s6 =	sadd.s32 @!p0 $0x11B8D, s6;
	_ =	swait.eq @!p0 [sflag:s5], $0x1  }
0xb2: {  	s4 =	sor.u32 @!p0 s4, s6;
	[sflag:s5] =	ssyncadd.s32 @!p0 $0xFFFFFFFF  }
0xb3: {  	s25 =	simm.s32 $0x1B8E;
	s24 =	sld [smem:$0x3FFE];
	[sflag:s4] =	ssyncadd.remote.s32 @!p0 $0x1  }
0xb4: {  	s26 =	simm.s32 $execute0_lowered;
	[smem:$0x3FD2] =	sst s25  }
0xb5: {  	s5 =	sshll.u32 s26, $0x1;
	_ =	strace $0x80000049;
	[dreg:$0x1] =	wrdreg $0xFFFFFFFF  }
0xb6: {  	s28 =	simm.s32 $_size_execute0_lowered;
	s3 =	sadd.s32 s3, s5;
	[dreg:$0x0] =	wrdreg $0x0  }
0xb7: {  	s5 =	sshll.u32 s28, $0x1;
	[dreg:$0x2] =	wrdreg s3  }
0xb8: {  	[dreg:$0x3] =	wrdreg s5  }
0xb9: {  	[dreg:$0x4] =	wrdreg $0xC0  }
0xba: {  	_ =	task [dreg:s22], $0x5FFFF  }
0xbb: {  	[dreg:$0x1] =	wrdreg $0xFFFFFFFF  }
0xbc: {  	[dreg:$0x0] =	wrdreg $0x60  }
0xbd: {  	[dreg:$0x2] =	wrdreg s24  }
0xbe: {  	[dreg:$0x3] =	wrdreg $0xA  }
0xbf: {  	_ =	task.clear_ibuf [dreg:s22], $0x4FFFF;
	_ =	strace $0x90000049  }
0xc0: {  	s29 =	simm.s32 $0xA;
	_ =	strace $0x8000004B  }
0xc1: {  	_ =	swait.ge [sflag:s29], $0x1  }
0xc2: {  	[sflag:s29] =	ssyncadd.s32 $0xFFFFFFFF  }
0xc3: {  	_ =	strace $0x9000004B  }
0xc4: {  	_ =	sfence  }
0xc5: {  	s30 =	sld [smem:$0x0];
	_ =	sdelay $0x2  }
0xc6: {  	s31 =	sshll.u32 s1, $0xD;
	s1 =	sshrl.u32 s1, $0x2  }
0xc7: {  	s4 =	sand.u32 $0x4000, s31;
	s1 =	sadd.s32 s1, s30  }
0xc8: {  	s0 =	sor.u32 s4, s0;
	s1 =	sshll.u32 s1, $0x11  }
0xc9: {  	s0 =	sor.u32 s1, s0  }
0xca: {  	s0 =	sadd.s32 $0x8F2B, s0  }
0xcb: {  	[sflag:s0] =	ssyncadd.remote.s32 $0x1  }
0xcc: {  	_ =	sfence.sel $0xFFFF  }
0xcd: {  	[dreg:$0x0] =	wrdreg $0xFFFFFFFF;
	(pc) =	sbr.abs _section_cstart, $3  }
0xce: {  	[dreg:$0x1] =	wrdreg $0xFFFFFFFF  }
0xcf: {  	_ =	task.clear_ibuf [dreg:s22], $0x2FFFF;
	_ =	strace $0x9FFFFFFF  }
0xd0: {  	(tm) =	ssettm $0x7FFFFFFF  }
0xd1: {  	_ =	shalt  }
tec
execute0_lowered:
.L_overlay_start_1:
0x0: {  	(tag) =	ssettag $0x1  }
0x1: {  	s3 =	rddreg [dreg:$0x0]  }
0x2: {  	s0 =	rddreg [dreg:$0x1]  }
0x3: {  	s1 =	simm.s32 $0x0;
	s2 =	srdreg.scid;
	s12 =	simm.s32 $0x10000  }
0x4: {  	s13 =	simm.s32 $0x0;
	[smem:$0x7FF] =	sst s1;
	s6 =	sadd.s32 $0xC1A00, s3  }
0x5: {  	s4 =	sand.u32 $0x1, s2;
	s7 =	sadd.s32 $0x101A00, s3;
	s2 =	stileid.u32  }
0x6: {  	s5 =	ssub.s32 $0x2, s4;
	s9 =	sshll.u32 s2, $0xE;
	s4 =	sshll.u32 s4, $0xD  }
0x7: {  	s10 =	sadd.s32 $0x141A00, s3;
	s8 =	sshrl.u32 s5, $0x1;
	s30 =	sor.u32 s4, s9  }
0x8: {  	_ =	strace $0x8000004A;
	s11 =	ssub.s32 s5, s8;
	s3 =	sadd.s32 s6, s30  }
0x9: {  	s4 =	sadd.s32 s7, s30;
	s31 =	sor.u32 $0x1000, s30;
	s5 =	sadd.s32 s10, s30  }
0xa: {  	v0 =	vlaneseq.u32;
	vm0 =	vmmov $0xff;
	s6 =	sadd.s32 s6, s31;
	s7 =	sadd.s32 s7, s31;
	s8 =	sadd.s32 s10, s31  }
0xb: {  	v1 =	vor.u32 $0x10, v0;
	v2 =	vor.u32 $0x20, v0;
	v3 =	vor.u32 $0x30, v0;
	s9 =	smax.u32 s11, $0x1;
	s10 =	simm.s32 $0x1;
	s11 =	simm.s32 $0x8000  }
.LBB2_1:
0xc: {  	[tilespmem:s1], [sflag:$0x1] =	stream.linear.gather [hbm4b:s3+s1], $0x8000, $0x38;
	[tilespmem:$0x18000] =	vst v63  }
0xd: {  	_ =	swait.ge [sflag:s10], $0x8000  }
0xe: {  	[sflag:s10] =	ssyncset.done $0x0  }
0xf: {  	s14 =	simm.s32 $0x100;
	[sflag:s10] =	ssyncadd.s32 $0xFFFF8000  }
0x10: {  	v4 =	vld [tilespmem:s14+$0xB0]  }
0x11: {  	v5 =	vld [tilespmem:s14+$0xA0]  }
0x12: {  	v6 =	vld [tilespmem:s14+$0x90]  }
0x13: {  	v7 =	vld [tilespmem:s14+$0x80]  }
0x14: {  	v8 =	vld [tilespmem:s14+$0x30]  }
0x15: {  	(xrf1) =	vsort.ascd.msk.f32 $0xffff, v4, v3;
	v4 =	vld [tilespmem:s14+$0xFFFFFFB0]  }
0x16: {  	(xrf1) =	vsort.dscd.msk.f32 $0xffff, v5, v2;
	v5 =	vld [tilespmem:s14+$0xFFFFFFA0]  }
0x17: {  	v9 =	vld [tilespmem:s14+$0x10];
	(xrf1) =	vsort.ascd.msk.f32 $0xffff, v6, v1  }
0x18: {  	v6 =	vld [tilespmem:s14+$0x0];
	(xrf1) =	vsort.dscd.msk.f32 $0xffff, v7, v0  }
0x19: {  	v7 =	vld [tilespmem:s14+$0x20];
	(xrf1) =	vsort.ascd.msk.f32 $0xffff, v8, v3  }
0x1a: {  	(xrf1) =	vsort.ascd.msk.f32 $0xffff, v4, v3  }
0x1b: {  	(xrf1) =	vsort.dscd.msk.f32 $0xffff, v5, v2  }
0x1c: {  	v8 =	vld [tilespmem:s14+$0xFFFFFF80];
	(xrf1) =	vsort.ascd.msk.f32 $0xffff, v9, v1  }
0x1d: {  	v4 =	vld [tilespmem:s14+$0xFFFFFF30];
	(xrf1) =	vsort.dscd.msk.f32 $0xffff, v6, v0  }
0x1e: {  	v5 =	vld [tilespmem:s14+$0xFFFFFF20];
	(xrf1) =	vsort.dscd.msk.f32 $0xffff, v7, v2  }
0x1f: {  	v9 =	vld [tilespmem:s14+$0xFFFFFF90]  }
0x20: {  	v6 =	vld [tilespmem:s14+$0xFFFFFF00]  }
0x21: {  	v7 =	vld [tilespmem:s14+$0xFFFFFF10];
	(xrf1) =	vsort.dscd.msk.f32 $0xffff, v8, v0  }
0x22: {  	(xrf1) =	vsort.ascd.msk.f32 $0xffff, v4, v3  }
0x23: {  	(xrf1) =	vsort.dscd.msk.f32 $0xffff, v5, v2;
	v4, v5, _ =	vpop (xrf1)  }
0x24: {  	(xrf1) =	vsort.ascd.msk.f32 $0xffff, v9, v1;
	v8, v9, _ =	vpop (xrf1)  }
0x25: {  	(xrf1) =	vsort.dscd.msk.f32 $0xffff, v6, v0;
	v10, v14, _ =	vpop (xrf1)  }
0x26: {  	(xrf1) =	vsort.ascd.msk.f32 $0xffff, v7, v1;
	v15, v16, _ =	vpop (xrf1)  }
0x27: {  	v6, v7, _ =	vpop (xrf1)  }
0x28: {  	v11, v12, _ =	vpop (xrf1)  }
0x29: {  	v13, v17, _ =	vpop (xrf1)  }
0x2a: {  	v18, v19, _ =	vpop (xrf1)  }
0x2b: {  	v20, v21, _ =	vpop (xrf1)  }
0x2c: {  	v22, v23, _ =	vpop (xrf1)  }
0x2d: {  	vm2 =	vge.f32 v22, v6  }
0x2e: {  	v7 =	vsel vm2, v23, v7  }
0x2f: {  	vm1 =	vge.f32 v13, v11;
	v24, v25, _ =	vpop (xrf1);
	v6 =	vsel vm2, v22, v6  }
0x30: {  	v12 =	vsel vm1, v17, v12;
	v26, v27, _ =	vpop (xrf1)  }
0x31: {  	v11 =	vsel vm1, v13, v11;
	vm1 =	vge.f32 v20, v18;
	v13, v22, _ =	vpop (xrf1);
	(xrf1) =	vsort.ascd.msk.f32 $0xffff, v6, v7  }
0x32: {  	v17 =	vsel vm1, v20, v18;
	v18 =	vsel vm1, v21, v19;
	(xrf1) =	vsort.ascd.msk.f32 $0xffff, v11, v12;
	v6, v7, _ =	vpop (xrf1)  }
0x33: {  	(xrf1) =	vsort.dscd.msk.f32 $0xffff, v17, v18;
	v19, v20, _ =	vpop (xrf1)  }
0x34: {  	vm1 =	vge.f32 v13, v26;
	v11, v12, _ =	vpop (xrf1)  }
0x35: {  	v13 =	vsel vm1, v13, v26;
	v17 =	vsel vm1, v22, v27;
	vm1 =	vge.f32 v19, v11  }
0x36: {  	s25 =	simm.s32 $0x300;
	(xrf1) =	vsort.ascd.msk.f32 $0xffff, v13, v17;
	v11 =	vsel vm1, v19, v11;
	v12 =	vsel vm1, v20, v12  }
0x37: {  	(xrf1) =	vsort.dscd.msk.f32 $0xffff, v11, v12;
	v11 =	vld [tilespmem:s25+$0xB0]  }
0x38: {  	v12 =	vld [tilespmem:s25+$0xA0]  }
0x39: {  	v13 =	vld [tilespmem:s25+$0x90];
	vm1 =	vge.f32 v24, v6  }
0x3a: {  	v17 =	vld [tilespmem:s25+$0x80];
	v6 =	vsel vm1, v24, v6;
	v7 =	vsel vm1, v25, v7  }
0x3b: {  	v18 =	vld [tilespmem:s25+$0x30];
	(xrf1) =	vsort.dscd.msk.f32 $0xffff, v6, v7  }
0x3c: {  	v6 =	vld [tilespmem:s25+$0xFFFFFFB0];
	(xrf1) =	vsort.ascd.msk.f32 $0xffff, v11, v3  }
0x3d: {  	v7 =	vld [tilespmem:s25+$0xFFFFFFA0];
	(xrf1) =	vsort.dscd.msk.f32 $0xffff, v12, v2  }
0x3e: {  	v11 =	vld [tilespmem:s25+$0x10];
	(xrf1) =	vsort.ascd.msk.f32 $0xffff, v13, v1  }
0x3f: {  	v12, v13, _ =	vpop (xrf1);
	(xrf1) =	vsort.dscd.msk.f32 $0xffff, v17, v0  }
0x40: {  	v17 =	vld [tilespmem:s25+$0x0];
	v19, v21, _ =	vpop (xrf1);
	(xrf1) =	vsort.ascd.msk.f32 $0xffff, v18, v3  }
0x41: {  	v18 =	vld [tilespmem:s25+$0x20];
	v20, v22, _ =	vpop (xrf1);
	(xrf1) =	vsort.ascd.msk.f32 $0xffff, v6, v3  }
0x42: {  	vm1 =	vge.f32 v20, v12;
	(xrf1) =	vsort.dscd.msk.f32 $0xffff, v7, v2  }
0x43: {  	v12 =	vsel vm1, v20, v12;
	v13 =	vsel vm1, v22, v13;
	(xrf1) =	vsort.ascd.msk.f32 $0xffff, v11, v1  }
0x44: {  	v6 =	vld [tilespmem:s25+$0xFFFFFF80];
	v7, v23, _ =	vpop (xrf1);
	(xrf1) =	vsort.dscd.msk.f32 $0xffff, v12, v13  }
0x45: {  	v11 =	vld [tilespmem:s25+$0xFFFFFF30];
	v20, v22, _ =	vpop (xrf1);
	(xrf1) =	vsort.dscd.msk.f32 $0xffff, v17, v0  }
0x46: {  	v12 =	vld [tilespmem:s25+$0xFFFFFF20];
	vm1 =	vge.f32 v20, v7;
	(xrf1) =	vsort.dscd.msk.f32 $0xffff, v18, v2  }
0x47: {  	v13 =	vld [tilespmem:s25+$0xFFFFFF90];
	v7 =	vsel vm1, v20, v7;
	v17 =	vsel vm1, v22, v23  }
0x48: {  	v22 =	vld [tilespmem:s25+$0xFFFFFF00];
	(xrf1) =	vsort.dscd.msk.f32 $0xffff, v7, v17  }
0x49: {  	v24, v25, _ =	vpop (xrf1);
	v23 =	vld [tilespmem:s25+$0xFFFFFF10];
	(xrf1) =	vsort.dscd.msk.f32 $0xffff, v6, v0  }
0x4a: {  	(xrf1) =	vsort.ascd.msk.f32 $0xffff, v11, v3;
	v18, v11, _ =	vpop (xrf1)  }
0x4b: {  	(xrf1) =	vsort.dscd.msk.f32 $0xffff, v12, v2;
	v20, v17, _ =	vpop (xrf1)  }
0x4c: {  	vm1 =	vge.f32 v24, v19;
	(xrf1) =	vsort.ascd.msk.f32 $0xffff, v13, v1;
	v7, v6, _ =	vpop (xrf1)  }
0x4d: {  	v21 =	vsel vm1, v25, v21;
	(xrf1) =	vsort.dscd.msk.f32 $0xffff, v22, v0;
	v13, v12, _ =	vpop (xrf1)  }
0x4e: {  	v19 =	vsel vm1, v24, v19;
	(xrf1) =	vsort.ascd.msk.f32 $0xffff, v23, v1;
	v22, v23, _ =	vpop (xrf1)  }
0x4f: {  	vm1 =	vge.f32 v8, v4;
	v24, v25, _ =	vpop (xrf1)  }
0x50: {  	v5 =	vsel vm1, v9, v5;
	v26, v27, _ =	vpop (xrf1)  }
0x51: {  	v4 =	vsel vm1, v8, v4;
	vm1 =	vge.f32 v15, v10;
	(xrf1) =	vsort.dscd.msk.f32 $0xffff, v19, v21;
	v19, v21, _ =	vpop (xrf1)  }
0x52: {  	v8 =	vsel vm1, v15, v10;
	v28, v9, _ =	vpop (xrf1)  }
0x53: {  	v10 =	vsel vm1, v16, v14;
	v14, v15, _ =	vpop (xrf1)  }
0x54: {  	(xrf1) =	vsort.ascd.msk.f32 $0xffff, v4, v5;
	v4, v5, _ =	vpop (xrf1)  }
0x55: {  	vm1 =	vge.f32 v4, v22  }
0x56: {  	(xrf1) =	vsort.dscd.msk.f32 $0xffff, v8, v10;
	v10, v8, _ =	vpop (xrf1);
	v5 =	vsel vm1, v5, v23  }
0x57: {  	(xrf0) =	vmax.scan.msk.f32 $0xffff, v28;
	v4 =	vsel vm1, v4, v22;
	v29, v30, _ =	vpop (xrf1)  }
0x58: {  	v16, v31, _ =	vpop (xrf1)  }
0x59: {  	vm1 =	vge.f32 v14, v19;
	v22, v23, _ =	vpop (xrf1)  }
0x5a: {  	vm2 =	vge.f32 v26, v24;
	(xrf1) =	vsort.ascd.msk.f32 $0xffff, v4, v5;
	v14 =	vsel vm1, v14, v19;
	v4, v5, _ =	vpop (xrf1)  }
0x5b: {  	v24 =	vsel vm2, v26, v24;
	v25 =	vsel vm2, v27, v25;
	vm2 =	vge.f32 v22, v16;
	v19, v26, _ =	vpop (xrf1)  }
0x5c: {  	v15 =	vsel vm1, v15, v21;
	(xrf1) =	vsort.ascd.msk.f32 $0xffff, v24, v25;
	v16 =	vsel vm2, v22, v16;
	v21, v22, _ =	vpop (xrf1)  }
0x5d: {  	(xrf1) =	vsort.dscd.msk.f32 $0xffff, v14, v15;
	v14, _, _ =	vpop (xrf0)  }
0x5e: {  	v23 =	vsel vm2, v23, v31;
	vm1 =	vge.f32 v19, v21;
	v14 =	vbroadcast v14, $0xF  }
0x5f: {  	s26 =	simm.s32 $0x500;
	(xrf1) =	vsort.ascd.msk.f32 $0xffff, v16, v23;
	v19 =	vsel vm1, v19, v21  }
0x60: {  	(xrf0) =	vmax.scan.msk.f32 $0xffff, v10;
	v15 =	vld [tilespmem:s26+$0xB0];
	v21 =	vsel vm1, v26, v22;
	vm1 =	vge.f32 v29, v4;
	v14 =	vsub.f32 v28, v14  }
0x61: {  	v22 =	vld [tilespmem:s26+$0xA0];
	(xrf1) =	vsort.dscd.msk.f32 $0xffff, v19, v21;
	v4 =	vsel vm1, v29, v4;
	v5 =	vsel vm1, v30, v5  }
0x62: {  	v24 =	vld [tilespmem:s26+$0x90];
	(xrf1) =	vsort.dscd.msk.f32 $0xffff, v4, v5;
	v4 =	vmul.f32 $1.442695020e+00, v14  }
0x63: {  	v23, v16, _ =	vpop (xrf1);
	v19 =	vld [tilespmem:s26+$0x80]  }
0x64: {  	(xrf0) =	vmax.scan.msk.f32 $0xffff, v23  }
0x65: {  	(xrf1) =	vsort.ascd.msk.f32 $0xffff, v15, v3;
	v5, v14, _ =	vpop (xrf1)  }
0x66: {  	(xrf1) =	vsort.dscd.msk.f32 $0xffff, v22, v2;
	(erf) = vpow2.f32 v4;
	v4, _, _ =	vpop (xrf0)  }
0x67: {  	(xrf1) =	vsort.ascd.msk.f32 $0xffff, v24, v1;
	v15, v21, _ =	vpop (xrf1);
	v4 =	vbroadcast v4, $0xF  }
0x68: {  	v22 =	vld [tilespmem:s26+$0x30];
	(xrf1) =	vsort.dscd.msk.f32 $0xffff, v19, v0;
	vm1 =	vge.f32 v15, v5  }
0x69: {  	v24 =	vld [tilespmem:s26+$0xFFFFFFB0];
	v5 =	vsel vm1, v15, v5;
	v14 =	vsel vm1, v21, v14;
	v4 =	vsub.f32 v10, v4  }
0x6a: {  	v19, _, _ =	vpop (xrf0);
	v15 =	vld [tilespmem:s26+$0xFFFFFFA0];
	(xrf1) =	vsort.dscd.msk.f32 $0xffff, v5, v14  }
0x6b: {  	v4 =	vmul.f32 $1.442695020e+00, v4  }
0x6c: {  	v5 =	vld [tilespmem:s26+$0x10];
	v14 =	vbroadcast v19, $0xF;
	v10, v19, _ =	vpop (xrf1)  }
0x6d: {  	(xrf1) =	vsort.ascd.msk.f32 $0xffff, v22, v3;
	v25, v26, _ =	vpop (xrf1)  }
0x6e: {  	v21 =	vld [tilespmem:s26+$0x0];
	v14 =	vsub.f32 v23, v14;
	(xrf1) =	vsort.ascd.msk.f32 $0xffff, v24, v3;
	v23, v24, _ =	vpop (xrf1)  }
0x6f: {  	v22 =	vld [tilespmem:s26+$0x20];
	vm1 =	vge.f32 v23, v10;
	(xrf1) =	vsort.dscd.msk.f32 $0xffff, v15, v2;
	(erf) = vpow2.f32 v4;
	v4, v15, _ =	vpop (xrf1)  }
0x70: {  	v14 =	vmul.f32 $1.442695020e+00, v14;
	v10 =	vsel vm1, v23, v10;
	v19 =	vsel vm1, v24, v19;
	v23, v24, _ =	vpop (xrf1)  }
0x71: {  	(xrf1) =	vsort.ascd.msk.f32 $0xffff, v5, v1;
	v5 =	vld [tilespmem:s26+$0xFFFFFF80];
	vm1 =	vge.f32 v23, v4  }
0x72: {  	(erf) = vpow2.f32 v14;
	v14 =	vld [tilespmem:s26+$0xFFFFFF30];
	(xrf1) =	vsort.dscd.msk.f32 $0xffff, v10, v19;
	v10 =	vsel vm1, v24, v15  }
0x73: {  	v28 =	vld [tilespmem:s26+$0xFFFFFF20];
	(xrf1) =	vsort.dscd.msk.f32 $0xffff, v21, v0;
	v29, v30, _ =	vpop (xrf1)  }
0x74: {  	v4 =	vsel vm1, v23, v4;
	(xrf1) =	vsort.dscd.msk.f32 $0xffff, v22, v2;
	v22, v21, _ =	vpop (xrf1)  }
0x75: {  	v31 =	vld [tilespmem:s26+$0xFFFFFF90];
	v24, v23, _ =	vpop (xrf1);
	(xrf1) =	vsort.dscd.msk.f32 $0xffff, v4, v10  }
0x76: {  	v32 =	vld [tilespmem:s26+$0xFFFFFF00];
	(xrf1) =	vsort.dscd.msk.f32 $0xffff, v5, v0;
	v15, v10, _ =	vpop (xrf1)  }
0x77: {  	v5 =	vld [tilespmem:s26+$0xFFFFFF10];
	(xrf1) =	vsort.ascd.msk.f32 $0xffff, v14, v3;
	v19, v14, _ =	vpop (xrf1)  }
0x78: {  	(xrf1) =	vsort.dscd.msk.f32 $0xffff, v28, v2;
	v28, v4, _ =	vpop (xrf1)  }
0x79: {  	(xrf0) =	vmax.scan.msk.f32 $0xffff, v28  }
0x7a: {  	v27 =	vpop (erf);
	(xrf1) =	vsort.ascd.msk.f32 $0xffff, v31, v1  }
0x7b: {  	vm1 =	vge.f32 v29, v25;
	v33 =	vpop (erf);
	(xrf1) =	vsort.dscd.msk.f32 $0xffff, v32, v0  }
0x7c: {  	v31, v42, _ =	vpop (xrf1);
	(xrf1) =	vsort.ascd.msk.f32 $0xffff, v5, v1;
	v5 =	vsel vm1, v29, v25;
	v25 =	vsel vm1, v30, v26  }
0x7d: {  	v33 =	vnsel vm0, $0x0, v33;
	v34 =	vpop (erf)  }
0x7e: {  	(xrf2) =	vadd.scan.msk.f32 $0xffff, v33;
	v35, v36, _ =	vpop (xrf1)  }
0x7f: {  	(xrf1) =	vsort.dscd.msk.f32 $0xffff, v5, v25;
	v25, _, _ =	vpop (xrf0)  }
0x80: {  	vm1 =	vge.f32 v20, v18;
	v37, v38, _ =	vpop (xrf1);
	v25 =	vbroadcast v25, $0xF  }
0x81: {  	v20 =	vsel vm1, v20, v18;
	v26, v29, _ =	vpop (xrf1)  }
0x82: {  	v11 =	vsel vm1, v17, v11;
	vm1 =	vge.f32 v13, v7;
	v30, v5, _ =	vpop (xrf1);
	v17 =	vsub.f32 v28, v25  }
0x83: {  	v18 =	vnsel vm0, $0x0, v27;
	v7 =	vsel vm1, v13, v7;
	v12 =	vsel vm1, v12, v6;
	(xrf1) =	vsort.ascd.msk.f32 $0xffff, v20, v11;
	v27, v39, _ =	vpop (xrf1)  }
0x84: {  	v25, v28, _ =	vpop (xrf1);
	(xrf1) =	vsort.dscd.msk.f32 $0xffff, v7, v12;
	v7 =	vmul.f32 $1.442695020e+00, v17  }
0x85: {  	(xrf2) =	vadd.scan.msk.f32 $0xffff, v18;
	v11, v6, _ =	vpop (xrf1);
	vm1 =	vge.f32 v25, v31  }
0x86: {  	(xrf0) =	vmax.scan.msk.f32 $0xffff, v30;
	v17 =	vnsel vm0, $0x0, v34;
	v12, v13, _ =	vpop (xrf1);
	v20 =	vsel vm1, v25, v31  }
0x87: {  	(xrf2) =	vadd.scan.msk.f32 $0xffff, v17;
	v28 =	vsel vm1, v28, v42;
	vm1 =	vge.f32 v37, v35;
	v25, v31, _ =	vpop (xrf1)  }
0x88: {  	vm2 =	vge.f32 v27, v26;
	(erf) = vpow2.f32 v7;
	(xrf0) =	vmax.scan.msk.f32 $0xffff, v11;
	v44 =	vsel vm1, v38, v36;
	v7, v43, _ =	vpop (xrf1)  }
0x89: {  	(xrf1) =	vsort.ascd.msk.f32 $0xffff, v20, v28;
	v28 =	vsel vm1, v37, v35;
	v20, _, _ =	vpop (xrf2);
	vm1 =	vge.f32 v7, v25  }
0x8a: {  	v26 =	vsel vm2, v27, v26;
	v27, v45, _ =	vpop (xrf1);
	v7 =	vsel vm1, v7, v25  }
0x8b: {  	v29 =	vsel vm2, v39, v29;
	(xrf1) =	vsort.ascd.msk.f32 $0xffff, v28, v44;
	v47, v46, _ =	vpop (xrf1);
	v20 =	vbroadcast v20, $0xF  }
0x8c: {  	v25 =	vsel vm1, v43, v31;
	(xrf1) =	vsort.dscd.msk.f32 $0xffff, v26, v29;
	v28, v31, _ =	vpop (xrf1)  }
0x8d: {  	(xrf1) =	vsort.ascd.msk.f32 $0xffff, v7, v25;
	(erf) = vrcp.f32 v20;
	vm1 =	vge.f32 v47, v28;
	v7, _, _ =	vpop (xrf0)  }
0x8e: {  	v28 =	vsel vm1, v47, v28;
	v29 =	vsel vm1, v46, v31;
	v48, _, _ =	vpop (xrf0)  }
0x8f: {  	s17 =	simm.s32 $0x700;
	v20, _, _ =	vpop (xrf2);
	v25 =	vbroadcast v7, $0xF;
	(xrf1) =	vsort.dscd.msk.f32 $0xffff, v28, v29;
	v28 =	vbroadcast v48, $0xF  }
0x90: {  	vm2 =	vge.f32 v12, v27;
	v31 =	vld [tilespmem:s17+$0xB0];
	v26, v7, _ =	vpop (xrf1);
	v20 =	vbroadcast v20, $0xF  }
0x91: {  	v49 =	vld [tilespmem:s17+$0xA0];
	v13 =	vsel vm2, v13, v45;
	v25 =	vsub.f32 v30, v25;
	v29 =	vpop (erf)  }
0x92: {  	v12 =	vsel vm2, v12, v27;
	v27 =	vld [tilespmem:s17+$0x90];
	(xrf0) =	vmax.scan.msk.f32 $0xffff, v26;
	v50 =	vnsel vm0, $0x0, v29  }
0x93: {  	v30, _, _ =	vpop (xrf2);
	v29 =	vld [tilespmem:s17+$0x80];
	v11 =	vsub.f32 v11, v28;
	(erf) = vrcp.f32 v20;
	v25 =	vmul.f32 $1.442695020e+00, v25;
	(xrf2) =	vadd.scan.msk.f32 $0xffff, v50  }
0x94: {  	(xrf1) =	vsort.dscd.msk.f32 $0xffff, v12, v13;
	v20, v28, _ =	vpop (xrf1)  }
0x95: {  	v11 =	vmul.f32 $1.442695020e+00, v11;
	(xrf1) =	vsort.ascd.msk.f32 $0xffff, v31, v3;
	(erf) = vpow2.f32 v25;
	v12, v13, _ =	vpop (xrf1)  }
0x96: {  	v25 =	vbroadcast v30, $0xF;
	(xrf1) =	vsort.dscd.msk.f32 $0xffff, v49, v2;
	v30 =	vpop (erf)  }
0x97: {  	v31 =	vld [tilespmem:s17+$0x30];
	(erf) = vpow2.f32 v11;
	vm1 =	vge.f32 v12, v20;
	(xrf1) =	vsort.ascd.msk.f32 $0xffff, v27, v1;
	v27, v51, _ =	vpop (xrf1)  }
0x98: {  	(erf) = vrcp.f32 v25;
	v25 =	vld [tilespmem:s17+$0xFFFFFFB0];
	v11 =	vsel vm1, v12, v20;
	(xrf1) =	vsort.dscd.msk.f32 $0xffff, v29, v0;
	v12 =	vsel vm1, v13, v28;
	v13, _, _ =	vpop (xrf0)  }
0x99: {  	s28 =	simm.s32 $0x0;
	v52 =	vld [tilespmem:s17+$0xFFFFFFA0];
	v28, v29, _ =	vpop (xrf1);
	v13 =	vbroadcast v13, $0xF;
	(xrf1) =	vsort.dscd.msk.f32 $0xffff, v11, v12  }
0x9a: {  	v55 =	vld [tilespmem:s17+$0x10];
	v20 =	vor.u32 s28, v0;
	v53, v54, _ =	vpop (xrf1)  }
0x9b: {  	vm1 =	vge.f32 v24, v22;
	v56, v40, _ =	vpop (xrf1);
	v13 =	vsub.f32 v26, v13;
	v26 =	vmul.f32 v30, v33  }
0x9c: {  	v11 =	vsel vm1, v24, v22;
	v12 =	vsel vm1, v23, v21;
	(xrf1) =	vsort.ascd.msk.f32 $0xffff, v31, v3;
	v30 =	vpop (erf)  }
0x9d: {  	v21 =	vld [tilespmem:s17+$0x0];
	vm1 =	vge.f32 v19, v15;
	vm2 =	vge.f32 v53, v27;
	(xrf1) =	vsort.ascd.msk.f32 $0xffff, v25, v3;
	v13 =	vmul.f32 $1.442695020e+00, v13;
	v22, _, _ =	vpop (xrf2)  }
0x9e: {  	s29 =	simm.s32 $0x100;
	v23 =	vld [tilespmem:s17+$0x20];
	v27 =	vsel vm2, v53, v27;
	v34 =	vsel vm2, v54, v51;
	(xrf1) =	vsort.dscd.msk.f32 $0xffff, v52, v2;
	v24 =	vpop (erf);
	v22 =	vbroadcast v22, $0xF  }
0x9f: {  	v25 =	vor.u32 s29, v0;
	[tilespmem:v20+s11+$0x0] =	vst.idx.msk $0xff, v26;
	(erf) = vpow2.f32 v13;
	v26, v31, _ =	vpop (xrf1);
	(xrf1) =	vsort.ascd.msk.f32 $0xffff, v55, v1  }
0xa0: {  	s30 =	simm.s32 $0x80;
	v57 =	vld [tilespmem:s17+$0xFFFFFF80];
	v18 =	vmul.f32 v30, v18;
	[tilespmem:v20+s12+$0x0] =	vst.idx.msk $0xff, v8;
	v58 =	vpop (erf);
	(erf) = vrcp.f32 v22;
	vm2 =	vge.f32 v26, v56  }
0xa1: {  	v13 =	vsel vm1, v19, v15;
	v15 =	vld [tilespmem:s17+$0xFFFFFF30];
	(xrf1) =	vsort.dscd.msk.f32 $0xffff, v27, v34;
	v8 =	vpop (erf);
	v27 =	vor.u32 s30, v0;
	v22 =	vsel vm2, v26, v56  }
0xa2: {  	v19 =	vld [tilespmem:s17+$0xFFFFFF20];
	(xrf1) =	vsort.dscd.msk.f32 $0xffff, v21, v0;
	v20, v21, _ =	vpop (xrf1)  }
0xa3: {  	v14 =	vsel vm1, v14, v10;
	v26 =	vsel vm2, v31, v40;
	(xrf1) =	vsort.dscd.msk.f32 $0xffff, v23, v2;
	v23, v31, _ =	vpop (xrf1)  }
0xa4: {  	v59 =	vld [tilespmem:s17+$0xFFFFFF90];
	[tilespmem:v25+s11+$0x0] =	vst.idx.msk $0xff, v18;
	v17 =	vmul.f32 v8, v17;
	v18, v60, _ =	vpop (xrf1);
	(xrf1) =	vsort.dscd.msk.f32 $0xffff, v22, v26  }
0xa5: {  	v61 =	vld [tilespmem:s17+$0xFFFFFF00];
	vm1 =	vge.f32 v20, v28;
	[tilespmem:v25+s12+$0x0] =	vst.idx.msk $0xff, v9;
	(xrf1) =	vsort.dscd.msk.f32 $0xffff, v57, v0;
	v62, v22, _ =	vpop (xrf1)  }
0xa6: {  	s31 =	simm.s32 $0x180;
	v8 =	vnsel vm0, $0x0, v24;
	v26 =	vsel vm1, v20, v28;
	v28 =	vld [tilespmem:s17+$0xFFFFFF10];
	[tilespmem:v27+s11+$0x0] =	vst.idx.msk $0xff, v17;
	(xrf1) =	vsort.ascd.msk.f32 $0xffff, v15, v3;
	v63, v25, _ =	vpop (xrf1)  }
0xa7: {  	vm2 =	vge.f32 v18, v23;
	[tilespmem:v27+s12+$0x0] =	vst.idx.msk $0xff, v16;
	v16 =	vor.u32 s31, v0;
	(xrf1) =	vsort.dscd.msk.f32 $0xffff, v19, v2;
	v24, v15, _ =	vpop (xrf1)  }
0xa8: {  	v30 =	vsel vm1, v21, v29;
	v20 =	vsel vm2, v18, v23;
	v9 =	vpop (erf);
	(xrf0) =	vmax.scan.msk.f32 $0xffff, v24  }
0xa9: {  	s16 =	simm.s32 $0x4;
	v10 =	vnsel vm0, $0x0, v58;
	v21 =	vsel vm2, v60, v31;
	vm1 =	vge.f32 v63, v62;
	(xrf1) =	vsort.ascd.msk.f32 $0xffff, v59, v1;
	v17 =	vpop (erf)  }
0xaa: {  	s15 =	simm.s32 $0x8;
	s18 =	simm.s32 $0x10;
	s14 =	simm.s32 $0xC;
	v23 =	vsel vm1, v63, v62;
	v29, v27, _ =	vpop (xrf1);
	v9 =	vnsel vm0, $0x0, v9;
	(xrf1) =	vsort.dscd.msk.f32 $0xffff, v61, v0;
	v19 =	vmul.f32 v17, v50  }
.LBB2_2:
0xab: {  	p0 =	slt.u32 s18, $0xFC;
	v17 =	vsel vm1, v25, v22;
	(xrf1) =	vsort.ascd.msk.f32 $0xffff, v28, v1;
	v18, v22, _ =	vpop (xrf1);
	s19 =	smov.u32 s18;
	s18 =	sadd.s32 $0x4, s18  }
0xac: {  	v25, v28, _ =	vpop (xrf1);
	(xrf2) =	vadd.scan.msk.f32 $0xffff, v10;
	[tilespmem:v16+s11+$0x0] =	vst.idx.msk $0xff, v19  }
0xad: {  	v19, v31, _ =	vpop (xrf1);
	[tilespmem:v16+s12+$0x0] =	vst.idx.msk $0xff, v4;
	v4 =	vmov v15  }
0xae: {  	vm1 =	vge.f32 v25, v18;
	(xrf1) =	vsort.dscd.msk.f32 $0xffff, v26, v30;
	v16, _, _ =	vpop (xrf0)  }
0xaf: {  	v18 =	vsel vm1, v25, v18;
	v22 =	vsel vm1, v28, v22;
	v25, v15, _ =	vpop (xrf1);
	v16 =	vbroadcast v16, $0xF  }
0xb0: {  	v26, v28, _ =	vpop (xrf1)  }
0xb1: {  	vm1 =	vge.f32 v26, v19;
	v30, v32, _ =	vpop (xrf1);
	v16 =	vsub.f32 v24, v16;
	(xrf2) =	vadd.scan.msk.f32 $0xffff, v8  }
0xb2: {  	v19 =	vsel vm1, v26, v19;
	v24, v26, _ =	vpop (xrf1);
	(xrf1) =	vsort.ascd.msk.f32 $0xffff, v11, v12;
	v11 =	vmov v20;
	v12 =	vmov v21  }
0xb3: {  	v20 =	vsel vm1, v28, v31;
	v21, v28, _ =	vpop (xrf1);
	(xrf1) =	vsort.dscd.msk.f32 $0xffff, v13, v14;
	v33 =	vmul.f32 $1.442695020e+00, v16;
	v14 =	vmov v17  }
0xb4: {  	vm1 =	vge.f32 v30, v29;
	v13 =	vmov v23;
	v17, v31, _ =	vpop (xrf1);
	(xrf0) =	vmax.scan.msk.f32 $0xffff, v25  }
0xb5: {  	v34 =	vsel vm1, v30, v29;
	v32 =	vsel vm1, v32, v27;
	v29, v30, _ =	vpop (xrf1);
	(xrf2) =	vadd.scan.msk.f32 $0xffff, v9;
	(erf) = vpow2.f32 v33  }
0xb6: {  	(xrf1) =	vsort.ascd.msk.f32 $0xffff, v34, v32;
	v16, _, _ =	vpop (xrf2);
	vm1 =	vge.f32 v29, v17  }
0xb7: {  	v23, v27, _ =	vpop (xrf1);
	(xrf0) =	vmax.scan.msk.f32 $0xffff, v24;
	v17 =	vsel vm1, v29, v17  }
0xb8: {  	v29 =	vsel vm1, v30, v31;
	v16 =	vbroadcast v16, $0xF;
	v30, v31, _ =	vpop (xrf1);
	(xrf1) =	vsort.ascd.msk.f32 $0xffff, v18, v22  }
0xb9: {  	vm1 =	vge.f32 v21, v23;
	v18, v22, _ =	vpop (xrf1);
	(xrf1) =	vsort.dscd.msk.f32 $0xffff, v19, v20  }
0xba: {  	v19 =	vsel vm1, v21, v23;
	vm2 =	vge.f32 v30, v18;
	(xrf1) =	vsort.ascd.msk.f32 $0xffff, v17, v29;
	v17, _, _ =	vpop (xrf0);
	(erf) = vrcp.f32 v16  }
0xbb: {  	s17 =	sadd.s32 $0x200, s17;
	v16 =	vsel vm2, v30, v18;
	v18 =	vsel vm2, v31, v22;
	v20 =	vbroadcast v17, $0xF;
	v21, _, _ =	vpop (xrf2)  }
0xbc: {  	v23 =	vsel vm1, v28, v27;
	v22 =	vld [tilespmem:s17+$0xB0];
	v27, v17, _ =	vpop (xrf1);
	v21 =	vbroadcast v21, $0xF  }
0xbd: {  	v28 =	vld [tilespmem:s17+$0xA0];
	v20 =	vsub.f32 v25, v20;
	v25, _, _ =	vpop (xrf0)  }
0xbe: {  	v29 =	vld [tilespmem:s17+$0x90];
	(xrf1) =	vsort.dscd.msk.f32 $0xffff, v16, v18;
	v16 =	vbroadcast v25, $0xF;
	v18 =	vpop (erf)  }
0xbf: {  	v25 =	vld [tilespmem:s17+$0x80];
	v20 =	vmul.f32 $1.442695020e+00, v20;
	(xrf0) =	vmax.scan.msk.f32 $0xffff, v27;
	v18 =	vnsel vm0, $0x0, v18;
	v30, _, _ =	vpop (xrf2)  }
0xc0: {  	v31 =	vld [tilespmem:s17+$0x30];
	v16 =	vsub.f32 v24, v16;
	v24, v32, _ =	vpop (xrf1);
	v30 =	vbroadcast v30, $0xF;
	(erf) = vrcp.f32 v21;
	(xrf2) =	vadd.scan.msk.f32 $0xffff, v18  }
0xc1: {  	s20 =	sshll.u32 s16, $0x7;
	s16 =	smov.u32 s15;
	s15 =	smov.u32 s14;
	v21 =	vld [tilespmem:s17+$0x20];
	(xrf1) =	vsort.dscd.msk.f32 $0xffff, v19, v23;
	v19, v23, _ =	vpop (xrf1)  }
0xc2: {  	s21 =	sadd.s32 $0x80, s20;
	s22 =	sadd.s32 $0x100, s20;
	v33 =	vld [tilespmem:s17+$0x10];
	(xrf1) =	vsort.ascd.msk.f32 $0xffff, v22, v3;
	v16 =	vmul.f32 $1.442695020e+00, v16;
	(erf) = vpow2.f32 v20;
	v20 =	vor.u32 s20, v0;
	s20 =	sadd.s32 $0x180, s20  }
0xc3: {  	s14 =	smov.u32 s19;
	vm1 =	vge.f32 v19, v24;
	v22 =	vld [tilespmem:s17+$0x0];
	(xrf1) =	vsort.dscd.msk.f32 $0xffff, v28, v2;
	v28 =	vpop (erf)  }
0xc4: {  	v19 =	vsel vm1, v19, v24;
	v34 =	vld [tilespmem:s17+$0xFFFFFFB0];
	(xrf1) =	vsort.ascd.msk.f32 $0xffff, v29, v1;
	v29, v35, _ =	vpop (xrf1);
	(erf) = vpow2.f32 v16  }
0xc5: {  	v36 =	vsel vm1, v23, v32;
	v10 =	vmul.f32 v28, v10;
	v16 =	vld [tilespmem:s17+$0xFFFFFFA0];
	(xrf1) =	vsort.dscd.msk.f32 $0xffff, v25, v0;
	v24, _, _ =	vpop (xrf0);
	(erf) = vrcp.f32 v30  }
0xc6: {  	v32 =	vld [tilespmem:s17+$0xFFFFFF90];
	v25, v30, _ =	vpop (xrf1);
	v24 =	vbroadcast v24, $0xF;
	(xrf1) =	vsort.dscd.msk.f32 $0xffff, v19, v36  }
0xc7: {  	v19 =	vld [tilespmem:s17+$0xFFFFFF80];
	v23, v28, _ =	vpop (xrf1);
	[tilespmem:v20+s11+$0x0] =	vst.idx.msk $0xff, v10;
	v10 =	vor.u32 s22, v0  }
0xc8: {  	v36 =	vld [tilespmem:s17+$0xFFFFFF30];
	vm1 =	vge.f32 v23, v29;
	v37, v38, _ =	vpop (xrf1);
	v24 =	vsub.f32 v27, v24;
	[tilespmem:v20+s12+$0x0] =	vst.idx.msk $0xff, v6;
	v6 =	vmov v26  }
0xc9: {  	v27 =	vld [tilespmem:s17+$0xFFFFFF20];
	(xrf1) =	vsort.ascd.msk.f32 $0xffff, v31, v3;
	v20 =	vsel vm1, v23, v29;
	v23 =	vsel vm1, v28, v35;
	v26 =	vpop (erf)  }
0xca: {  	v28 =	vld [tilespmem:s17+$0xFFFFFF10];
	(xrf1) =	vsort.ascd.msk.f32 $0xffff, v34, v3;
	v24 =	vmul.f32 $1.442695020e+00, v24;
	v26 =	vmul.f32 v26, v8;
	v8, _, _ =	vpop (xrf2)  }
0xcb: {  	(xrf1) =	vsort.dscd.msk.f32 $0xffff, v16, v2;
	v16 =	vpop (erf);
	v29 =	vbroadcast v8, $0xF  }
0xcc: {  	(xrf1) =	vsort.ascd.msk.f32 $0xffff, v33, v1;
	v31, v33, _ =	vpop (xrf1);
	v8 =	vnsel vm0, $0x0, v16;
	(erf) = vpow2.f32 v24;
	[tilespmem:v10+s11+$0x0] =	vst.idx.msk $0xff, v26  }
0xcd: {  	v24 =	vor.u32 s21, v0;
	v16 =	vpop (erf);
	[tilespmem:v10+s12+$0x0] =	vst.idx.msk $0xff, v5;
	(erf) = vrcp.f32 v29;
	v5 =	vmov v15  }
0xce: {  	vm1 =	vge.f32 v31, v37;
	(xrf1) =	vsort.dscd.msk.f32 $0xffff, v20, v23;
	v10 =	vnsel vm0, $0x0, v16;
	v15 =	vpop (erf)  }
0xcf: {  	v16 =	vsel vm1, v31, v37;
	v20 =	vsel vm1, v33, v38;
	(xrf1) =	vsort.dscd.msk.f32 $0xffff, v22, v0;
	v22, v23, _ =	vpop (xrf1)  }
0xd0: {  	v9 =	vmul.f32 v15, v9;
	v29 =	vld [tilespmem:s17+$0xFFFFFF00];
	(xrf1) =	vsort.dscd.msk.f32 $0xffff, v21, v2;
	v21, v31, _ =	vpop (xrf1);
	vm1 =	vge.f32 v22, v25  }
0xd1: {  	v15, v33, _ =	vpop (xrf1);
	v26 =	vsel vm1, v22, v25;
	v30 =	vsel vm1, v23, v30;
	(xrf1) =	vsort.dscd.msk.f32 $0xffff, v16, v20  }
0xd2: {  	vm1 =	vge.f32 v15, v21;
	(xrf1) =	vsort.dscd.msk.f32 $0xffff, v19, v0;
	v19, v22, _ =	vpop (xrf1);
	[tilespmem:v24+s11+$0x0] =	vst.idx.msk $0xff, v9  }
.Ltmp0:
0xd3: {  	v16 =	vor.u32 s20, v0;
	v20 =	vsel vm1, v15, v21;
	(xrf1) =	vsort.ascd.msk.f32 $0xffff, v36, v3;
	v23, v25, _ =	vpop (xrf1);
	[tilespmem:v24+s12+$0x0] =	vst.idx.msk $0xff, v7;
	(pc) =	sbr.rel @p0 .LBB2_2-.Ltmp0, $4  }
0xd4: {  	v21 =	vsel vm1, v33, v31;
	v7 =	vmov v17;
	(xrf1) =	vsort.dscd.msk.f32 $0xffff, v27, v2;
	v24, v15, _ =	vpop (xrf1)  }
0xd5: {  	v9 =	vpop (erf);
	(xrf0) =	vmax.scan.msk.f32 $0xffff, v24  }
0xd6: {  	vm1 =	vge.f32 v23, v19;
	(xrf1) =	vsort.ascd.msk.f32 $0xffff, v32, v1;
	v9 =	vnsel vm0, $0x0, v9;
	v17 =	vpop (erf)  }
0xd7: {  	v23 =	vsel vm1, v23, v19;
	(xrf1) =	vsort.dscd.msk.f32 $0xffff, v29, v0;
	v29, v27, _ =	vpop (xrf1);
	v19 =	vmul.f32 v17, v18  }
0xd8: {  	(xrf1) =	vsort.ascd.msk.f32 $0xffff, v28, v1  }
0xd9: {  	v28, v31, _ =	vpop (xrf1)  }
0xda: {  	v32, v33, _ =	vpop (xrf1)  }
0xdb: {  	v34, v35, _ =	vpop (xrf1)  }
0xdc: {  	v37, v17, _ =	vpop (xrf1)  }
0xdd: {  	v38, v39, _ =	vpop (xrf1);
	(xrf1) =	vsort.dscd.msk.f32 $0xffff, v26, v30  }
0xde: {  	v26, v30, _ =	vpop (xrf1);
	(xrf1) =	vsort.ascd.msk.f32 $0xffff, v11, v12  }
0xdf: {  	v40, v18, _ =	vpop (xrf1);
	(xrf1) =	vsort.dscd.msk.f32 $0xffff, v13, v14  }
0xe0: {  	vm2 =	vge.f32 v32, v28;
	v36, _, _ =	vpop (xrf0)  }
0xe1: {  	v28 =	vsel vm2, v32, v28;
	vm3 =	vge.f32 v26, v29;
	v11, v12, _ =	vpop (xrf1)  }
0xe2: {  	v31 =	vsel vm2, v33, v31;
	vm2 =	vge.f32 v38, v34;
	v27 =	vsel vm3, v30, v27;
	v13, v14, _ =	vpop (xrf1)  }
0xe3: {  	v36 =	vbroadcast v36, $0xF;
	v34 =	vsel vm2, v38, v34;
	v26 =	vsel vm3, v26, v29;
	v51, v52, _ =	vpop (xrf1)  }
0xe4: {  	v35 =	vsel vm2, v39, v35;
	(xrf1) =	vsort.ascd.msk.f32 $0xffff, v26, v27;
	vm2 =	vge.f32 v51, v13;
	v53, v41, _ =	vpop (xrf1)  }
0xe5: {  	v24 =	vsub.f32 v24, v36;
	(xrf1) =	vsort.ascd.msk.f32 $0xffff, v28, v31;
	v13 =	vsel vm2, v51, v13;
	v29, v30, _ =	vpop (xrf1)  }
0xe6: {  	v14 =	vsel vm2, v52, v14;
	(xrf1) =	vsort.dscd.msk.f32 $0xffff, v34, v35;
	vm2 =	vge.f32 v11, v53;
	v26, v27, _ =	vpop (xrf1)  }
0xe7: {  	v11 =	vsel vm2, v11, v53;
	vm3 =	vge.f32 v29, v26  }
0xe8: {  	v24 =	vmul.f32 $1.442695020e+00, v24;
	v26 =	vsel vm3, v29, v26  }
0xe9: {  	(xrf1) =	vsort.ascd.msk.f32 $0xffff, v13, v14;
	v12 =	vsel vm2, v12, v41;
	v27 =	vsel vm3, v30, v27  }
0xea: {  	(xrf1) =	vsort.dscd.msk.f32 $0xffff, v26, v27  }
0xeb: {  	(xrf1) =	vsort.dscd.msk.f32 $0xffff, v11, v12;
	v26, v11, _ =	vpop (xrf1)  }
0xec: {  	(xrf2) =	vadd.scan.msk.f32 $0xffff, v10;
	v12, v13, _ =	vpop (xrf1)  }
0xed: {  	(erf) = vpow2.f32 v24;
	v14, v24, _ =	vpop (xrf1)  }
0xee: {  	vm2 =	vge.f32 v14, v12  }
0xef: {  	v13 =	vsel vm2, v24, v13;
	_ =	sdelay $0x1  }
0xf0: {  	(xrf2) =	vadd.scan.msk.f32 $0xffff, v8;
	v12 =	vsel vm2, v14, v12  }
0xf1: {  	(xrf1) =	vsort.dscd.msk.f32 $0xffff, v12, v13;
	v13, v24, _ =	vpop (xrf1)  }
0xf2: {  	v28, v29, _ =	vpop (xrf1)  }
0xf3: {  	v30, v31, _ =	vpop (xrf1)  }
0xf4: {  	vm2 =	vge.f32 v30, v13  }
0xf5: {  	v27, _, _ =	vpop (xrf2);
	v13 =	vsel vm2, v30, v13  }
0xf6: {  	v27 =	vbroadcast v27, $0xF;
	v12 =	vpop (erf)  }
0xf7: {  	(xrf0) =	vmax.scan.msk.f32 $0xffff, v37;
	v54, v55, _ =	vpop (xrf1)  }
0xf8: {  	(xrf0) =	vmax.scan.msk.f32 $0xffff, v40;
	(erf) = vrcp.f32 v27;
	v27 =	vsel vm2, v31, v24;
	v30, v31, _ =	vpop (xrf1)  }
0xf9: {  	v24 =	vnsel vm0, $0x0, v12;
	(xrf1) =	vsort.dscd.msk.f32 $0xffff, v13, v27;
	vm2 =	vge.f32 v30, v54;
	v12, v13, _ =	vpop (xrf1)  }
0xfa: {  	v14, _, _ =	vpop (xrf2);
	v27 =	vsel vm2, v30, v54;
	v30 =	vsel vm2, v31, v55;
	vm2 =	vge.f32 v12, v28  }
0xfb: {  	(xrf2) =	vadd.scan.msk.f32 $0xffff, v9;
	v14 =	vbroadcast v14, $0xF;
	v12 =	vsel vm2, v12, v28  }
0xfc: {  	(xrf1) =	vsort.dscd.msk.f32 $0xffff, v27, v30  }
0xfd: {  	v13 =	vsel vm2, v13, v29  }
0xfe: {  	(xrf1) =	vsort.dscd.msk.f32 $0xffff, v12, v13;
	v12, _, _ =	vpop (xrf0)  }
0xff: {  	(erf) = vrcp.f32 v14;
	v13 =	vsel vm1, v25, v22;
	(xrf1) =	vsort.ascd.msk.f32 $0xffff, v20, v21;
	v12 =	vbroadcast v12, $0xF;
	v14, _, _ =	vpop (xrf0)  }
0x100: {  	(xrf1) =	vsort.dscd.msk.f32 $0xffff, v23, v13;
	v13 =	vbroadcast v14, $0xF;
	_ =	sdelay $0x1  }
0x101: {  	(xrf0) =	vmax.scan.msk.f32 $0xffff, v26;
	v14 =	vsub.f32 v37, v12;
	v13 =	vsub.f32 v40, v13;
	_ =	sdelay $0x1  }
0x102: {  	v14 =	vmul.f32 $1.442695020e+00, v14;
	v21, v12, _ =	vpop (xrf1);
	v13 =	vmul.f32 $1.442695020e+00, v13  }
0x103: {  	(xrf0) =	vmax.scan.msk.f32 $0xffff, v21  }
0x104: {  	v22, _, _ =	vpop (xrf2)  }
0x105: {  	(xrf2) =	vadd.scan.msk.f32 $0xffff, v24;
	v23 =	vpop (erf)  }
0x106: {  	(erf) = vpow2.f32 v14;
	v14, _, _ =	vpop (xrf0)  }
0x107: {  	(erf) = vpow2.f32 v13;
	v30 =	vbroadcast v14, $0xF;
	v29, v13, _ =	vpop (xrf1)  }
0x108: {  	v31, v20, _ =	vpop (xrf1)  }
0x109: {  	v28, _, _ =	vpop (xrf0)  }
0x10a: {  	v22 =	vbroadcast v22, $0xF;
	v56, v14, _ =	vpop (xrf1)  }
0x10b: {  	v26 =	vsub.f32 v26, v30;
	v30, v57, _ =	vpop (xrf1)  }
0x10c: {  	(erf) = vrcp.f32 v22;
	v22 =	vbroadcast v28, $0xF;
	v28, v58, _ =	vpop (xrf1)  }
0x10d: {  	vm1 =	vge.f32 v28, v30  }
0x10e: {  	v21 =	vsub.f32 v21, v22;
	v22 =	vsel vm1, v28, v30;
	v28 =	vsel vm1, v58, v57  }
0x10f: {  	v27, _, _ =	vpop (xrf2);
	v26 =	vmul.f32 $1.442695020e+00, v26;
	(xrf1) =	vsort.dscd.msk.f32 $0xffff, v22, v28  }
0x110: {  	v27 =	vbroadcast v27, $0xF  }
0x111: {  	v25 =	vpop (erf);
	(erf) = vpow2.f32 v26;
	v21 =	vmul.f32 $1.442695020e+00, v21  }
0x112: {  	(xrf0) =	vmax.scan.msk.f32 $0xffff, v29;
	v59 =	vpop (erf);
	(erf) = vrcp.f32 v27  }
0x113: {  	v60 =	vpop (erf);
	(erf) = vpow2.f32 v21  }
0x114: {  	v26 =	vnsel vm0, $0x0, v60  }
0x115: {  	(xrf2) =	vadd.scan.msk.f32 $0xffff, v26;
	v21 =	vnsel vm0, $0x0, v59  }
0x116: {  	(xrf2) =	vadd.scan.msk.f32 $0xffff, v21;
	_ =	sdelay $0x1  }
0x117: {  	(xrf0) =	vmax.scan.msk.f32 $0xffff, v31;
	v62, _, _ =	vpop (xrf0)  }
0x118: {  	v22 =	vpop (erf)  }
0x119: {  	v27 =	vpop (erf)  }
0x11a: {  	v28 =	vpop (erf)  }
0x11b: {  	(xrf0) =	vmax.scan.msk.f32 $0xffff, v56;
	v34 =	vbroadcast v62, $0xF;
	v27 =	vnsel vm0, $0x0, v27;
	v61 =	vpop (erf)  }
0x11c: {  	(xrf2) =	vadd.scan.msk.f32 $0xffff, v27;
	v43, v63, _ =	vpop (xrf1)  }
0x11d: {  	v44, _, _ =	vpop (xrf0);
	v29 =	vsub.f32 v29, v34;
	v33 =	vnsel vm0, $0x0, v61;
	(xrf0) =	vmax.scan.msk.f32 $0xffff, v43  }
0x11e: {  	v37 =	vbroadcast v44, $0xF;
	v30, _, _ =	vpop (xrf2);
	(xrf2) =	vadd.scan.msk.f32 $0xffff, v33  }
0x11f: {  	v29 =	vmul.f32 $1.442695020e+00, v29;
	v30 =	vbroadcast v30, $0xF;
	v45, _, _ =	vpop (xrf2)  }
0x120: {  	v38 =	vbroadcast v45, $0xF  }
0x121: {  	(erf) = vrcp.f32 v30;
	v30 =	vsub.f32 v31, v37;
	v31, _, _ =	vpop (xrf0)  }
0x122: {  	v31 =	vbroadcast v31, $0xF;
	(erf) = vrcp.f32 v38  }
0x123: {  	v30 =	vmul.f32 $1.442695020e+00, v30;
	(erf) = vpow2.f32 v29;
	v29, _, _ =	vpop (xrf0)  }
0x124: {  	v29 =	vbroadcast v29, $0xF  }
0x125: {  	(erf) = vpow2.f32 v30;
	v30 =	vsub.f32 v56, v31  }
0x126: {  	v46, _, _ =	vpop (xrf2);
	v29 =	vsub.f32 v43, v29  }
0x127: {  	v31 =	vbroadcast v46, $0xF;
	v30 =	vmul.f32 $1.442695020e+00, v30  }
0x128: {  	v47, _, _ =	vpop (xrf2);
	v29 =	vmul.f32 $1.442695020e+00, v29  }
0x129: {  	(erf) = vrcp.f32 v31;
	v31 =	vbroadcast v47, $0xF  }
0x12a: {  	(erf) = vpow2.f32 v30  }
0x12b: {  	v30 =	vpop (erf);
	(erf) = vrcp.f32 v31  }
0x12c: {  	(erf) = vpow2.f32 v29;
	v29 =	vpop (erf)  }
0x12d: {  	v31 =	vpop (erf)  }
0x12e: {  	v48 =	vpop (erf)  }
0x12f: {  	v32 =	vnsel vm0, $0x0, v48  }
0x130: {  	(xrf2) =	vadd.scan.msk.f32 $0xffff, v32  }
0x131: {  	v31 =	vnsel vm0, $0x0, v31  }
0x132: {  	v49 =	vpop (erf);
	(xrf2) =	vadd.scan.msk.f32 $0xffff, v31  }
0x133: {  	s16 =	sshll.u32 s16, $0x7;
	v50 =	vpop (erf)  }
0x134: {  	v52 =	vor.u32 s16, v0;
	v35 =	vnsel vm0, $0x0, v50;
	v51 =	vpop (erf)  }
0x135: {  	s17 =	sadd.s32 $0x100, s16;
	(xrf2) =	vadd.scan.msk.f32 $0xffff, v35;
	v53 =	vpop (erf)  }
0x136: {  	v54 =	vor.u32 s17, v0;
	v10 =	vmul.f32 v23, v10;
	v39 =	vnsel vm0, $0x0, v53  }
0x137: {  	[tilespmem:v16+s11+$0x0] =	vst.idx.msk $0xff, v19;
	s18 =	sadd.s32 $0x80, s16;
	(xrf2) =	vadd.scan.msk.f32 $0xffff, v39  }
0x138: {  	[tilespmem:v16+s12+$0x0] =	vst.idx.msk $0xff, v4;
	v4 =	vor.u32 s18, v0  }
0x139: {  	v8 =	vmul.f32 v25, v8;
	[tilespmem:v52+s11+$0x0] =	vst.idx.msk $0xff, v10  }
0x13a: {  	s16 =	sadd.s32 $0x180, s16;
	[tilespmem:v52+s12+$0x0] =	vst.idx.msk $0xff, v6;
	v10, _, _ =	vpop (xrf2)  }
0x13b: {  	v6 =	vor.u32 s16, v0;
	[tilespmem:v54+s11+$0x0] =	vst.idx.msk $0xff, v8;
	v8 =	vmul.f32 v22, v9;
	v9 =	vbroadcast v10, $0xF  }
0x13c: {  	s15 =	sshll.u32 s15, $0x7;
	[tilespmem:v54+s12+$0x0] =	vst.idx.msk $0xff, v5;
	v16, _, _ =	vpop (xrf2)  }
0x13d: {  	s19 =	sadd.s32 $0x100, s15;
	[tilespmem:v4+s11+$0x0] =	vst.idx.msk $0xff, v8;
	v10 =	vor.u32 s15, v0;
	v8 =	vbroadcast v16, $0xF  }
0x13e: {  	[tilespmem:v4+s12+$0x0] =	vst.idx.msk $0xff, v7;
	v7 =	vor.u32 s19, v0;
	v5 =	vmul.f32 v28, v24;
	(erf) = vrcp.f32 v9  }
0x13f: {  	s20 =	sadd.s32 $0x80, s15;
	(erf) = vrcp.f32 v8;
	v9, _, _ =	vpop (xrf2)  }
0x140: {  	[tilespmem:v6+s11+$0x0] =	vst.idx.msk $0xff, v5;
	v4 =	vmul.f32 v30, v26;
	v8 =	vor.u32 s20, v0;
	v5 =	vbroadcast v9, $0xF  }
0x141: {  	[tilespmem:v6+s12+$0x0] =	vst.idx.msk $0xff, v15;
	v6 =	vmul.f32 v29, v21;
	s15 =	sadd.s32 $0x180, s15;
	v9, _, _ =	vpop (xrf2)  }
0x142: {  	[tilespmem:v10+s11+$0x0] =	vst.idx.msk $0xff, v4;
	v4 =	vbroadcast v9, $0xF;
	(erf) = vrcp.f32 v5;
	v5 =	vor.u32 s15, v0  }
0x143: {  	[tilespmem:v7+s11+$0x0] =	vst.idx.msk $0xff, v6;
	v6 =	vmul.f32 v49, v27  }
0x144: {  	s14 =	sshll.u32 s14, $0x7;
	[tilespmem:v7+s12+$0x0] =	vst.idx.msk $0xff, v17;
	(erf) = vrcp.f32 v4  }
0x145: {  	v4 =	vor.u32 s14, v0;
	[tilespmem:v8+s11+$0x0] =	vst.idx.msk $0xff, v6;
	v6 =	vmul.f32 v51, v33  }
0x146: {  	s21 =	sadd.s32 $0x100, s14;
	[tilespmem:v8+s12+$0x0] =	vst.idx.msk $0xff, v11  }
0x147: {  	v8 =	vor.u32 s21, v0;
	v7 =	vpop (erf);
	[tilespmem:v5+s11+$0x0] =	vst.idx.msk $0xff, v6  }
0x148: {  	s22 =	sadd.s32 $0x80, s14;
	v6 =	vmul.f32 v7, v32;
	[tilespmem:v5+s12+$0x0] =	vst.idx.msk $0xff, v12;
	v5 =	vpop (erf)  }
0x149: {  	[tilespmem:v10+s12+$0x0] =	vst.idx.msk $0xff, v18;
	v7 =	vor.u32 s22, v0;
	v5 =	vmul.f32 v5, v31  }
0x14a: {  	s14 =	sadd.s32 $0x180, s14;
	[tilespmem:v4+s11+$0x0] =	vst.idx.msk $0xff, v6  }
0x14b: {  	v6 =	vor.u32 s14, v0;
	[tilespmem:v4+s12+$0x0] =	vst.idx.msk $0xff, v20;
	v4 =	vpop (erf)  }
0x14c: {  	[tilespmem:v8+s11+$0x0] =	vst.idx.msk $0xff, v5;
	v4 =	vmul.f32 v4, v35  }
0x14d: {  	[tilespmem:v8+s12+$0x0] =	vst.idx.msk $0xff, v13;
	v5 =	vpop (erf)  }
0x14e: {  	[tilespmem:v7+s11+$0x0] =	vst.idx.msk $0xff, v4;
	v4 =	vmul.f32 v5, v39  }
0x14f: {  	[tilespmem:v7+s12+$0x0] =	vst.idx.msk $0xff, v14  }
0x150: {  	[tilespmem:v6+s11+$0x0] =	vst.idx.msk $0xff, v4  }
0x151: {  	s23 =	simm.s32 $0x0;
	[tilespmem:v6+s12+$0x0] =	vst.idx.msk $0xff, v63  }
0x152: {  	[hbm4b:s4+s23] =	stream.linear.scatter [tilespmem:s11], [sflag:$0x1], $0x8000, $0x38;
	[tilespmem:$0x18000] =	vst v63  }
0x153: {  	_ =	swait.ge [sflag:s10], $0x8000  }
0x154: {  	[sflag:s10] =	ssyncset.done $0x0  }
0x155: {  	[sflag:s10] =	ssyncadd.s32 $0xFFFF8000  }
0x156: {  	[hbm4b:s5+s23] =	stream.linear.scatter [tilespmem:s12], [sflag:$0x1], $0x8000, $0x38;
	[tilespmem:$0x18000] =	vst v63  }
0x157: {  	_ =	swait.ge [sflag:s10], $0x8000  }
0x158: {  	[sflag:s10] =	ssyncset.done $0x0  }
0x159: {  	[sflag:s10] =	ssyncadd.s32 $0xFFFF8000  }
0x15a: {  	[tilespmem:s23], [sflag:$0x1] =	stream.linear.gather [hbm4b:s6+s23], $0x8000, $0x38;
	[tilespmem:$0x18000] =	vst v63  }
0x15b: {  	_ =	swait.ge [sflag:s10], $0x8000  }
0x15c: {  	[sflag:s10] =	ssyncset.done $0x0  }
0x15d: {  	s24 =	simm.s32 $0x100;
	[sflag:s10] =	ssyncadd.s32 $0xFFFF8000  }
0x15e: {  	v4 =	vld [tilespmem:s24+$0xB0]  }
0x15f: {  	v5 =	vld [tilespmem:s24+$0xA0]  }
0x160: {  	v6 =	vld [tilespmem:s24+$0x90]  }
0x161: {  	v7 =	vld [tilespmem:s24+$0x80]  }
0x162: {  	v8 =	vld [tilespmem:s24+$0x30]  }
0x163: {  	(xrf1) =	vsort.ascd.msk.f32 $0xffff, v4, v3;
	v4 =	vld [tilespmem:s24+$0xFFFFFFB0]  }
0x164: {  	(xrf1) =	vsort.dscd.msk.f32 $0xffff, v5, v2;
	v5 =	vld [tilespmem:s24+$0xFFFFFFA0]  }
0x165: {  	v9 =	vld [tilespmem:s24+$0x10];
	(xrf1) =	vsort.ascd.msk.f32 $0xffff, v6, v1  }
0x166: {  	v6 =	vld [tilespmem:s24+$0x0];
	(xrf1) =	vsort.dscd.msk.f32 $0xffff, v7, v0  }
0x167: {  	v7 =	vld [tilespmem:s24+$0x20];
	(xrf1) =	vsort.ascd.msk.f32 $0xffff, v8, v3  }
0x168: {  	(xrf1) =	vsort.ascd.msk.f32 $0xffff, v4, v3  }
0x169: {  	(xrf1) =	vsort.dscd.msk.f32 $0xffff, v5, v2  }
0x16a: {  	v8 =	vld [tilespmem:s24+$0xFFFFFF80];
	(xrf1) =	vsort.ascd.msk.f32 $0xffff, v9, v1  }
0x16b: {  	v4 =	vld [tilespmem:s24+$0xFFFFFF30];
	(xrf1) =	vsort.dscd.msk.f32 $0xffff, v6, v0  }
0x16c: {  	v5 =	vld [tilespmem:s24+$0xFFFFFF20];
	(xrf1) =	vsort.dscd.msk.f32 $0xffff, v7, v2  }
0x16d: {  	v9 =	vld [tilespmem:s24+$0xFFFFFF90]  }
0x16e: {  	v6 =	vld [tilespmem:s24+$0xFFFFFF00]  }
0x16f: {  	v7 =	vld [tilespmem:s24+$0xFFFFFF10];
	(xrf1) =	vsort.dscd.msk.f32 $0xffff, v8, v0  }
0x170: {  	(xrf1) =	vsort.ascd.msk.f32 $0xffff, v4, v3  }
0x171: {  	(xrf1) =	vsort.dscd.msk.f32 $0xffff, v5, v2;
	v4, v5, _ =	vpop (xrf1)  }
0x172: {  	(xrf1) =	vsort.ascd.msk.f32 $0xffff, v9, v1;
	v8, v9, _ =	vpop (xrf1)  }
0x173: {  	(xrf1) =	vsort.dscd.msk.f32 $0xffff, v6, v0;
	v10, v14, _ =	vpop (xrf1)  }
0x174: {  	(xrf1) =	vsort.ascd.msk.f32 $0xffff, v7, v1;
	v15, v16, _ =	vpop (xrf1)  }
0x175: {  	v6, v7, _ =	vpop (xrf1)  }
0x176: {  	v11, v12, _ =	vpop (xrf1)  }
0x177: {  	v13, v17, _ =	vpop (xrf1)  }
0x178: {  	v18, v19, _ =	vpop (xrf1)  }
0x179: {  	v20, v21, _ =	vpop (xrf1)  }
0x17a: {  	v22, v23, _ =	vpop (xrf1)  }
0x17b: {  	vm2 =	vge.f32 v22, v6  }
0x17c: {  	v7 =	vsel vm2, v23, v7  }
0x17d: {  	vm1 =	vge.f32 v13, v11;
	v24, v25, _ =	vpop (xrf1);
	v6 =	vsel vm2, v22, v6  }
0x17e: {  	v12 =	vsel vm1, v17, v12;
	v26, v27, _ =	vpop (xrf1)  }
0x17f: {  	v11 =	vsel vm1, v13, v11;
	vm1 =	vge.f32 v20, v18;
	v13, v22, _ =	vpop (xrf1);
	(xrf1) =	vsort.ascd.msk.f32 $0xffff, v6, v7  }
0x180: {  	v17 =	vsel vm1, v20, v18;
	v18 =	vsel vm1, v21, v19;
	(xrf1) =	vsort.ascd.msk.f32 $0xffff, v11, v12;
	v6, v7, _ =	vpop (xrf1)  }
0x181: {  	(xrf1) =	vsort.dscd.msk.f32 $0xffff, v17, v18;
	v19, v20, _ =	vpop (xrf1)  }
0x182: {  	vm1 =	vge.f32 v13, v26;
	v11, v12, _ =	vpop (xrf1)  }
0x183: {  	v13 =	vsel vm1, v13, v26;
	v17 =	vsel vm1, v22, v27;
	vm1 =	vge.f32 v19, v11  }
0x184: {  	s25 =	simm.s32 $0x300;
	(xrf1) =	vsort.ascd.msk.f32 $0xffff, v13, v17;
	v11 =	vsel vm1, v19, v11;
	v12 =	vsel vm1, v20, v12  }
0x185: {  	(xrf1) =	vsort.dscd.msk.f32 $0xffff, v11, v12;
	v11 =	vld [tilespmem:s25+$0xB0]  }
0x186: {  	v12 =	vld [tilespmem:s25+$0xA0]  }
0x187: {  	v13 =	vld [tilespmem:s25+$0x90];
	vm1 =	vge.f32 v24, v6  }
0x188: {  	v17 =	vld [tilespmem:s25+$0x80];
	v6 =	vsel vm1, v24, v6;
	v7 =	vsel vm1, v25, v7  }
0x189: {  	v18 =	vld [tilespmem:s25+$0x30];
	(xrf1) =	vsort.dscd.msk.f32 $0xffff, v6, v7  }
0x18a: {  	v6 =	vld [tilespmem:s25+$0xFFFFFFB0];
	(xrf1) =	vsort.ascd.msk.f32 $0xffff, v11, v3  }
0x18b: {  	v7 =	vld [tilespmem:s25+$0xFFFFFFA0];
	(xrf1) =	vsort.dscd.msk.f32 $0xffff, v12, v2  }
0x18c: {  	v11 =	vld [tilespmem:s25+$0x10];
	(xrf1) =	vsort.ascd.msk.f32 $0xffff, v13, v1  }
0x18d: {  	v12, v13, _ =	vpop (xrf1);
	(xrf1) =	vsort.dscd.msk.f32 $0xffff, v17, v0  }
0x18e: {  	v17 =	vld [tilespmem:s25+$0x0];
	v19, v21, _ =	vpop (xrf1);
	(xrf1) =	vsort.ascd.msk.f32 $0xffff, v18, v3  }
0x18f: {  	v18 =	vld [tilespmem:s25+$0x20];
	v20, v22, _ =	vpop (xrf1);
	(xrf1) =	vsort.ascd.msk.f32 $0xffff, v6, v3  }
0x190: {  	vm1 =	vge.f32 v20, v12;
	(xrf1) =	vsort.dscd.msk.f32 $0xffff, v7, v2  }
0x191: {  	v12 =	vsel vm1, v20, v12;
	v13 =	vsel vm1, v22, v13;
	(xrf1) =	vsort.ascd.msk.f32 $0xffff, v11, v1  }
0x192: {  	v6 =	vld [tilespmem:s25+$0xFFFFFF80];
	v7, v23, _ =	vpop (xrf1);
	(xrf1) =	vsort.dscd.msk.f32 $0xffff, v12, v13  }
0x193: {  	v11 =	vld [tilespmem:s25+$0xFFFFFF30];
	v20, v22, _ =	vpop (xrf1);
	(xrf1) =	vsort.dscd.msk.f32 $0xffff, v17, v0  }
0x194: {  	v12 =	vld [tilespmem:s25+$0xFFFFFF20];
	vm1 =	vge.f32 v20, v7;
	(xrf1) =	vsort.dscd.msk.f32 $0xffff, v18, v2  }
0x195: {  	v13 =	vld [tilespmem:s25+$0xFFFFFF90];
	v7 =	vsel vm1, v20, v7;
	v17 =	vsel vm1, v22, v23  }
0x196: {  	v22 =	vld [tilespmem:s25+$0xFFFFFF00];
	(xrf1) =	vsort.dscd.msk.f32 $0xffff, v7, v17  }
0x197: {  	v24, v25, _ =	vpop (xrf1);
	v23 =	vld [tilespmem:s25+$0xFFFFFF10];
	(xrf1) =	vsort.dscd.msk.f32 $0xffff, v6, v0  }
0x198: {  	(xrf1) =	vsort.ascd.msk.f32 $0xffff, v11, v3;
	v18, v11, _ =	vpop (xrf1)  }
0x199: {  	(xrf1) =	vsort.dscd.msk.f32 $0xffff, v12, v2;
	v20, v17, _ =	vpop (xrf1)  }
0x19a: {  	vm1 =	vge.f32 v24, v19;
	(xrf1) =	vsort.ascd.msk.f32 $0xffff, v13, v1;
	v7, v6, _ =	vpop (xrf1)  }
0x19b: {  	v21 =	vsel vm1, v25, v21;
	(xrf1) =	vsort.dscd.msk.f32 $0xffff, v22, v0;
	v13, v12, _ =	vpop (xrf1)  }
0x19c: {  	v19 =	vsel vm1, v24, v19;
	(xrf1) =	vsort.ascd.msk.f32 $0xffff, v23, v1;
	v22, v23, _ =	vpop (xrf1)  }
0x19d: {  	vm1 =	vge.f32 v8, v4;
	v24, v25, _ =	vpop (xrf1)  }
0x19e: {  	v5 =	vsel vm1, v9, v5;
	v26, v27, _ =	vpop (xrf1)  }
0x19f: {  	v4 =	vsel vm1, v8, v4;
	vm1 =	vge.f32 v15, v10;
	(xrf1) =	vsort.dscd.msk.f32 $0xffff, v19, v21;
	v19, v21, _ =	vpop (xrf1)  }
0x1a0: {  	v8 =	vsel vm1, v15, v10;
	v28, v9, _ =	vpop (xrf1)  }
0x1a1: {  	v10 =	vsel vm1, v16, v14;
	v14, v15, _ =	vpop (xrf1)  }
0x1a2: {  	(xrf1) =	vsort.ascd.msk.f32 $0xffff, v4, v5;
	v4, v5, _ =	vpop (xrf1)  }
0x1a3: {  	vm1 =	vge.f32 v4, v22  }
0x1a4: {  	(xrf1) =	vsort.dscd.msk.f32 $0xffff, v8, v10;
	v10, v8, _ =	vpop (xrf1);
	v5 =	vsel vm1, v5, v23  }
0x1a5: {  	(xrf0) =	vmax.scan.msk.f32 $0xffff, v28;
	v4 =	vsel vm1, v4, v22;
	v29, v30, _ =	vpop (xrf1)  }
0x1a6: {  	v16, v31, _ =	vpop (xrf1)  }
0x1a7: {  	vm1 =	vge.f32 v14, v19;
	v22, v23, _ =	vpop (xrf1)  }
0x1a8: {  	vm2 =	vge.f32 v26, v24;
	(xrf1) =	vsort.ascd.msk.f32 $0xffff, v4, v5;
	v14 =	vsel vm1, v14, v19;
	v4, v5, _ =	vpop (xrf1)  }
0x1a9: {  	v24 =	vsel vm2, v26, v24;
	v25 =	vsel vm2, v27, v25;
	vm2 =	vge.f32 v22, v16;
	v19, v26, _ =	vpop (xrf1)  }
0x1aa: {  	v15 =	vsel vm1, v15, v21;
	(xrf1) =	vsort.ascd.msk.f32 $0xffff, v24, v25;
	v16 =	vsel vm2, v22, v16;
	v21, v22, _ =	vpop (xrf1)  }
0x1ab: {  	(xrf1) =	vsort.dscd.msk.f32 $0xffff, v14, v15;
	v14, _, _ =	vpop (xrf0)  }
0x1ac: {  	v23 =	vsel vm2, v23, v31;
	vm1 =	vge.f32 v19, v21;
	v14 =	vbroadcast v14, $0xF  }
0x1ad: {  	s26 =	simm.s32 $0x500;
	(xrf1) =	vsort.ascd.msk.f32 $0xffff, v16, v23;
	v19 =	vsel vm1, v19, v21  }
0x1ae: {  	(xrf0) =	vmax.scan.msk.f32 $0xffff, v10;
	v15 =	vld [tilespmem:s26+$0xB0];
	v21 =	vsel vm1, v26, v22;
	vm1 =	vge.f32 v29, v4;
	v14 =	vsub.f32 v28, v14  }
0x1af: {  	v22 =	vld [tilespmem:s26+$0xA0];
	(xrf1) =	vsort.dscd.msk.f32 $0xffff, v19, v21;
	v4 =	vsel vm1, v29, v4;
	v5 =	vsel vm1, v30, v5  }
0x1b0: {  	v24 =	vld [tilespmem:s26+$0x90];
	(xrf1) =	vsort.dscd.msk.f32 $0xffff, v4, v5;
	v4 =	vmul.f32 $1.442695020e+00, v14  }
0x1b1: {  	v23, v16, _ =	vpop (xrf1);
	v19 =	vld [tilespmem:s26+$0x80]  }
0x1b2: {  	(xrf0) =	vmax.scan.msk.f32 $0xffff, v23  }
0x1b3: {  	(xrf1) =	vsort.ascd.msk.f32 $0xffff, v15, v3;
	v5, v14, _ =	vpop (xrf1)  }
0x1b4: {  	(xrf1) =	vsort.dscd.msk.f32 $0xffff, v22, v2;
	(erf) = vpow2.f32 v4;
	v4, _, _ =	vpop (xrf0)  }
0x1b5: {  	(xrf1) =	vsort.ascd.msk.f32 $0xffff, v24, v1;
	v15, v21, _ =	vpop (xrf1);
	v4 =	vbroadcast v4, $0xF  }
0x1b6: {  	v22 =	vld [tilespmem:s26+$0x30];
	(xrf1) =	vsort.dscd.msk.f32 $0xffff, v19, v0;
	vm1 =	vge.f32 v15, v5  }
0x1b7: {  	v24 =	vld [tilespmem:s26+$0xFFFFFFB0];
	v5 =	vsel vm1, v15, v5;
	v14 =	vsel vm1, v21, v14;
	v4 =	vsub.f32 v10, v4  }
0x1b8: {  	v19, _, _ =	vpop (xrf0);
	v15 =	vld [tilespmem:s26+$0xFFFFFFA0];
	(xrf1) =	vsort.dscd.msk.f32 $0xffff, v5, v14  }
0x1b9: {  	v4 =	vmul.f32 $1.442695020e+00, v4  }
0x1ba: {  	v5 =	vld [tilespmem:s26+$0x10];
	v14 =	vbroadcast v19, $0xF;
	v10, v19, _ =	vpop (xrf1)  }
0x1bb: {  	(xrf1) =	vsort.ascd.msk.f32 $0xffff, v22, v3;
	v25, v26, _ =	vpop (xrf1)  }
0x1bc: {  	v21 =	vld [tilespmem:s26+$0x0];
	v14 =	vsub.f32 v23, v14;
	(xrf1) =	vsort.ascd.msk.f32 $0xffff, v24, v3;
	v23, v24, _ =	vpop (xrf1)  }
0x1bd: {  	v22 =	vld [tilespmem:s26+$0x20];
	vm1 =	vge.f32 v23, v10;
	(xrf1) =	vsort.dscd.msk.f32 $0xffff, v15, v2;
	(erf) = vpow2.f32 v4;
	v4, v15, _ =	vpop (xrf1)  }
0x1be: {  	v14 =	vmul.f32 $1.442695020e+00, v14;
	v10 =	vsel vm1, v23, v10;
	v19 =	vsel vm1, v24, v19;
	v23, v24, _ =	vpop (xrf1)  }
0x1bf: {  	(xrf1) =	vsort.ascd.msk.f32 $0xffff, v5, v1;
	v5 =	vld [tilespmem:s26+$0xFFFFFF80];
	vm1 =	vge.f32 v23, v4  }
0x1c0: {  	(erf) = vpow2.f32 v14;
	v14 =	vld [tilespmem:s26+$0xFFFFFF30];
	(xrf1) =	vsort.dscd.msk.f32 $0xffff, v10, v19;
	v10 =	vsel vm1, v24, v15  }
0x1c1: {  	v28 =	vld [tilespmem:s26+$0xFFFFFF20];
	(xrf1) =	vsort.dscd.msk.f32 $0xffff, v21, v0;
	v29, v30, _ =	vpop (xrf1)  }
0x1c2: {  	v4 =	vsel vm1, v23, v4;
	(xrf1) =	vsort.dscd.msk.f32 $0xffff, v22, v2;
	v22, v21, _ =	vpop (xrf1)  }
0x1c3: {  	v31 =	vld [tilespmem:s26+$0xFFFFFF90];
	v24, v23, _ =	vpop (xrf1);
	(xrf1) =	vsort.dscd.msk.f32 $0xffff, v4, v10  }
0x1c4: {  	v55 =	vld [tilespmem:s26+$0xFFFFFF00];
	(xrf1) =	vsort.dscd.msk.f32 $0xffff, v5, v0;
	v15, v10, _ =	vpop (xrf1)  }
0x1c5: {  	v5 =	vld [tilespmem:s26+$0xFFFFFF10];
	(xrf1) =	vsort.ascd.msk.f32 $0xffff, v14, v3;
	v19, v14, _ =	vpop (xrf1)  }
0x1c6: {  	(xrf1) =	vsort.dscd.msk.f32 $0xffff, v28, v2;
	v28, v4, _ =	vpop (xrf1)  }
0x1c7: {  	(xrf0) =	vmax.scan.msk.f32 $0xffff, v28  }
0x1c8: {  	v27 =	vpop (erf);
	(xrf1) =	vsort.ascd.msk.f32 $0xffff, v31, v1  }
0x1c9: {  	vm1 =	vge.f32 v29, v25;
	v56 =	vpop (erf);
	(xrf1) =	vsort.dscd.msk.f32 $0xffff, v55, v0  }
0x1ca: {  	v31, v58, _ =	vpop (xrf1);
	(xrf1) =	vsort.ascd.msk.f32 $0xffff, v5, v1;
	v5 =	vsel vm1, v29, v25;
	v25 =	vsel vm1, v30, v26  }
0x1cb: {  	v33 =	vnsel vm0, $0x0, v56;
	v57 =	vpop (erf)  }
0x1cc: {  	(xrf2) =	vadd.scan.msk.f32 $0xffff, v33;
	v59, v60, _ =	vpop (xrf1)  }
0x1cd: {  	(xrf1) =	vsort.dscd.msk.f32 $0xffff, v5, v25;
	v25, _, _ =	vpop (xrf0)  }
0x1ce: {  	vm1 =	vge.f32 v20, v18;
	v62, v61, _ =	vpop (xrf1);
	v25 =	vbroadcast v25, $0xF  }
0x1cf: {  	v20 =	vsel vm1, v20, v18;
	v26, v29, _ =	vpop (xrf1)  }
0x1d0: {  	v11 =	vsel vm1, v17, v11;
	vm1 =	vge.f32 v13, v7;
	v30, v5, _ =	vpop (xrf1);
	v17 =	vsub.f32 v28, v25  }
0x1d1: {  	v18 =	vnsel vm0, $0x0, v27;
	v7 =	vsel vm1, v13, v7;
	v12 =	vsel vm1, v12, v6;
	(xrf1) =	vsort.ascd.msk.f32 $0xffff, v20, v11;
	v27, v63, _ =	vpop (xrf1)  }
0x1d2: {  	v25, v28, _ =	vpop (xrf1);
	(xrf1) =	vsort.dscd.msk.f32 $0xffff, v7, v12;
	v7 =	vmul.f32 $1.442695020e+00, v17  }
0x1d3: {  	(xrf2) =	vadd.scan.msk.f32 $0xffff, v18;
	v11, v6, _ =	vpop (xrf1);
	vm1 =	vge.f32 v25, v31  }
0x1d4: {  	(xrf0) =	vmax.scan.msk.f32 $0xffff, v30;
	v17 =	vnsel vm0, $0x0, v57;
	v12, v13, _ =	vpop (xrf1);
	v20 =	vsel vm1, v25, v31  }
0x1d5: {  	(xrf2) =	vadd.scan.msk.f32 $0xffff, v17;
	v28 =	vsel vm1, v28, v58;
	vm1 =	vge.f32 v62, v59;
	v25, v31, _ =	vpop (xrf1)  }
0x1d6: {  	vm2 =	vge.f32 v27, v26;
	(erf) = vpow2.f32 v7;
	(xrf0) =	vmax.scan.msk.f32 $0xffff, v11;
	v43 =	vsel vm1, v61, v60;
	v7, v42, _ =	vpop (xrf1)  }
0x1d7: {  	(xrf1) =	vsort.ascd.msk.f32 $0xffff, v20, v28;
	v28 =	vsel vm1, v62, v59;
	v20, _, _ =	vpop (xrf2);
	vm1 =	vge.f32 v7, v25  }
0x1d8: {  	v26 =	vsel vm2, v27, v26;
	v27, v44, _ =	vpop (xrf1);
	v7 =	vsel vm1, v7, v25  }
0x1d9: {  	v29 =	vsel vm2, v63, v29;
	(xrf1) =	vsort.ascd.msk.f32 $0xffff, v28, v43;
	v46, v45, _ =	vpop (xrf1);
	v20 =	vbroadcast v20, $0xF  }
0x1da: {  	v25 =	vsel vm1, v42, v31;
	(xrf1) =	vsort.dscd.msk.f32 $0xffff, v26, v29;
	v28, v31, _ =	vpop (xrf1)  }
0x1db: {  	(xrf1) =	vsort.ascd.msk.f32 $0xffff, v7, v25;
	(erf) = vrcp.f32 v20;
	vm1 =	vge.f32 v46, v28;
	v7, _, _ =	vpop (xrf0)  }
0x1dc: {  	v28 =	vsel vm1, v46, v28;
	v29 =	vsel vm1, v45, v31;
	v47, _, _ =	vpop (xrf0)  }
0x1dd: {  	s17 =	simm.s32 $0x700;
	v20, _, _ =	vpop (xrf2);
	v25 =	vbroadcast v7, $0xF;
	(xrf1) =	vsort.dscd.msk.f32 $0xffff, v28, v29;
	v28 =	vbroadcast v47, $0xF  }
0x1de: {  	vm2 =	vge.f32 v12, v27;
	v31 =	vld [tilespmem:s17+$0xB0];
	v26, v7, _ =	vpop (xrf1);
	v20 =	vbroadcast v20, $0xF  }
0x1df: {  	v48 =	vld [tilespmem:s17+$0xA0];
	v13 =	vsel vm2, v13, v44;
	v25 =	vsub.f32 v30, v25;
	v29 =	vpop (erf)  }
0x1e0: {  	v12 =	vsel vm2, v12, v27;
	v27 =	vld [tilespmem:s17+$0x90];
	(xrf0) =	vmax.scan.msk.f32 $0xffff, v26;
	v49 =	vnsel vm0, $0x0, v29  }
0x1e1: {  	v30, _, _ =	vpop (xrf2);
	v29 =	vld [tilespmem:s17+$0x80];
	v11 =	vsub.f32 v11, v28;
	(erf) = vrcp.f32 v20;
	v25 =	vmul.f32 $1.442695020e+00, v25;
	(xrf2) =	vadd.scan.msk.f32 $0xffff, v49  }
0x1e2: {  	(xrf1) =	vsort.dscd.msk.f32 $0xffff, v12, v13;
	v20, v28, _ =	vpop (xrf1)  }
0x1e3: {  	v11 =	vmul.f32 $1.442695020e+00, v11;
	(xrf1) =	vsort.ascd.msk.f32 $0xffff, v31, v3;
	(erf) = vpow2.f32 v25;
	v12, v13, _ =	vpop (xrf1)  }
0x1e4: {  	v25 =	vbroadcast v30, $0xF;
	(xrf1) =	vsort.dscd.msk.f32 $0xffff, v48, v2;
	v30 =	vpop (erf)  }
0x1e5: {  	v31 =	vld [tilespmem:s17+$0x30];
	(erf) = vpow2.f32 v11;
	vm1 =	vge.f32 v12, v20;
	(xrf1) =	vsort.ascd.msk.f32 $0xffff, v27, v1;
	v27, v50, _ =	vpop (xrf1)  }
0x1e6: {  	(erf) = vrcp.f32 v25;
	v25 =	vld [tilespmem:s17+$0xFFFFFFB0];
	v11 =	vsel vm1, v12, v20;
	(xrf1) =	vsort.dscd.msk.f32 $0xffff, v29, v0;
	v12 =	vsel vm1, v13, v28;
	v13, _, _ =	vpop (xrf0)  }
0x1e7: {  	s28 =	simm.s32 $0x0;
	v51 =	vld [tilespmem:s17+$0xFFFFFFA0];
	v28, v29, _ =	vpop (xrf1);
	v13 =	vbroadcast v13, $0xF;
	(xrf1) =	vsort.dscd.msk.f32 $0xffff, v11, v12  }
0x1e8: {  	v54 =	vld [tilespmem:s17+$0x10];
	v20 =	vor.u32 s28, v0;
	v52, v53, _ =	vpop (xrf1)  }
0x1e9: {  	vm1 =	vge.f32 v24, v22;
	v56, v55, _ =	vpop (xrf1);
	v13 =	vsub.f32 v26, v13;
	v26 =	vmul.f32 v30, v33  }
0x1ea: {  	v11 =	vsel vm1, v24, v22;
	v12 =	vsel vm1, v23, v21;
	(xrf1) =	vsort.ascd.msk.f32 $0xffff, v31, v3;
	v30 =	vpop (erf)  }
0x1eb: {  	v21 =	vld [tilespmem:s17+$0x0];
	vm1 =	vge.f32 v19, v15;
	vm2 =	vge.f32 v52, v27;
	(xrf1) =	vsort.ascd.msk.f32 $0xffff, v25, v3;
	v13 =	vmul.f32 $1.442695020e+00, v13;
	v22, _, _ =	vpop (xrf2)  }
0x1ec: {  	s29 =	simm.s32 $0x100;
	v23 =	vld [tilespmem:s17+$0x20];
	v27 =	vsel vm2, v52, v27;
	v34 =	vsel vm2, v53, v50;
	(xrf1) =	vsort.dscd.msk.f32 $0xffff, v51, v2;
	v24 =	vpop (erf);
	v22 =	vbroadcast v22, $0xF  }
0x1ed: {  	v25 =	vor.u32 s29, v0;
	[tilespmem:v20+s11+$0x0] =	vst.idx.msk $0xff, v26;
	(erf) = vpow2.f32 v13;
	v26, v31, _ =	vpop (xrf1);
	(xrf1) =	vsort.ascd.msk.f32 $0xffff, v54, v1  }
0x1ee: {  	s30 =	simm.s32 $0x80;
	v57 =	vld [tilespmem:s17+$0xFFFFFF80];
	v18 =	vmul.f32 v30, v18;
	[tilespmem:v20+s12+$0x0] =	vst.idx.msk $0xff, v8;
	v58 =	vpop (erf);
	(erf) = vrcp.f32 v22;
	vm2 =	vge.f32 v26, v56  }
0x1ef: {  	v13 =	vsel vm1, v19, v15;
	v15 =	vld [tilespmem:s17+$0xFFFFFF30];
	(xrf1) =	vsort.dscd.msk.f32 $0xffff, v27, v34;
	v8 =	vpop (erf);
	v27 =	vor.u32 s30, v0;
	v22 =	vsel vm2, v26, v56  }
0x1f0: {  	v19 =	vld [tilespmem:s17+$0xFFFFFF20];
	(xrf1) =	vsort.dscd.msk.f32 $0xffff, v21, v0;
	v20, v21, _ =	vpop (xrf1)  }
0x1f1: {  	v14 =	vsel vm1, v14, v10;
	v26 =	vsel vm2, v31, v55;
	(xrf1) =	vsort.dscd.msk.f32 $0xffff, v23, v2;
	v23, v31, _ =	vpop (xrf1)  }
0x1f2: {  	v59 =	vld [tilespmem:s17+$0xFFFFFF90];
	[tilespmem:v25+s11+$0x0] =	vst.idx.msk $0xff, v18;
	v17 =	vmul.f32 v8, v17;
	v18, v60, _ =	vpop (xrf1);
	(xrf1) =	vsort.dscd.msk.f32 $0xffff, v22, v26  }
0x1f3: {  	v61 =	vld [tilespmem:s17+$0xFFFFFF00];
	vm1 =	vge.f32 v20, v28;
	[tilespmem:v25+s12+$0x0] =	vst.idx.msk $0xff, v9;
	(xrf1) =	vsort.dscd.msk.f32 $0xffff, v57, v0;
	v62, v22, _ =	vpop (xrf1)  }
0x1f4: {  	s31 =	simm.s32 $0x180;
	v8 =	vnsel vm0, $0x0, v24;
	v26 =	vsel vm1, v20, v28;
	v28 =	vld [tilespmem:s17+$0xFFFFFF10];
	[tilespmem:v27+s11+$0x0] =	vst.idx.msk $0xff, v17;
	(xrf1) =	vsort.ascd.msk.f32 $0xffff, v15, v3;
	v63, v25, _ =	vpop (xrf1)  }
0x1f5: {  	vm2 =	vge.f32 v18, v23;
	[tilespmem:v27+s12+$0x0] =	vst.idx.msk $0xff, v16;
	v16 =	vor.u32 s31, v0;
	(xrf1) =	vsort.dscd.msk.f32 $0xffff, v19, v2;
	v24, v15, _ =	vpop (xrf1)  }
0x1f6: {  	v30 =	vsel vm1, v21, v29;
	v20 =	vsel vm2, v18, v23;
	v9 =	vpop (erf);
	(xrf0) =	vmax.scan.msk.f32 $0xffff, v24  }
0x1f7: {  	s18 =	simm.s32 $0x10;
	v10 =	vnsel vm0, $0x0, v58;
	v21 =	vsel vm2, v60, v31;
	vm1 =	vge.f32 v63, v62;
	(xrf1) =	vsort.ascd.msk.f32 $0xffff, v59, v1;
	v17 =	vpop (erf)  }
0x1f8: {  	s16 =	simm.s32 $0x4;
	s15 =	simm.s32 $0x8;
	s14 =	simm.s32 $0xC;
	v23 =	vsel vm1, v63, v62;
	v29, v27, _ =	vpop (xrf1);
	v9 =	vnsel vm0, $0x0, v9;
	(xrf1) =	vsort.dscd.msk.f32 $0xffff, v61, v0;
	v19 =	vmul.f32 v17, v49  }
.LBB2_4:
0x1f9: {  	p0 =	slt.u32 s18, $0xFC;
	v17 =	vsel vm1, v25, v22;
	(xrf1) =	vsort.ascd.msk.f32 $0xffff, v28, v1;
	v18, v22, _ =	vpop (xrf1);
	s19 =	smov.u32 s18;
	s18 =	sadd.s32 $0x4, s18  }
0x1fa: {  	v25, v28, _ =	vpop (xrf1);
	(xrf2) =	vadd.scan.msk.f32 $0xffff, v10;
	[tilespmem:v16+s11+$0x0] =	vst.idx.msk $0xff, v19  }
0x1fb: {  	v19, v31, _ =	vpop (xrf1);
	[tilespmem:v16+s12+$0x0] =	vst.idx.msk $0xff, v4;
	v4 =	vmov v15  }
0x1fc: {  	vm1 =	vge.f32 v25, v18;
	(xrf1) =	vsort.dscd.msk.f32 $0xffff, v26, v30;
	v16, _, _ =	vpop (xrf0)  }
0x1fd: {  	v18 =	vsel vm1, v25, v18;
	v22 =	vsel vm1, v28, v22;
	v25, v15, _ =	vpop (xrf1);
	v16 =	vbroadcast v16, $0xF  }
0x1fe: {  	v26, v28, _ =	vpop (xrf1)  }
0x1ff: {  	vm1 =	vge.f32 v26, v19;
	v30, v32, _ =	vpop (xrf1);
	v16 =	vsub.f32 v24, v16;
	(xrf2) =	vadd.scan.msk.f32 $0xffff, v8  }
0x200: {  	v19 =	vsel vm1, v26, v19;
	v24, v26, _ =	vpop (xrf1);
	(xrf1) =	vsort.ascd.msk.f32 $0xffff, v11, v12;
	v11 =	vmov v20;
	v12 =	vmov v21  }
0x201: {  	v20 =	vsel vm1, v28, v31;
	v21, v28, _ =	vpop (xrf1);
	(xrf1) =	vsort.dscd.msk.f32 $0xffff, v13, v14;
	v33 =	vmul.f32 $1.442695020e+00, v16;
	v14 =	vmov v17  }
0x202: {  	vm1 =	vge.f32 v30, v29;
	v13 =	vmov v23;
	v17, v31, _ =	vpop (xrf1);
	(xrf0) =	vmax.scan.msk.f32 $0xffff, v25  }
0x203: {  	v34 =	vsel vm1, v30, v29;
	v32 =	vsel vm1, v32, v27;
	v29, v30, _ =	vpop (xrf1);
	(xrf2) =	vadd.scan.msk.f32 $0xffff, v9;
	(erf) = vpow2.f32 v33  }
0x204: {  	(xrf1) =	vsort.ascd.msk.f32 $0xffff, v34, v32;
	v16, _, _ =	vpop (xrf2);
	vm1 =	vge.f32 v29, v17  }
0x205: {  	v23, v27, _ =	vpop (xrf1);
	(xrf0) =	vmax.scan.msk.f32 $0xffff, v24;
	v17 =	vsel vm1, v29, v17  }
0x206: {  	v29 =	vsel vm1, v30, v31;
	v16 =	vbroadcast v16, $0xF;
	v30, v31, _ =	vpop (xrf1);
	(xrf1) =	vsort.ascd.msk.f32 $0xffff, v18, v22  }
0x207: {  	vm1 =	vge.f32 v21, v23;
	v18, v22, _ =	vpop (xrf1);
	(xrf1) =	vsort.dscd.msk.f32 $0xffff, v19, v20  }
0x208: {  	v19 =	vsel vm1, v21, v23;
	vm2 =	vge.f32 v30, v18;
	(xrf1) =	vsort.ascd.msk.f32 $0xffff, v17, v29;
	v17, _, _ =	vpop (xrf0);
	(erf) = vrcp.f32 v16  }
0x209: {  	s17 =	sadd.s32 $0x200, s17;
	v16 =	vsel vm2, v30, v18;
	v18 =	vsel vm2, v31, v22;
	v20 =	vbroadcast v17, $0xF;
	v21, _, _ =	vpop (xrf2)  }
0x20a: {  	v23 =	vsel vm1, v28, v27;
	v22 =	vld [tilespmem:s17+$0xB0];
	v27, v17, _ =	vpop (xrf1);
	v21 =	vbroadcast v21, $0xF  }
0x20b: {  	v28 =	vld [tilespmem:s17+$0xA0];
	v20 =	vsub.f32 v25, v20;
	v25, _, _ =	vpop (xrf0)  }
0x20c: {  	v29 =	vld [tilespmem:s17+$0x90];
	(xrf1) =	vsort.dscd.msk.f32 $0xffff, v16, v18;
	v16 =	vbroadcast v25, $0xF;
	v18 =	vpop (erf)  }
0x20d: {  	v25 =	vld [tilespmem:s17+$0x80];
	v20 =	vmul.f32 $1.442695020e+00, v20;
	(xrf0) =	vmax.scan.msk.f32 $0xffff, v27;
	v18 =	vnsel vm0, $0x0, v18;
	v30, _, _ =	vpop (xrf2)  }
0x20e: {  	v31 =	vld [tilespmem:s17+$0x30];
	v16 =	vsub.f32 v24, v16;
	v24, v32, _ =	vpop (xrf1);
	v30 =	vbroadcast v30, $0xF;
	(erf) = vrcp.f32 v21;
	(xrf2) =	vadd.scan.msk.f32 $0xffff, v18  }
0x20f: {  	s20 =	sshll.u32 s16, $0x7;
	s16 =	smov.u32 s15;
	s15 =	smov.u32 s14;
	v21 =	vld [tilespmem:s17+$0x20];
	(xrf1) =	vsort.dscd.msk.f32 $0xffff, v19, v23;
	v19, v23, _ =	vpop (xrf1)  }
0x210: {  	s21 =	sadd.s32 $0x80, s20;
	s22 =	sadd.s32 $0x100, s20;
	v33 =	vld [tilespmem:s17+$0x10];
	(xrf1) =	vsort.ascd.msk.f32 $0xffff, v22, v3;
	v16 =	vmul.f32 $1.442695020e+00, v16;
	(erf) = vpow2.f32 v20;
	v20 =	vor.u32 s20, v0;
	s20 =	sadd.s32 $0x180, s20  }
0x211: {  	s14 =	smov.u32 s19;
	vm1 =	vge.f32 v19, v24;
	v22 =	vld [tilespmem:s17+$0x0];
	(xrf1) =	vsort.dscd.msk.f32 $0xffff, v28, v2;
	v28 =	vpop (erf)  }
0x212: {  	v19 =	vsel vm1, v19, v24;
	v34 =	vld [tilespmem:s17+$0xFFFFFFB0];
	(xrf1) =	vsort.ascd.msk.f32 $0xffff, v29, v1;
	v29, v35, _ =	vpop (xrf1);
	(erf) = vpow2.f32 v16  }
0x213: {  	v36 =	vsel vm1, v23, v32;
	v10 =	vmul.f32 v28, v10;
	v16 =	vld [tilespmem:s17+$0xFFFFFFA0];
	(xrf1) =	vsort.dscd.msk.f32 $0xffff, v25, v0;
	v24, _, _ =	vpop (xrf0);
	(erf) = vrcp.f32 v30  }
0x214: {  	v32 =	vld [tilespmem:s17+$0xFFFFFF90];
	v25, v30, _ =	vpop (xrf1);
	v24 =	vbroadcast v24, $0xF;
	(xrf1) =	vsort.dscd.msk.f32 $0xffff, v19, v36  }
0x215: {  	v19 =	vld [tilespmem:s17+$0xFFFFFF80];
	v23, v28, _ =	vpop (xrf1);
	[tilespmem:v20+s11+$0x0] =	vst.idx.msk $0xff, v10;
	v10 =	vor.u32 s22, v0  }
0x216: {  	v36 =	vld [tilespmem:s17+$0xFFFFFF30];
	vm1 =	vge.f32 v23, v29;
	v37, v38, _ =	vpop (xrf1);
	v24 =	vsub.f32 v27, v24;
	[tilespmem:v20+s12+$0x0] =	vst.idx.msk $0xff, v6;
	v6 =	vmov v26  }
0x217: {  	v27 =	vld [tilespmem:s17+$0xFFFFFF20];
	(xrf1) =	vsort.ascd.msk.f32 $0xffff, v31, v3;
	v20 =	vsel vm1, v23, v29;
	v23 =	vsel vm1, v28, v35;
	v26 =	vpop (erf)  }
0x218: {  	v28 =	vld [tilespmem:s17+$0xFFFFFF10];
	(xrf1) =	vsort.ascd.msk.f32 $0xffff, v34, v3;
	v24 =	vmul.f32 $1.442695020e+00, v24;
	v26 =	vmul.f32 v26, v8;
	v8, _, _ =	vpop (xrf2)  }
0x219: {  	(xrf1) =	vsort.dscd.msk.f32 $0xffff, v16, v2;
	v16 =	vpop (erf);
	v29 =	vbroadcast v8, $0xF  }
0x21a: {  	(xrf1) =	vsort.ascd.msk.f32 $0xffff, v33, v1;
	v31, v33, _ =	vpop (xrf1);
	v8 =	vnsel vm0, $0x0, v16;
	(erf) = vpow2.f32 v24;
	[tilespmem:v10+s11+$0x0] =	vst.idx.msk $0xff, v26  }
0x21b: {  	v24 =	vor.u32 s21, v0;
	v16 =	vpop (erf);
	[tilespmem:v10+s12+$0x0] =	vst.idx.msk $0xff, v5;
	(erf) = vrcp.f32 v29;
	v5 =	vmov v15  }
0x21c: {  	vm1 =	vge.f32 v31, v37;
	(xrf1) =	vsort.dscd.msk.f32 $0xffff, v20, v23;
	v10 =	vnsel vm0, $0x0, v16;
	v15 =	vpop (erf)  }
0x21d: {  	v16 =	vsel vm1, v31, v37;
	v20 =	vsel vm1, v33, v38;
	(xrf1) =	vsort.dscd.msk.f32 $0xffff, v22, v0;
	v22, v23, _ =	vpop (xrf1)  }
0x21e: {  	v9 =	vmul.f32 v15, v9;
	v29 =	vld [tilespmem:s17+$0xFFFFFF00];
	(xrf1) =	vsort.dscd.msk.f32 $0xffff, v21, v2;
	v21, v31, _ =	vpop (xrf1);
	vm1 =	vge.f32 v22, v25  }
0x21f: {  	v15, v33, _ =	vpop (xrf1);
	v26 =	vsel vm1, v22, v25;
	v30 =	vsel vm1, v23, v30;
	(xrf1) =	vsort.dscd.msk.f32 $0xffff, v16, v20  }
0x220: {  	vm1 =	vge.f32 v15, v21;
	(xrf1) =	vsort.dscd.msk.f32 $0xffff, v19, v0;
	v19, v22, _ =	vpop (xrf1);
	[tilespmem:v24+s11+$0x0] =	vst.idx.msk $0xff, v9  }
.Ltmp1:
0x221: {  	v16 =	vor.u32 s20, v0;
	v20 =	vsel vm1, v15, v21;
	(xrf1) =	vsort.ascd.msk.f32 $0xffff, v36, v3;
	v23, v25, _ =	vpop (xrf1);
	[tilespmem:v24+s12+$0x0] =	vst.idx.msk $0xff, v7;
	(pc) =	sbr.rel @p0 .LBB2_4-.Ltmp1, $4  }
0x222: {  	v21 =	vsel vm1, v33, v31;
	v7 =	vmov v17;
	(xrf1) =	vsort.dscd.msk.f32 $0xffff, v27, v2;
	v24, v15, _ =	vpop (xrf1)  }
0x223: {  	v9 =	vpop (erf);
	(xrf0) =	vmax.scan.msk.f32 $0xffff, v24  }
0x224: {  	vm1 =	vge.f32 v23, v19;
	(xrf1) =	vsort.ascd.msk.f32 $0xffff, v32, v1;
	v9 =	vnsel vm0, $0x0, v9;
	v17 =	vpop (erf)  }
0x225: {  	v23 =	vsel vm1, v23, v19;
	(xrf1) =	vsort.dscd.msk.f32 $0xffff, v29, v0;
	v29, v27, _ =	vpop (xrf1);
	v19 =	vmul.f32 v17, v18  }
0x226: {  	(xrf1) =	vsort.ascd.msk.f32 $0xffff, v28, v1;
	_ =	sdelay $0x1  }
0x227: {  	v45, v31, _ =	vpop (xrf1)  }
0x228: {  	v32, v33, _ =	vpop (xrf1)  }
0x229: {  	v34, v35, _ =	vpop (xrf1)  }
0x22a: {  	v37, v17, _ =	vpop (xrf1)  }
0x22b: {  	v38, v39, _ =	vpop (xrf1)  }
0x22c: {  	(xrf1) =	vsort.dscd.msk.f32 $0xffff, v26, v30;
	v26, v30, _ =	vpop (xrf1)  }
0x22d: {  	(xrf1) =	vsort.ascd.msk.f32 $0xffff, v11, v12;
	v40, v18, _ =	vpop (xrf1)  }
0x22e: {  	vm2 =	vge.f32 v32, v45;
	(xrf1) =	vsort.dscd.msk.f32 $0xffff, v13, v14;
	vm3 =	vge.f32 v26, v29;
	v11, v12, _ =	vpop (xrf1)  }
0x22f: {  	v28 =	vsel vm2, v32, v45;
	v27 =	vsel vm3, v30, v27;
	v13, v14, _ =	vpop (xrf1)  }
0x230: {  	v31 =	vsel vm2, v33, v31;
	vm2 =	vge.f32 v38, v34;
	v26 =	vsel vm3, v26, v29;
	v46, v47, _ =	vpop (xrf1)  }
0x231: {  	v34 =	vsel vm2, v38, v34;
	(xrf1) =	vsort.ascd.msk.f32 $0xffff, v26, v27;
	v48, v41, _ =	vpop (xrf1)  }
0x232: {  	v35 =	vsel vm2, v39, v35;
	(xrf1) =	vsort.ascd.msk.f32 $0xffff, v28, v31;
	vm2 =	vge.f32 v46, v13;
	v49, v50, _ =	vpop (xrf1)  }
0x233: {  	(xrf1) =	vsort.dscd.msk.f32 $0xffff, v34, v35;
	v13 =	vsel vm2, v46, v13;
	v26, v27, _ =	vpop (xrf1)  }
0x234: {  	v14 =	vsel vm2, v47, v14;
	vm2 =	vge.f32 v11, v48;
	vm3 =	vge.f32 v49, v26  }
0x235: {  	(xrf1) =	vsort.ascd.msk.f32 $0xffff, v13, v14;
	v26 =	vsel vm3, v49, v26;
	v27 =	vsel vm3, v50, v27  }
0x236: {  	v36, _, _ =	vpop (xrf0);
	v11 =	vsel vm2, v11, v48;
	v12 =	vsel vm2, v12, v41;
	(xrf1) =	vsort.dscd.msk.f32 $0xffff, v26, v27  }
0x237: {  	v36 =	vbroadcast v36, $0xF;
	(xrf1) =	vsort.dscd.msk.f32 $0xffff, v11, v12;
	_ =	sdelay $0x1  }
0x238: {  	v24 =	vsub.f32 v24, v36  }
0x239: {  	v26, v11, _ =	vpop (xrf1)  }
0x23a: {  	v24 =	vmul.f32 $1.442695020e+00, v24;
	v52, v51, _ =	vpop (xrf1)  }
0x23b: {  	(xrf2) =	vadd.scan.msk.f32 $0xffff, v10;
	v53, v54, _ =	vpop (xrf1)  }
0x23c: {  	vm2 =	vge.f32 v53, v52  }
0x23d: {  	v12 =	vsel vm2, v53, v52;
	v13 =	vsel vm2, v54, v51  }
0x23e: {  	(xrf1) =	vsort.dscd.msk.f32 $0xffff, v12, v13  }
0x23f: {  	(erf) = vpow2.f32 v24;
	v58, v24, _ =	vpop (xrf1)  }
0x240: {  	(xrf0) =	vmax.scan.msk.f32 $0xffff, v37;
	v28, v59, _ =	vpop (xrf1)  }
0x241: {  	(xrf2) =	vadd.scan.msk.f32 $0xffff, v8;
	v61, v60, _ =	vpop (xrf1)  }
0x242: {  	(xrf0) =	vmax.scan.msk.f32 $0xffff, v40;
	vm2 =	vge.f32 v61, v58;
	v62, v63, _ =	vpop (xrf1)  }
0x243: {  	v13 =	vsel vm2, v61, v58;
	v34 =	vsel vm2, v60, v24;
	v35, v36, _ =	vpop (xrf1)  }
0x244: {  	(xrf1) =	vsort.dscd.msk.f32 $0xffff, v13, v34;
	vm2 =	vge.f32 v35, v62;
	v38, v39, _ =	vpop (xrf1)  }
0x245: {  	(xrf2) =	vadd.scan.msk.f32 $0xffff, v9;
	v55, _, _ =	vpop (xrf2);
	v41 =	vsel vm2, v35, v62;
	v42 =	vsel vm2, v36, v63;
	vm2 =	vge.f32 v38, v28  }
0x246: {  	v43, _, _ =	vpop (xrf0);
	v27 =	vbroadcast v55, $0xF;
	v12 =	vsel vm2, v38, v28;
	v13 =	vsel vm2, v39, v59;
	(xrf1) =	vsort.dscd.msk.f32 $0xffff, v41, v42  }
0x247: {  	(xrf1) =	vsort.dscd.msk.f32 $0xffff, v12, v13;
	v12 =	vbroadcast v43, $0xF  }
0x248: {  	v44 =	vsel vm1, v25, v22;
	v45, _, _ =	vpop (xrf0);
	(erf) = vrcp.f32 v27;
	(xrf1) =	vsort.ascd.msk.f32 $0xffff, v20, v21  }
0x249: {  	v46 =	vbroadcast v45, $0xF;
	(xrf1) =	vsort.dscd.msk.f32 $0xffff, v23, v44  }
0x24a: {  	(xrf0) =	vmax.scan.msk.f32 $0xffff, v26  }
0x24b: {  	v56, _, _ =	vpop (xrf2);
	v13 =	vsub.f32 v40, v46  }
0x24c: {  	v47 =	vsub.f32 v37, v12;
	v48, v12, _ =	vpop (xrf1)  }
0x24d: {  	v14 =	vbroadcast v56, $0xF;
	v57 =	vpop (erf);
	v13 =	vmul.f32 $1.442695020e+00, v13;
	(xrf0) =	vmax.scan.msk.f32 $0xffff, v48  }
0x24e: {  	v24 =	vnsel vm0, $0x0, v57  }
0x24f: {  	v49, _, _ =	vpop (xrf2);
	(erf) = vrcp.f32 v14;
	(xrf2) =	vadd.scan.msk.f32 $0xffff, v24;
	v14 =	vmul.f32 $1.442695020e+00, v47  }
0x250: {  	v50, _, _ =	vpop (xrf0)  }
0x251: {  	v23 =	vpop (erf);
	(erf) = vpow2.f32 v14  }
0x252: {  	(erf) = vpow2.f32 v13;
	v53, v13, _ =	vpop (xrf1)  }
0x253: {  	v52, _, _ =	vpop (xrf0)  }
0x254: {  	v54 =	vbroadcast v50, $0xF;
	v55, v20, _ =	vpop (xrf1)  }
0x255: {  	v56, v14, _ =	vpop (xrf1)  }
0x256: {  	v26 =	vsub.f32 v26, v54;
	v58, v57, _ =	vpop (xrf1)  }
0x257: {  	v59 =	vbroadcast v52, $0xF;
	v61, v60, _ =	vpop (xrf1)  }
0x258: {  	v22 =	vbroadcast v49, $0xF;
	v26 =	vmul.f32 $1.442695020e+00, v26;
	v25 =	vpop (erf);
	vm1 =	vge.f32 v61, v58  }
0x259: {  	v51, _, _ =	vpop (xrf2);
	v21 =	vsub.f32 v48, v59;
	v37 =	vsel vm1, v61, v58;
	v38 =	vsel vm1, v60, v57  }
0x25a: {  	v27 =	vbroadcast v51, $0xF;
	(erf) = vrcp.f32 v22;
	v62 =	vpop (erf);
	(xrf1) =	vsort.dscd.msk.f32 $0xffff, v37, v38  }
0x25b: {  	(erf) = vpow2.f32 v26;
	v63 =	vpop (erf);
	v21 =	vmul.f32 $1.442695020e+00, v21  }
0x25c: {  	(xrf0) =	vmax.scan.msk.f32 $0xffff, v53;
	(erf) = vrcp.f32 v27;
	v26 =	vnsel vm0, $0x0, v63  }
0x25d: {  	(xrf2) =	vadd.scan.msk.f32 $0xffff, v26;
	(erf) = vpow2.f32 v21;
	_ =	sdelay $0x2  }
0x25e: {  	v21 =	vnsel vm0, $0x0, v62  }
0x25f: {  	(xrf2) =	vadd.scan.msk.f32 $0xffff, v21  }
0x260: {  	v42, _, _ =	vpop (xrf0)  }
0x261: {  	(xrf0) =	vmax.scan.msk.f32 $0xffff, v55;
	v22 =	vpop (erf)  }
0x262: {  	v39 =	vpop (erf)  }
0x263: {  	(xrf0) =	vmax.scan.msk.f32 $0xffff, v56;
	v28 =	vpop (erf);
	v27 =	vnsel vm0, $0x0, v39  }
0x264: {  	(xrf2) =	vadd.scan.msk.f32 $0xffff, v27;
	v41 =	vpop (erf)  }
0x265: {  	v40, _, _ =	vpop (xrf2);
	v33 =	vnsel vm0, $0x0, v41  }
0x266: {  	v34 =	vbroadcast v42, $0xF;
	(xrf2) =	vadd.scan.msk.f32 $0xffff, v33;
	v43, v36, _ =	vpop (xrf1)  }
0x267: {  	v44, _, _ =	vpop (xrf0);
	(xrf0) =	vmax.scan.msk.f32 $0xffff, v43  }
0x268: {  	v29 =	vsub.f32 v53, v34;
	v37 =	vbroadcast v44, $0xF  }
0x269: {  	v30 =	vbroadcast v40, $0xF;
	v45, _, _ =	vpop (xrf2)  }
0x26a: {  	v29 =	vmul.f32 $1.442695020e+00, v29;
	v47, _, _ =	vpop (xrf0);
	v46 =	vsub.f32 v55, v37;
	v38 =	vbroadcast v45, $0xF  }
0x26b: {  	v31 =	vbroadcast v47, $0xF;
	(erf) = vrcp.f32 v30  }
0x26c: {  	v30 =	vmul.f32 $1.442695020e+00, v46;
	(erf) = vrcp.f32 v38  }
0x26d: {  	(erf) = vpow2.f32 v29;
	v48, _, _ =	vpop (xrf0)  }
0x26e: {  	v50 =	vsub.f32 v56, v31;
	v49, _, _ =	vpop (xrf2);
	(erf) = vpow2.f32 v30;
	v29 =	vbroadcast v48, $0xF  }
0x26f: {  	v51 =	vbroadcast v49, $0xF  }
0x270: {  	v30 =	vmul.f32 $1.442695020e+00, v50;
	v52, _, _ =	vpop (xrf2);
	v29 =	vsub.f32 v43, v29  }
0x271: {  	(erf) = vrcp.f32 v51;
	v53 =	vbroadcast v52, $0xF  }
0x272: {  	(erf) = vpow2.f32 v30;
	v29 =	vmul.f32 $1.442695020e+00, v29  }
0x273: {  	(erf) = vrcp.f32 v53  }
0x274: {  	v54 =	vpop (erf);
	(erf) = vpow2.f32 v29  }
0x275: {  	v55 =	vpop (erf)  }
0x276: {  	v56 =	vpop (erf)  }
0x277: {  	v57 =	vpop (erf)  }
0x278: {  	v32 =	vnsel vm0, $0x0, v57  }
0x279: {  	v31 =	vnsel vm0, $0x0, v56;
	(xrf2) =	vadd.scan.msk.f32 $0xffff, v32  }
0x27a: {  	v58 =	vpop (erf);
	(xrf2) =	vadd.scan.msk.f32 $0xffff, v31  }
0x27b: {  	s16 =	sshll.u32 s16, $0x7;
	v59 =	vpop (erf)  }
0x27c: {  	s17 =	sadd.s32 $0x100, s16;
	v35 =	vnsel vm0, $0x0, v59;
	v60 =	vpop (erf)  }
0x27d: {  	v63 =	vor.u32 s17, v0;
	(xrf2) =	vadd.scan.msk.f32 $0xffff, v35;
	v62 =	vpop (erf)  }
0x27e: {  	[tilespmem:v16+s11+$0x0] =	vst.idx.msk $0xff, v19;
	s26 =	sadd.s32 $0x80, s16;
	v39 =	vnsel vm0, $0x0, v62  }
0x27f: {  	[tilespmem:v16+s12+$0x0] =	vst.idx.msk $0xff, v4;
	v4 =	vor.u32 s26, v0;
	(xrf2) =	vadd.scan.msk.f32 $0xffff, v39  }
0x280: {  	v61 =	vor.u32 s16, v0;
	s16 =	sadd.s32 $0x180, s16;
	v44 =	vmul.f32 v25, v8  }
0x281: {  	v46 =	vor.u32 s16, v0  }
0x282: {  	s15 =	sshll.u32 s15, $0x7;
	v47 =	vmul.f32 v22, v9;
	[tilespmem:v63+s11+$0x0] =	vst.idx.msk $0xff, v44  }
0x283: {  	[tilespmem:v63+s12+$0x0] =	vst.idx.msk $0xff, v5;
	v49 =	vor.u32 s15, v0;
	v45, _, _ =	vpop (xrf2)  }
0x284: {  	v5 =	vmul.f32 v28, v24;
	[tilespmem:v4+s11+$0x0] =	vst.idx.msk $0xff, v47;
	v48 =	vbroadcast v45, $0xF;
	v50, _, _ =	vpop (xrf2)  }
0x285: {  	[tilespmem:v4+s12+$0x0] =	vst.idx.msk $0xff, v7;
	v51 =	vbroadcast v50, $0xF  }
0x286: {  	s28 =	sadd.s32 $0x100, s15;
	[tilespmem:v46+s11+$0x0] =	vst.idx.msk $0xff, v5;
	v4 =	vmul.f32 v54, v26;
	(erf) = vrcp.f32 v48  }
0x287: {  	[tilespmem:v46+s12+$0x0] =	vst.idx.msk $0xff, v15;
	v52 =	vor.u32 s28, v0;
	v53, _, _ =	vpop (xrf2);
	(erf) = vrcp.f32 v51  }
0x288: {  	s29 =	sadd.s32 $0x80, s15;
	v43 =	vmul.f32 v23, v10;
	[tilespmem:v49+s11+$0x0] =	vst.idx.msk $0xff, v4;
	v5 =	vbroadcast v53, $0xF  }
0x289: {  	s15 =	sadd.s32 $0x180, s15;
	v54 =	vmul.f32 v55, v21;
	v55 =	vor.u32 s29, v0;
	[tilespmem:v49+s12+$0x0] =	vst.idx.msk $0xff, v18;
	v56, _, _ =	vpop (xrf2)  }
0x28a: {  	[tilespmem:v61+s11+$0x0] =	vst.idx.msk $0xff, v43;
	(erf) = vrcp.f32 v5;
	v5 =	vor.u32 s15, v0;
	v4 =	vbroadcast v56, $0xF  }
0x28b: {  	[tilespmem:v61+s12+$0x0] =	vst.idx.msk $0xff, v6  }
0x28c: {  	s14 =	sshll.u32 s14, $0x7;
	[tilespmem:v52+s11+$0x0] =	vst.idx.msk $0xff, v54;
	v57 =	vmul.f32 v58, v27;
	(erf) = vrcp.f32 v4  }
0x28d: {  	[tilespmem:v52+s12+$0x0] =	vst.idx.msk $0xff, v17;
	v58 =	vmul.f32 v60, v33;
	v4 =	vor.u32 s14, v0  }
0x28e: {  	s30 =	sadd.s32 $0x100, s14;
	[tilespmem:v55+s11+$0x0] =	vst.idx.msk $0xff, v57  }
0x28f: {  	v60 =	vor.u32 s30, v0;
	[tilespmem:v5+s11+$0x0] =	vst.idx.msk $0xff, v58;
	v59 =	vpop (erf)  }
0x290: {  	s31 =	sadd.s32 $0x80, s14;
	[tilespmem:v5+s12+$0x0] =	vst.idx.msk $0xff, v12;
	v61 =	vmul.f32 v59, v32;
	v5 =	vpop (erf)  }
0x291: {  	[tilespmem:v55+s12+$0x0] =	vst.idx.msk $0xff, v11;
	v62 =	vor.u32 s31, v0;
	v5 =	vmul.f32 v5, v31  }
0x292: {  	s14 =	sadd.s32 $0x180, s14;
	[tilespmem:v4+s11+$0x0] =	vst.idx.msk $0xff, v61  }
0x293: {  	v63 =	vor.u32 s14, v0;
	[tilespmem:v4+s12+$0x0] =	vst.idx.msk $0xff, v20;
	v4 =	vpop (erf)  }
0x294: {  	[tilespmem:v60+s11+$0x0] =	vst.idx.msk $0xff, v5;
	v4 =	vmul.f32 v4, v35  }
0x295: {  	[tilespmem:v60+s12+$0x0] =	vst.idx.msk $0xff, v13;
	v5 =	vpop (erf)  }
0x296: {  	[tilespmem:v62+s11+$0x0] =	vst.idx.msk $0xff, v4;
	v4 =	vmul.f32 v5, v39  }
0x297: {  	[tilespmem:v62+s12+$0x0] =	vst.idx.msk $0xff, v14  }
0x298: {  	[tilespmem:v63+s11+$0x0] =	vst.idx.msk $0xff, v4  }
0x299: {  	[tilespmem:v63+s12+$0x0] =	vst.idx.msk $0xff, v36  }
0x29a: {  	[hbm4b:s7+s1] =	stream.linear.scatter [tilespmem:s11], [sflag:$0x1], $0x8000, $0x38;
	[tilespmem:$0x18000] =	vst v63  }
0x29b: {  	s13 =	sadd.s32 $0x1, s13;
	_ =	swait.ge [sflag:s10], $0x8000  }
0x29c: {  	p0 =	sne.s32 s13, s9;
	[sflag:s10] =	ssyncset.done $0x0  }
.Ltmp2:
0x29d: {  	[sflag:s10] =	ssyncadd.s32 $0xFFFF8000;
	(pc) =	sbr.rel @p0 .LBB2_1-.Ltmp2, $4  }
0x29e: {  	[hbm4b:s8+s1] =	stream.linear.scatter [tilespmem:s12], [sflag:$0x1], $0x8000, $0x38;
	[tilespmem:$0x18000] =	vst v63  }
0x29f: {  	_ =	swait.ge [sflag:s10], $0x8000  }
0x2a0: {  	[sflag:s10] =	ssyncset.done $0x0  }
0x2a1: {  	[sflag:s10] =	ssyncadd.s32 $0xFFFF8000  }
0x2a2: {  	_ =	sfence.sel $0x180000  }
0x2a3: {  	[bflag:$0x0] =	sbarrier.arrive $0xFFFF  }
0x2a4: {  	p0 =	sne.s32 s2, $0x0;
	_ =	strace $0x9000004A  }
0x2a5: {  	s0 =	sadd.s32 @!p0 $0x100000, s0;
	[bflag:$0x2] =	sbarrier.arrive $0xFFFF  }
0x2a6: {  	[sflag:s0] =	ssyncadd.tile.s32 @!p0 $0x1;
	_ =	shalt  }
.Lfunc_end2:
_tile_overlayer_lowered:
.L_overlay_start_2:
0x2a7: {  	(tag) =	ssettag $0x2  }
0x2a8: {  	s0 =	rddreg [dreg:$0x0];
	s2 =	stileid.u32  }
0x2a9: {  	s1 =	rddreg [dreg:$0x1];
	p0 =	sne.s32 s2, $0x0  }
0x2aa: {  	s3 =	rddreg [dreg:$0x2];
	[bflag:$0x3] =	sbarrier.arrive $0xFFFF;
	s2 =	simm.s32 @!p0 $0x1C01  }
0x2ab: {  	[timem:s3], [sflag:s2] =	dma.local @!p0 [hbm:s0], s1  }
0x2ac: {  	s0 =	simm.s32 @!p0 $0x1  }
0x2ad: {  	_ =	swait.ge @!p0 [sflag:s0], s1  }
0x2ae: {  	s1 =	ssub.s32 @!p0 $0x0, s1;
	[sflag:s0] =	ssyncset.done @!p0 $0x0  }
0x2af: {  	[sflag:s0] =	ssyncadd.s32 @!p0 s1  }
0x2b0: {  	[bflag:$0x3] =	sbarrier.arrive $0xFFFF  }
0x2b1: {  	_ =	shalt  }

</sc_bundles>
